<compile_context>
chip_gen: v7x
topology: tpu7x:2x2x1
jax: 0.10.2.dev20260603
libtpu: 0.0.44.dev20260713+nightly
codegen_flags: <defaults>
</compile_context>

<pallas_src>
import dataclasses
import functools

import jax
import jax.numpy as jnp
from jax import lax
from jax.experimental import pallas as pl
from jax.experimental.pallas import tpu as pltpu
from jax.experimental.pallas import tpu_sc as plsc

N_CORES = 2
N_SUBCORES = 16
N_WORKERS = N_CORES * N_SUBCORES
CH = 128
NPAD = 10240


def _sc_spmm(x, src, dst, vals, n_nodes, split16):
    e_pad = src.shape[0]
    d = x.shape[1]
    blk = 10
    cpt_pair = e_pad // (N_SUBCORES * CH)
    cpt0 = split16 * cpt_pair // 16
    cpt1 = cpt_pair - cpt0
    assert e_pad == N_SUBCORES * CH * cpt_pair
    assert cpt0 % blk == 0 and cpt1 % blk == 0 and cpt0 % 2 == 0 and cpt1 % 2 == 0
    rows_per_tile = n_nodes // N_SUBCORES
    assert n_nodes == N_SUBCORES * rows_per_tile
    mesh = plsc.VectorSubcoreMesh(core_axis_name="c", subcore_axis_name="s")
    cp = pltpu.CompilerParams()
    if "needs_layout_passes" in pltpu.CompilerParams.__dataclass_fields__:
        cp = dataclasses.replace(cp, needs_layout_passes=False)
    if "use_tc_tiling_on_sc" in pltpu.CompilerParams.__dataclass_fields__:
        cp = dataclasses.replace(cp, use_tc_tiling_on_sc=False)

    @functools.partial(
        pl.kernel,
        compiler_params=cp,
        out_type=jax.ShapeDtypeStruct((N_CORES, n_nodes, d), jnp.float32),
        mesh=mesh,
        name=f"sc_spmm_d{d}",
        scratch_types=[
            pltpu.VMEM((blk * CH,), jnp.int32),
            pltpu.VMEM((blk * CH,), jnp.int32),
            pltpu.VMEM((blk * CH,), jnp.float32),
            pltpu.VMEM((CH,), jnp.int32),
            pltpu.VMEM((CH,), jnp.int32),
            pltpu.VMEM((CH, d), jnp.float32),
            pltpu.VMEM((CH, d), jnp.float32),
            pltpu.VMEM_SHARED((n_nodes, d), jnp.float32),
            pltpu.SemaphoreType.DMA,
            pltpu.SemaphoreType.DMA,
            pltpu.SemaphoreType.DMA,
            pltpu.SemaphoreType.DMA,
        ],
    )
    def spmm_kernel(x_hbm, src_hbm, dst_hbm, vals_hbm, out_hbm,
                    srcv, dstv, valsv, dchunk0, dchunk1, rows0, rows1, acc,
                    gsem0, gsem1, ssem0, ssem1):
        c = lax.axis_index("c")
        s = lax.axis_index("s")
        zv = jnp.zeros((16,), jnp.float32)

        @pl.loop(0, CH)
        def _zrow(r):
            for t in range(d // 16):
                rows0[r, pl.ds(t * 16, 16)] = zv

        @pl.loop(0, rows_per_tile // CH)
        def _zacc(i):
            pltpu.sync_copy(
                rows0, acc.at[pl.ds(s * rows_per_tile + i * CH, CH)])

        plsc.subcore_barrier()
        cpt = jnp.where(c == 0, cpt0, cpt1)
        tile_chunk0 = jnp.where(c == 0, s * cpt0,
                                N_SUBCORES * cpt0 + s * cpt1)

        def refill(k):
            e0 = (tile_chunk0 + k * blk) * CH
            pltpu.sync_copy(src_hbm.at[pl.ds(e0, blk * CH)], srcv)
            pltpu.sync_copy(dst_hbm.at[pl.ds(e0, blk * CH)], dstv)
            pltpu.sync_copy(vals_hbm.at[pl.ds(e0, blk * CH)], valsv)

        dchunk = (dchunk0, dchunk1)
        rows = (rows0, rows1)
        gsem = (gsem0, gsem1)
        ssem = (ssem0, ssem1)

        def gather_start(g, b):
            lg = lax.rem(g, blk) * CH
            pltpu.async_copy(x_hbm.at[srcv.at[pl.ds(lg, CH)]],
                             rows[b], gsem[b])

        def gather_wait(b):
            pltpu.make_async_copy(x_hbm.at[srcv.at[pl.ds(0, CH)]],
                                  rows[b], gsem[b]).wait()

        def scatter_start(g, b):
            lg = lax.rem(g, blk) * CH
            for t in range(CH // 16):
                dchunk[b][pl.ds(t * 16, 16)] = dstv[pl.ds(lg + t * 16, 16)]
            pltpu.async_copy(rows[b], acc.at[dchunk[b]], ssem[b], add=True)

        def scatter_wait(b):
            pltpu.make_async_copy(rows[b], acc.at[dchunk[b]], ssem[b]).wait()

        def scale(g, b):
            lg = lax.rem(g, blk) * CH

            @pl.loop(0, CH)
            def _edge(e):
                vv = plsc.load_gather(valsv,
                                      [jnp.full((16,), lg + e, jnp.int32)])
                r = rows[b]
                for t in range(d // 16):
                    sl = pl.ds(t * 16, 16)
                    r[e, sl] = r[e, sl] * vv

        refill(jnp.int32(0))
        gather_start(0, 0)
        gather_start(1, 1)

        @pl.loop(0, cpt, step=2)
        def _pair(g):
            gather_wait(0)
            scale(g, 0)
            scatter_start(g, 0)
            gather_wait(1)
            scale(g + 1, 1)
            scatter_start(g + 1, 1)
            scatter_wait(0)
            scatter_wait(1)

            @pl.when(g + 2 < cpt)
            def _():
                @pl.when(lax.rem(g + 2, blk) == 0)
                def _():
                    refill((g + 2) // blk)

                gather_start(g + 2, 0)
                gather_start(g + 3, 1)

        plsc.subcore_barrier()
        pltpu.sync_copy(acc.at[pl.ds(s * rows_per_tile, rows_per_tile)],
                        out_hbm.at[c, pl.ds(s * rows_per_tile, rows_per_tile)])

    return spmm_kernel(x, src, dst, vals)


def _tc_matmul(x, w):
    n, k = x.shape
    m = w.shape[1]
    blk = 1024

    def body(x_ref, w_ref, o_ref):
        o_ref[...] = lax.dot_general(
            x_ref[...], w_ref[...], (((1,), (0,)), ((), ())),
            precision=lax.Precision.HIGHEST,
            preferred_element_type=jnp.float32)

    return pl.pallas_call(
        body,
        grid=(n // blk,),
        in_specs=[pl.BlockSpec((blk, k), lambda i: (i, 0)),
                  pl.BlockSpec((k, m), lambda i: (0, 0))],
        out_specs=pl.BlockSpec((blk, m), lambda i: (i, 0)),
        out_shape=jax.ShapeDtypeStruct((n, m), jnp.float32),
    )(x, w)


def _tc_add_relu_matmul(p, w):
    _, n, k = p.shape
    m = w.shape[1]
    blk = 1024

    def body(p_ref, w_ref, o_ref):
        h = jnp.maximum(p_ref[0] + p_ref[1], 0.0)
        o_ref[...] = lax.dot_general(
            h, w_ref[...], (((1,), (0,)), ((), ())),
            precision=lax.Precision.HIGHEST,
            preferred_element_type=jnp.float32)

    return pl.pallas_call(
        body,
        grid=(n // blk,),
        in_specs=[pl.BlockSpec((2, blk, k), lambda i: (0, i, 0)),
                  pl.BlockSpec((k, m), lambda i: (0, 0))],
        out_specs=pl.BlockSpec((blk, m), lambda i: (i, 0)),
        out_shape=jax.ShapeDtypeStruct((n, m), jnp.float32),
    )(p, w)


def _tc_add_softmax(q):
    _, n, m = q.shape
    blk = 1024

    def body(q_ref, o_ref):
        logits = q_ref[0] + q_ref[1]
        z = logits - jnp.max(logits, axis=1, keepdims=True)
        e = jnp.exp(z)
        o_ref[...] = e / jnp.sum(e, axis=1, keepdims=True)

    return pl.pallas_call(
        body,
        grid=(n // blk,),
        in_specs=[pl.BlockSpec((2, blk, m), lambda i: (0, i, 0))],
        out_specs=pl.BlockSpec((blk, m), lambda i: (i, 0)),
        out_shape=jax.ShapeDtypeStruct((n, m), jnp.float32),
    )(q)


def kernel(embeddings, edge_index, adj_vals, W1, W2):
    n = embeddings.shape[0]
    e = adj_vals.shape[0]
    src = edge_index[0].astype(jnp.int32)
    dst = edge_index[1].astype(jnp.int32)
    vals = adj_vals.astype(jnp.float32)
    unit = N_WORKERS * CH * 2
    e_pad = ((e + unit - 1) // unit) * unit
    if e_pad != e:
        pad = e_pad - e
        src = jnp.concatenate([src, jnp.zeros((pad,), jnp.int32)])
        dst = jnp.concatenate([dst, jnp.zeros((pad,), jnp.int32)])
        vals = jnp.concatenate([vals, jnp.zeros((pad,), jnp.float32)])

    x_pad = jnp.pad(embeddings, ((0, NPAD - n), (0, 0)))
    y1 = _tc_matmul(x_pad, W1)
    p = _sc_spmm(y1, src, dst, vals, NPAD, 14)
    y2 = _tc_add_relu_matmul(p, W2)
    q = _sc_spmm(y2, src, dst, vals, NPAD, 13)
    return _tc_add_softmax(q)[:n]

# --- scband reference (transcript-rebuilt; emitter-appended) ---
"""Pipeline reference for scband-gcn-4020089389121 (READ-ONLY COPY).

The authoritative reference and input builder live on the scoring server;
editing this copy changes nothing except your own understanding.
"""

import jax, jax.numpy as jnp
import numpy as np

N_NODES = 10000
N_EDGES = 320000
EMBSIZE = 128
HIDSIZE = 128
NCLASS = 64


def setup_inputs(seed: int = 0) -> dict:
    key = jax.random.key(seed)
    k1, k2, k3, k4, k5 = jax.random.split(key, 5)
    embeddings = jax.random.normal(k1, (N_NODES, EMBSIZE), dtype=jnp.float32)
    edge_index = jax.random.randint(k2, (2, N_EDGES), 0, N_NODES, dtype=jnp.int64)
    adj_vals = jax.random.uniform(k3, (N_EDGES,), dtype=jnp.float32)
    # learned parameters (original init is zeros; use randn*0.02 for a meaningful reference)
    W1 = jax.random.normal(k4, (EMBSIZE, HIDSIZE), dtype=jnp.float32) * 0.02
    W2 = jax.random.normal(k5, (HIDSIZE, NCLASS), dtype=jnp.float32) * 0.02
    return {"embeddings": embeddings, "edge_index": edge_index, "adj_vals": adj_vals, "W1": W1, "W2": W2}


def _spmm(edge_index, adj_vals, x, n_nodes):
    # sparse adjacency (COO) times dense matrix: torch.sparse.mm(adj, x)
    src = edge_index[0]
    dst = edge_index[1]
    msgs = x[src] * adj_vals[:, None]
    return jax.ops.segment_sum(msgs, dst, num_segments=n_nodes)


def reference(embeddings, edge_index, adj_vals, W1, W2):
    n = embeddings.shape[0]
    # layer1: ReLU(adj @ x @ W1)
    h = _spmm(edge_index, adj_vals, embeddings, n) @ W1
    h = jax.nn.relu(h)
    # layer2: adj @ h @ W2 (no nonlinearity)
    out = _spmm(edge_index, adj_vals, h, n) @ W2
    out = jax.nn.softmax(out, axis=1)
    return out

if __name__ == "__main__":
    import jax
    _d = setup_inputs()
    print(jax.jit(kernel)(*tuple(_d.values())))

</pallas_src>

<mosaic_0001>
#map = affine_map<(d0, d1) -> (0, 0)>
#map1 = affine_map<(d0, d1) -> (0)>
#map2 = affine_map<(d0, d1) -> (0, 0, 0)>
module attributes {stable_mosaic.version = 14 : i64} {
  func.func @sc_spmm_d128(%arg0: i32, %arg1: i32, %arg2: memref<10240x128xf32, #tpu.memory_space<hbm>>, %arg3: memref<327680xi32, #tpu.memory_space<hbm>>, %arg4: memref<327680xi32, #tpu.memory_space<hbm>>, %arg5: memref<327680xf32, #tpu.memory_space<hbm>>, %arg6: memref<2x10240x128xf32, #tpu.memory_space<hbm>>, %arg7: memref<1280xi32, #tpu.memory_space<vmem>>, %arg8: memref<1280xi32, #tpu.memory_space<vmem>>, %arg9: memref<1280xf32, #tpu.memory_space<vmem>>, %arg10: memref<128xi32, #tpu.memory_space<vmem>>, %arg11: memref<128xi32, #tpu.memory_space<vmem>>, %arg12: memref<128x128xf32, #tpu.memory_space<vmem>>, %arg13: memref<128x128xf32, #tpu.memory_space<vmem>>, %arg14: memref<10240x128xf32, #tpu.memory_space<vmem_shared>>, %arg15: memref<!tpu.dma_semaphore, #tpu.memory_space<semaphore_mem>>, %arg16: memref<!tpu.dma_semaphore, #tpu.memory_space<semaphore_mem>>, %arg17: memref<!tpu.dma_semaphore, #tpu.memory_space<semaphore_mem>>, %arg18: memref<!tpu.dma_semaphore, #tpu.memory_space<semaphore_mem>>) attributes {dimension_semantics = [#tpu.dimension_semantics<core_parallel>, #tpu.dimension_semantics<subcore_parallel>], iteration_bounds = array<i64: 2, 16>, scalar_prefetch = 0 : i64, scratch_operands = 12 : i64, tpu.core_type = #tpu.core_type<sc_vector_subcore>, window_params = [{transform_indices = #map}, {transform_indices = #map1}, {transform_indices = #map1}, {transform_indices = #map1}, {transform_indices = #map2}]} {
    %broadcast_in_dim3A = arith.constant 0.000000e+00 : f32
    %broadcast_in_dim3A_0 = vector.broadcast %broadcast_in_dim3A : f32 to vector<16xf32>
    %scan3A = arith.constant 0 : i32
    %scan3A_1 = arith.constant 128 : i32
    %scan3A_2 = arith.addi %scan3A, %scan3A_1 : i32
    %scan3A_3 = arith.constant 1 : i32
    scf.for %scan3A_62 = %scan3A to %scan3A_2 step %scan3A_3  : i32 {
      %mul3A_63 = arith.constant 1 : i32
      %mul3A_64 = arith.muli %scan3A_62, %mul3A_63 : i32
      %add3A_65 = arith.constant 0 : i32
      %add3A_66 = arith.addi %add3A_65, %mul3A_64 : i32
      %swap3A = arith.index_cast %add3A_66 : i32 to index
      %swap3A_67 = arith.constant 0 : index
      %swap3A_68 = tpu.vector_load %arg12[%swap3A, %swap3A_67] {strides = array<i32>} : memref<128x128xf32, #tpu.memory_space<vmem>>, vector<16xf32>,
      tpu.vector_store %arg12[%swap3A, %swap3A_67], %broadcast_in_dim3A_0 {strides = array<i32>} : memref<128x128xf32, #tpu.memory_space<vmem>>, vector<16xf32>,
      %swap3A_69 = arith.index_cast %add3A_66 : i32 to index
      %swap3A_70 = arith.constant 16 : index
      %swap3A_71 = tpu.vector_load %arg12[%swap3A_69, %swap3A_70] {strides = array<i32>} : memref<128x128xf32, #tpu.memory_space<vmem>>, vector<16xf32>,
      tpu.vector_store %arg12[%swap3A_69, %swap3A_70], %broadcast_in_dim3A_0 {strides = array<i32>} : memref<128x128xf32, #tpu.memory_space<vmem>>, vector<16xf32>,
      %swap3A_72 = arith.index_cast %add3A_66 : i32 to index
      %swap3A_73 = arith.constant 32 : index
      %swap3A_74 = tpu.vector_load %arg12[%swap3A_72, %swap3A_73] {strides = array<i32>} : memref<128x128xf32, #tpu.memory_space<vmem>>, vector<16xf32>,
      tpu.vector_store %arg12[%swap3A_72, %swap3A_73], %broadcast_in_dim3A_0 {strides = array<i32>} : memref<128x128xf32, #tpu.memory_space<vmem>>, vector<16xf32>,
      %swap3A_75 = arith.index_cast %add3A_66 : i32 to index
      %swap3A_76 = arith.constant 48 : index
      %swap3A_77 = tpu.vector_load %arg12[%swap3A_75, %swap3A_76] {strides = array<i32>} : memref<128x128xf32, #tpu.memory_space<vmem>>, vector<16xf32>,
      tpu.vector_store %arg12[%swap3A_75, %swap3A_76], %broadcast_in_dim3A_0 {strides = array<i32>} : memref<128x128xf32, #tpu.memory_space<vmem>>, vector<16xf32>,
      %swap3A_78 = arith.index_cast %add3A_66 : i32 to index
      %swap3A_79 = arith.constant 64 : index
      %swap3A_80 = tpu.vector_load %arg12[%swap3A_78, %swap3A_79] {strides = array<i32>} : memref<128x128xf32, #tpu.memory_space<vmem>>, vector<16xf32>,
      tpu.vector_store %arg12[%swap3A_78, %swap3A_79], %broadcast_in_dim3A_0 {strides = array<i32>} : memref<128x128xf32, #tpu.memory_space<vmem>>, vector<16xf32>,
      %swap3A_81 = arith.index_cast %add3A_66 : i32 to index
      %swap3A_82 = arith.constant 80 : index
      %swap3A_83 = tpu.vector_load %arg12[%swap3A_81, %swap3A_82] {strides = array<i32>} : memref<128x128xf32, #tpu.memory_space<vmem>>, vector<16xf32>,
      tpu.vector_store %arg12[%swap3A_81, %swap3A_82], %broadcast_in_dim3A_0 {strides = array<i32>} : memref<128x128xf32, #tpu.memory_space<vmem>>, vector<16xf32>,
      %swap3A_84 = arith.index_cast %add3A_66 : i32 to index
      %swap3A_85 = arith.constant 96 : index
      %swap3A_86 = tpu.vector_load %arg12[%swap3A_84, %swap3A_85] {strides = array<i32>} : memref<128x128xf32, #tpu.memory_space<vmem>>, vector<16xf32>,
      tpu.vector_store %arg12[%swap3A_84, %swap3A_85], %broadcast_in_dim3A_0 {strides = array<i32>} : memref<128x128xf32, #tpu.memory_space<vmem>>, vector<16xf32>,
      %swap3A_87 = arith.index_cast %add3A_66 : i32 to index
      %swap3A_88 = arith.constant 112 : index
      %swap3A_89 = tpu.vector_load %arg12[%swap3A_87, %swap3A_88] {strides = array<i32>} : memref<128x128xf32, #tpu.memory_space<vmem>>, vector<16xf32>,
      tpu.vector_store %arg12[%swap3A_87, %swap3A_88], %broadcast_in_dim3A_0 {strides = array<i32>} : memref<128x128xf32, #tpu.memory_space<vmem>>, vector<16xf32>,
    }
    %scan3A_4 = arith.constant 128 : i32
    %scan3A_5 = arith.constant 0 : i32
    %scan3A_6 = arith.constant 5 : i32
    %scan3A_7 = arith.addi %scan3A_5, %scan3A_6 : i32
    %scan3A_8 = arith.constant 1 : i32
    scf.for %scan3A_62 = %scan3A_5 to %scan3A_7 step %scan3A_8  : i32 {
      %mul3A_63 = arith.constant 1 : i32
      %mul3A_64 = arith.muli %scan3A_62, %mul3A_63 : i32
      %add3A_65 = arith.constant 0 : i32
      %add3A_66 = arith.addi %add3A_65, %mul3A_64 : i32
      %mul3A_67 = arith.constant 640 : i32
      %mul3A_68 = arith.muli %arg1, %mul3A_67 : i32
      %mul3A_69 = arith.constant 128 : i32
      %mul3A_70 = arith.muli %add3A_66, %mul3A_69 : i32
      %add3A_71 = arith.addi %mul3A_68, %mul3A_70 : i32
      "tpu.region"() ({
        %run_scoped3A = tpu.sem_alloc : memref<!tpu.dma_semaphore, #tpu.memory_space<semaphore_mem>>
        %dma_start3A_72 = arith.constant 0 : i32
        %dma_start3A_73 = tpu.memref_slice %arg14[%add3A_71, %dma_start3A_72] : memref<10240x128xf32, #tpu.memory_space<vmem_shared>> -> memref<128x128xf32, #tpu.memory_space<vmem_shared>>
        %dma_start3A_74 = arith.constant 0 : i32
        %dma_start3A_75 = tpu.memref_slice %arg14[%add3A_71, %dma_start3A_74] : memref<10240x128xf32, #tpu.memory_space<vmem_shared>> -> memref<128x128xf32, #tpu.memory_space<vmem_shared>>
        tpu.enqueue_dma source(%arg12 : memref<128x128xf32, #tpu.memory_space<vmem>>) target(%dma_start3A_75 : memref<128x128xf32, #tpu.memory_space<vmem_shared>>) target_semaphore(%run_scoped3A : memref<!tpu.dma_semaphore, #tpu.memory_space<semaphore_mem>>)
        %dma_wait3A = arith.constant 0 : i32
        %dma_wait3A_76 = tpu.memref_slice %arg14[%add3A_71, %dma_wait3A] : memref<10240x128xf32, #tpu.memory_space<vmem_shared>> -> memref<128x128xf32, #tpu.memory_space<vmem_shared>>
        %dma_wait3A_77 = arith.constant 0 : i32
        %dma_wait3A_78 = tpu.memref_slice %arg14[%add3A_71, %dma_wait3A_77] : memref<10240x128xf32, #tpu.memory_space<vmem_shared>> -> memref<128x128xf32, #tpu.memory_space<vmem_shared>>
        tpu.wait_dma2 semaphore(%run_scoped3A : memref<!tpu.dma_semaphore, #tpu.memory_space<semaphore_mem>>) src(%arg12 : memref<128x128xf32, #tpu.memory_space<vmem>>) dst(%dma_wait3A_78 : memref<128x128xf32, #tpu.memory_space<vmem_shared>>)
        tpu.yield
      }) : () -> ()
    }
    %scan3A_9 = arith.constant 5 : i32
    %barrier3A = arith.constant 0 : index
    tpu.barrier barrier_id(%barrier3A)
    %eq3A = arith.constant 0 : i32
    %eq3A_10 = arith.cmpi eq, %arg0, %eq3A : i32
    %jit3A = arith.constant 140 : i32
    %jit3A_11 = arith.constant 20 : i32
    %select_n3A = arith.select %eq3A_10, %jit3A, %jit3A_11 : i32
    %eq3A_12 = arith.constant 0 : i32
    %eq3A_13 = arith.cmpi eq, %arg0, %eq3A_12 : i32
    %mul3A = arith.constant 140 : i32
    %mul3A_14 = arith.muli %arg1, %mul3A : i32
    %mul3A_15 = arith.constant 20 : i32
    %mul3A_16 = arith.muli %arg1, %mul3A_15 : i32
    %add3A = arith.constant 2240 : i32
    %add3A_17 = arith.addi %add3A, %mul3A_16 : i32
    %select_n3A_18 = arith.select %eq3A_13, %mul3A_14, %add3A_17 : i32
    %mul3A_19 = arith.constant 0 : i32
    %mul3A_20 = arith.constant 10 : i32
    %mul3A_21 = arith.muli %mul3A_19, %mul3A_20 : i32
    %add3A_22 = arith.addi %select_n3A_18, %mul3A_21 : i32
    %mul3A_23 = arith.constant 128 : i32
    %mul3A_24 = arith.muli %add3A_22, %mul3A_23 : i32
    "tpu.region"() ({
      %run_scoped3A = tpu.sem_alloc : memref<!tpu.dma_semaphore, #tpu.memory_space<semaphore_mem>>
      %dma_start3A_62 = tpu.memref_slice %arg3[%mul3A_24] : memref<327680xi32, #tpu.memory_space<hbm>> -> memref<1280xi32, #tpu.memory_space<hbm>>
      %dma_start3A_63 = tpu.memref_slice %arg3[%mul3A_24] : memref<327680xi32, #tpu.memory_space<hbm>> -> memref<1280xi32, #tpu.memory_space<hbm>>
      tpu.enqueue_dma source(%dma_start3A_63 : memref<1280xi32, #tpu.memory_space<hbm>>) target(%arg7 : memref<1280xi32, #tpu.memory_space<vmem>>) target_semaphore(%run_scoped3A : memref<!tpu.dma_semaphore, #tpu.memory_space<semaphore_mem>>)
      %dma_wait3A = tpu.memref_slice %arg3[%mul3A_24] : memref<327680xi32, #tpu.memory_space<hbm>> -> memref<1280xi32, #tpu.memory_space<hbm>>
      %dma_wait3A_64 = tpu.memref_slice %arg3[%mul3A_24] : memref<327680xi32, #tpu.memory_space<hbm>> -> memref<1280xi32, #tpu.memory_space<hbm>>
      tpu.wait_dma2 semaphore(%run_scoped3A : memref<!tpu.dma_semaphore, #tpu.memory_space<semaphore_mem>>) src(%dma_wait3A_64 : memref<1280xi32, #tpu.memory_space<hbm>>) dst(%arg7 : memref<1280xi32, #tpu.memory_space<vmem>>)
      tpu.yield
    }) : () -> ()
    "tpu.region"() ({
      %run_scoped3A = tpu.sem_alloc : memref<!tpu.dma_semaphore, #tpu.memory_space<semaphore_mem>>
      %dma_start3A_62 = tpu.memref_slice %arg4[%mul3A_24] : memref<327680xi32, #tpu.memory_space<hbm>> -> memref<1280xi32, #tpu.memory_space<hbm>>
      %dma_start3A_63 = tpu.memref_slice %arg4[%mul3A_24] : memref<327680xi32, #tpu.memory_space<hbm>> -> memref<1280xi32, #tpu.memory_space<hbm>>
      tpu.enqueue_dma source(%dma_start3A_63 : memref<1280xi32, #tpu.memory_space<hbm>>) target(%arg8 : memref<1280xi32, #tpu.memory_space<vmem>>) target_semaphore(%run_scoped3A : memref<!tpu.dma_semaphore, #tpu.memory_space<semaphore_mem>>)
      %dma_wait3A = tpu.memref_slice %arg4[%mul3A_24] : memref<327680xi32, #tpu.memory_space<hbm>> -> memref<1280xi32, #tpu.memory_space<hbm>>
      %dma_wait3A_64 = tpu.memref_slice %arg4[%mul3A_24] : memref<327680xi32, #tpu.memory_space<hbm>> -> memref<1280xi32, #tpu.memory_space<hbm>>
      tpu.wait_dma2 semaphore(%run_scoped3A : memref<!tpu.dma_semaphore, #tpu.memory_space<semaphore_mem>>) src(%dma_wait3A_64 : memref<1280xi32, #tpu.memory_space<hbm>>) dst(%arg8 : memref<1280xi32, #tpu.memory_space<vmem>>)
      tpu.yield
    }) : () -> ()
    "tpu.region"() ({
      %run_scoped3A = tpu.sem_alloc : memref<!tpu.dma_semaphore, #tpu.memory_space<semaphore_mem>>
      %dma_start3A_62 = tpu.memref_slice %arg5[%mul3A_24] : memref<327680xf32, #tpu.memory_space<hbm>> -> memref<1280xf32, #tpu.memory_space<hbm>>
      %dma_start3A_63 = tpu.memref_slice %arg5[%mul3A_24] : memref<327680xf32, #tpu.memory_space<hbm>> -> memref<1280xf32, #tpu.memory_space<hbm>>
      tpu.enqueue_dma source(%dma_start3A_63 : memref<1280xf32, #tpu.memory_space<hbm>>) target(%arg9 : memref<1280xf32, #tpu.memory_space<vmem>>) target_semaphore(%run_scoped3A : memref<!tpu.dma_semaphore, #tpu.memory_space<semaphore_mem>>)
      %dma_wait3A = tpu.memref_slice %arg5[%mul3A_24] : memref<327680xf32, #tpu.memory_space<hbm>> -> memref<1280xf32, #tpu.memory_space<hbm>>
      %dma_wait3A_64 = tpu.memref_slice %arg5[%mul3A_24] : memref<327680xf32, #tpu.memory_space<hbm>> -> memref<1280xf32, #tpu.memory_space<hbm>>
      tpu.wait_dma2 semaphore(%run_scoped3A : memref<!tpu.dma_semaphore, #tpu.memory_space<semaphore_mem>>) src(%dma_wait3A_64 : memref<1280xf32, #tpu.memory_space<hbm>>) dst(%arg9 : memref<1280xf32, #tpu.memory_space<vmem>>)
      tpu.yield
    }) : () -> ()
    %rem3A = arith.constant 0 : i32
    %rem3A_25 = arith.constant 10 : i32
    %rem3A_26 = arith.remsi %rem3A, %rem3A_25 : i32
    %mul3A_27 = arith.constant 128 : i32
    %mul3A_28 = arith.muli %rem3A_26, %mul3A_27 : i32
    %dma_start3A = tpu.memref_slice %arg7[%mul3A_28] : memref<1280xi32, #tpu.memory_space<vmem>> -> memref<128xi32, #tpu.memory_space<vmem>>
    %dma_start3A_29 = arith.constant 0 : i32
    %dma_start3A_30 = arith.constant 0 : i32
    %dma_start3A_31 = tpu.memref_slice %arg2[%dma_start3A_29, %dma_start3A_30] : memref<10240x128xf32, #tpu.memory_space<hbm>> -> memref<10240x128xf32, #tpu.memory_space<hbm>>
    tpu.enqueue_indirect_dma source(%dma_start3A_31 : memref<10240x128xf32, #tpu.memory_space<hbm>>) target(%arg12 : memref<128x128xf32, #tpu.memory_space<vmem>>) offsets(%dma_start3A : memref<128xi32, #tpu.memory_space<vmem>>) semaphore(%arg15 : memref<!tpu.dma_semaphore, #tpu.memory_space<semaphore_mem>>)
    %rem3A_32 = arith.constant 1 : i32
    %rem3A_33 = arith.constant 10 : i32
    %rem3A_34 = arith.remsi %rem3A_32, %rem3A_33 : i32
    %mul3A_35 = arith.constant 128 : i32
    %mul3A_36 = arith.muli %rem3A_34, %mul3A_35 : i32
    %dma_start3A_37 = tpu.memref_slice %arg7[%mul3A_36] : memref<1280xi32, #tpu.memory_space<vmem>> -> memref<128xi32, #tpu.memory_space<vmem>>
    %dma_start3A_38 = arith.constant 0 : i32
    %dma_start3A_39 = arith.constant 0 : i32
    %dma_start3A_40 = tpu.memref_slice %arg2[%dma_start3A_38, %dma_start3A_39] : memref<10240x128xf32, #tpu.memory_space<hbm>> -> memref<10240x128xf32, #tpu.memory_space<hbm>>
    tpu.enqueue_indirect_dma source(%dma_start3A_40 : memref<10240x128xf32, #tpu.memory_space<hbm>>) target(%arg13 : memref<128x128xf32, #tpu.memory_space<vmem>>) offsets(%dma_start3A_37 : memref<128xi32, #tpu.memory_space<vmem>>) semaphore(%arg16 : memref<!tpu.dma_semaphore, #tpu.memory_space<semaphore_mem>>)
    %sub3A = arith.constant 0 : i32
    %sub3A_41 = arith.subi %select_n3A, %sub3A : i32
    %sub3A_42 = arith.constant 2 : i32
    %sub3A_43 = arith.constant 1 : i32
    %sub3A_44 = arith.subi %sub3A_42, %sub3A_43 : i32
    %add3A_45 = arith.addi %sub3A_41, %sub3A_44 : i32
    %div3A = arith.constant 2 : i32
    %div3A_46 = arith.divsi %add3A_45, %div3A : i32
    %while3A = arith.constant 2 : i32
    %while3A_47 = arith.constant 0 : i32
    %while3A_48 = arith.constant 0 : i32
    %while3A_49 = arith.subi %div3A_46, %while3A_48 : i32
    %while3A_50 = arith.addi %while3A_48, %while3A_49 : i32
    %while3A_51 = arith.constant 1 : i32
    %while3A_52 = arith.divsi %while3A_49, %while3A_51 : i32
    %while3A_53 = arith.muli %while3A_52, %while3A_51 : i32
    %while3A_54 = arith.addi %while3A_48, %while3A_53 : i32
    %while3A_55 = arith.constant 1 : i32
    scf.for %while3A_62 = %while3A_48 to %while3A_54 step %while3A_55  : i32 {
      %mul3A_63 = arith.muli %while3A_62, %while3A : i32
      %add3A_64 = arith.addi %while3A_47, %mul3A_63 : i32
      %dma_wait3A = arith.constant 0 : i32
      %dma_wait3A_65 = tpu.memref_slice %arg7[%dma_wait3A] : memref<1280xi32, #tpu.memory_space<vmem>> -> memref<128xi32, #tpu.memory_space<vmem>>
      %dma_wait3A_66 = arith.constant 0 : i32
      %dma_wait3A_67 = arith.constant 0 : i32
      %dma_wait3A_68 = tpu.memref_slice %arg2[%dma_wait3A_66, %dma_wait3A_67] : memref<10240x128xf32, #tpu.memory_space<hbm>> -> memref<10240x128xf32, #tpu.memory_space<hbm>>
      tpu.wait_indirect_dma semaphore(%arg15 : memref<!tpu.dma_semaphore, #tpu.memory_space<semaphore_mem>>) src(%dma_wait3A_68 : memref<10240x128xf32, #tpu.memory_space<hbm>>) dst(%arg12 : memref<128x128xf32, #tpu.memory_space<vmem>>)
      %rem3A_69 = arith.constant 10 : i32
      %rem3A_70 = arith.remsi %add3A_64, %rem3A_69 : i32
      %mul3A_71 = arith.constant 128 : i32
      %mul3A_72 = arith.muli %rem3A_70, %mul3A_71 : i32
      %scan3A_73 = arith.constant 0 : i32
      %scan3A_74 = arith.constant 128 : i32
      %scan3A_75 = arith.addi %scan3A_73, %scan3A_74 : i32
      %scan3A_76 = arith.constant 1 : i32
      scf.for %scan3A_213 = %scan3A_73 to %scan3A_75 step %scan3A_76  : i32 {
        %mul3A_214 = arith.constant 1 : i32
        %mul3A_215 = arith.muli %scan3A_213, %mul3A_214 : i32
        %add3A_216 = arith.constant 0 : i32
        %add3A_217 = arith.addi %add3A_216, %mul3A_215 : i32
        %add3A_218 = arith.addi %mul3A_72, %add3A_217 : i32
        %broadcast_in_dim3A_219 = vector.broadcast %add3A_218 : i32 to vector<16xi32>
        %gather3A = tpu.vector_load_idx %arg9[%broadcast_in_dim3A_219] : memref<1280xf32, #tpu.memory_space<vmem>>[vector<16xi32>], vector<16xf32>,
        %get3A_220 = arith.index_cast %add3A_217 : i32 to index
        %get3A_221 = arith.constant 0 : index
        %get3A_222 = tpu.vector_load %arg12[%get3A_220, %get3A_221] {strides = array<i32>} : memref<128x128xf32, #tpu.memory_space<vmem>>, vector<16xf32>,
        %mul3A_223 = arith.mulf %get3A_222, %gather3A : vector<16xf32>
        %swap3A_224 = arith.index_cast %add3A_217 : i32 to index
        %swap3A_225 = arith.constant 0 : index
        %swap3A_226 = tpu.vector_load %arg12[%swap3A_224, %swap3A_225] {strides = array<i32>} : memref<128x128xf32, #tpu.memory_space<vmem>>, vector<16xf32>,
        tpu.vector_store %arg12[%swap3A_224, %swap3A_225], %mul3A_223 {strides = array<i32>} : memref<128x128xf32, #tpu.memory_space<vmem>>, vector<16xf32>,
        %get3A_227 = arith.index_cast %add3A_217 : i32 to index
        %get3A_228 = arith.constant 16 : index
        %get3A_229 = tpu.vector_load %arg12[%get3A_227, %get3A_228] {strides = array<i32>} : memref<128x128xf32, #tpu.memory_space<vmem>>, vector<16xf32>,
        %mul3A_230 = arith.mulf %get3A_229, %gather3A : vector<16xf32>
        %swap3A_231 = arith.index_cast %add3A_217 : i32 to index
        %swap3A_232 = arith.constant 16 : index
        %swap3A_233 = tpu.vector_load %arg12[%swap3A_231, %swap3A_232] {strides = array<i32>} : memref<128x128xf32, #tpu.memory_space<vmem>>, vector<16xf32>,
        tpu.vector_store %arg12[%swap3A_231, %swap3A_232], %mul3A_230 {strides = array<i32>} : memref<128x128xf32, #tpu.memory_space<vmem>>, vector<16xf32>,
        %get3A_234 = arith.index_cast %add3A_217 : i32 to index
        %get3A_235 = arith.constant 32 : index
        %get3A_236 = tpu.vector_load %arg12[%get3A_234, %get3A_235] {strides = array<i32>} : memref<128x128xf32, #tpu.memory_space<vmem>>, vector<16xf32>,
        %mul3A_237 = arith.mulf %get3A_236, %gather3A : vector<16xf32>
        %swap3A_238 = arith.index_cast %add3A_217 : i32 to index
        %swap3A_239 = arith.constant 32 : index
        %swap3A_240 = tpu.vector_load %arg12[%swap3A_238, %swap3A_239] {strides = array<i32>} : memref<128x128xf32, #tpu.memory_space<vmem>>, vector<16xf32>,
        tpu.vector_store %arg12[%swap3A_238, %swap3A_239], %mul3A_237 {strides = array<i32>} : memref<128x128xf32, #tpu.memory_space<vmem>>, vector<16xf32>,
        %get3A_241 = arith.index_cast %add3A_217 : i32 to index
        %get3A_242 = arith.constant 48 : index
        %get3A_243 = tpu.vector_load %arg12[%get3A_241, %get3A_242] {strides = array<i32>} : memref<128x128xf32, #tpu.memory_space<vmem>>, vector<16xf32>,
        %mul3A_244 = arith.mulf %get3A_243, %gather3A : vector<16xf32>
        %swap3A_245 = arith.index_cast %add3A_217 : i32 to index
        %swap3A_246 = arith.constant 48 : index
        %swap3A_247 = tpu.vector_load %arg12[%swap3A_245, %swap3A_246] {strides = array<i32>} : memref<128x128xf32, #tpu.memory_space<vmem>>, vector<16xf32>,
        tpu.vector_store %arg12[%swap3A_245, %swap3A_246], %mul3A_244 {strides = array<i32>} : memref<128x128xf32, #tpu.memory_space<vmem>>, vector<16xf32>,
        %get3A_248 = arith.index_cast %add3A_217 : i32 to index
        %get3A_249 = arith.constant 64 : index
        %get3A_250 = tpu.vector_load %arg12[%get3A_248, %get3A_249] {strides = array<i32>} : memref<128x128xf32, #tpu.memory_space<vmem>>, vector<16xf32>,
        %mul3A_251 = arith.mulf %get3A_250, %gather3A : vector<16xf32>
        %swap3A_252 = arith.index_cast %add3A_217 : i32 to index
        %swap3A_253 = arith.constant 64 : index
        %swap3A_254 = tpu.vector_load %arg12[%swap3A_252, %swap3A_253] {strides = array<i32>} : memref<128x128xf32, #tpu.memory_space<vmem>>, vector<16xf32>,
        tpu.vector_store %arg12[%swap3A_252, %swap3A_253], %mul3A_251 {strides = array<i32>} : memref<128x128xf32, #tpu.memory_space<vmem>>, vector<16xf32>,
        %get3A_255 = arith.index_cast %add3A_217 : i32 to index
        %get3A_256 = arith.constant 80 : index
        %get3A_257 = tpu.vector_load %arg12[%get3A_255, %get3A_256] {strides = array<i32>} : memref<128x128xf32, #tpu.memory_space<vmem>>, vector<16xf32>,
        %mul3A_258 = arith.mulf %get3A_257, %gather3A : vector<16xf32>
        %swap3A_259 = arith.index_cast %add3A_217 : i32 to index
        %swap3A_260 = arith.constant 80 : index
        %swap3A_261 = tpu.vector_load %arg12[%swap3A_259, %swap3A_260] {strides = array<i32>} : memref<128x128xf32, #tpu.memory_space<vmem>>, vector<16xf32>,
        tpu.vector_store %arg12[%swap3A_259, %swap3A_260], %mul3A_258 {strides = array<i32>} : memref<128x128xf32, #tpu.memory_space<vmem>>, vector<16xf32>,
        %get3A_262 = arith.index_cast %add3A_217 : i32 to index
        %get3A_263 = arith.constant 96 : index
        %get3A_264 = tpu.vector_load %arg12[%get3A_262, %get3A_263] {strides = array<i32>} : memref<128x128xf32, #tpu.memory_space<vmem>>, vector<16xf32>,
        %mul3A_265 = arith.mulf %get3A_264, %gather3A : vector<16xf32>
        %swap3A_266 = arith.index_cast %add3A_217 : i32 to index
        %swap3A_267 = arith.constant 96 : index
        %swap3A_268 = tpu.vector_load %arg12[%swap3A_266, %swap3A_267] {strides = array<i32>} : memref<128x128xf32, #tpu.memory_space<vmem>>, vector<16xf32>,
        tpu.vector_store %arg12[%swap3A_266, %swap3A_267], %mul3A_265 {strides = array<i32>} : memref<128x128xf32, #tpu.memory_space<vmem>>, vector<16xf32>,
        %get3A_269 = arith.index_cast %add3A_217 : i32 to index
        %get3A_270 = arith.constant 112 : index
        %get3A_271 = tpu.vector_load %arg12[%get3A_269, %get3A_270] {strides = array<i32>} : memref<128x128xf32, #tpu.memory_space<vmem>>, vector<16xf32>,
        %mul3A_272 = arith.mulf %get3A_271, %gather3A : vector<16xf32>
        %swap3A_273 = arith.index_cast %add3A_217 : i32 to index
        %swap3A_274 = arith.constant 112 : index
        %swap3A_275 = tpu.vector_load %arg12[%swap3A_273, %swap3A_274] {strides = array<i32>} : memref<128x128xf32, #tpu.memory_space<vmem>>, vector<16xf32>,
        tpu.vector_store %arg12[%swap3A_273, %swap3A_274], %mul3A_272 {strides = array<i32>} : memref<128x128xf32, #tpu.memory_space<vmem>>, vector<16xf32>,
      }
      %scan3A_77 = arith.constant 128 : i32
      %rem3A_78 = arith.constant 10 : i32
      %rem3A_79 = arith.remsi %add3A_64, %rem3A_78 : i32
      %mul3A_80 = arith.constant 128 : i32
      %mul3A_81 = arith.muli %rem3A_79, %mul3A_80 : i32
      %add3A_82 = arith.constant 0 : i32
      %add3A_83 = arith.addi %mul3A_81, %add3A_82 : i32
      %get3A = arith.index_cast %add3A_83 : i32 to index
      %get3A_84 = tpu.vector_load %arg8[%get3A] {strides = array<i32>} : memref<1280xi32, #tpu.memory_space<vmem>>, vector<16xi32>,
      %swap3A = arith.constant 0 : index
      %swap3A_85 = tpu.vector_load %arg10[%swap3A] {strides = array<i32>} : memref<128xi32, #tpu.memory_space<vmem>>, vector<16xi32>,
      tpu.vector_store %arg10[%swap3A], %get3A_84 {strides = array<i32>} : memref<128xi32, #tpu.memory_space<vmem>>, vector<16xi32>,
      %add3A_86 = arith.constant 16 : i32
      %add3A_87 = arith.addi %mul3A_81, %add3A_86 : i32
      %get3A_88 = arith.index_cast %add3A_87 : i32 to index
      %get3A_89 = tpu.vector_load %arg8[%get3A_88] {strides = array<i32>} : memref<1280xi32, #tpu.memory_space<vmem>>, vector<16xi32>,
      %swap3A_90 = arith.constant 16 : index
      %swap3A_91 = tpu.vector_load %arg10[%swap3A_90] {strides = array<i32>} : memref<128xi32, #tpu.memory_space<vmem>>, vector<16xi32>,
      tpu.vector_store %arg10[%swap3A_90], %get3A_89 {strides = array<i32>} : memref<128xi32, #tpu.memory_space<vmem>>, vector<16xi32>,
      %add3A_92 = arith.constant 32 : i32
      %add3A_93 = arith.addi %mul3A_81, %add3A_92 : i32
      %get3A_94 = arith.index_cast %add3A_93 : i32 to index
      %get3A_95 = tpu.vector_load %arg8[%get3A_94] {strides = array<i32>} : memref<1280xi32, #tpu.memory_space<vmem>>, vector<16xi32>,
      %swap3A_96 = arith.constant 32 : index
      %swap3A_97 = tpu.vector_load %arg10[%swap3A_96] {strides = array<i32>} : memref<128xi32, #tpu.memory_space<vmem>>, vector<16xi32>,
      tpu.vector_store %arg10[%swap3A_96], %get3A_95 {strides = array<i32>} : memref<128xi32, #tpu.memory_space<vmem>>, vector<16xi32>,
      %add3A_98 = arith.constant 48 : i32
      %add3A_99 = arith.addi %mul3A_81, %add3A_98 : i32
      %get3A_100 = arith.index_cast %add3A_99 : i32 to index
      %get3A_101 = tpu.vector_load %arg8[%get3A_100] {strides = array<i32>} : memref<1280xi32, #tpu.memory_space<vmem>>, vector<16xi32>,
      %swap3A_102 = arith.constant 48 : index
      %swap3A_103 = tpu.vector_load %arg10[%swap3A_102] {strides = array<i32>} : memref<128xi32, #tpu.memory_space<vmem>>, vector<16xi32>,
      tpu.vector_store %arg10[%swap3A_102], %get3A_101 {strides = array<i32>} : memref<128xi32, #tpu.memory_space<vmem>>, vector<16xi32>,
      %add3A_104 = arith.constant 64 : i32
      %add3A_105 = arith.addi %mul3A_81, %add3A_104 : i32
      %get3A_106 = arith.index_cast %add3A_105 : i32 to index
      %get3A_107 = tpu.vector_load %arg8[%get3A_106] {strides = array<i32>} : memref<1280xi32, #tpu.memory_space<vmem>>, vector<16xi32>,
      %swap3A_108 = arith.constant 64 : index
      %swap3A_109 = tpu.vector_load %arg10[%swap3A_108] {strides = array<i32>} : memref<128xi32, #tpu.memory_space<vmem>>, vector<16xi32>,
      tpu.vector_store %arg10[%swap3A_108], %get3A_107 {strides = array<i32>} : memref<128xi32, #tpu.memory_space<vmem>>, vector<16xi32>,
      %add3A_110 = arith.constant 80 : i32
      %add3A_111 = arith.addi %mul3A_81, %add3A_110 : i32
      %get3A_112 = arith.index_cast %add3A_111 : i32 to index
      %get3A_113 = tpu.vector_load %arg8[%get3A_112] {strides = array<i32>} : memref<1280xi32, #tpu.memory_space<vmem>>, vector<16xi32>,
      %swap3A_114 = arith.constant 80 : index
      %swap3A_115 = tpu.vector_load %arg10[%swap3A_114] {strides = array<i32>} : memref<128xi32, #tpu.memory_space<vmem>>, vector<16xi32>,
      tpu.vector_store %arg10[%swap3A_114], %get3A_113 {strides = array<i32>} : memref<128xi32, #tpu.memory_space<vmem>>, vector<16xi32>,
      %add3A_116 = arith.constant 96 : i32
      %add3A_117 = arith.addi %mul3A_81, %add3A_116 : i32
      %get3A_118 = arith.index_cast %add3A_117 : i32 to index
      %get3A_119 = tpu.vector_load %arg8[%get3A_118] {strides = array<i32>} : memref<1280xi32, #tpu.memory_space<vmem>>, vector<16xi32>,
      %swap3A_120 = arith.constant 96 : index
      %swap3A_121 = tpu.vector_load %arg10[%swap3A_120] {strides = array<i32>} : memref<128xi32, #tpu.memory_space<vmem>>, vector<16xi32>,
      tpu.vector_store %arg10[%swap3A_120], %get3A_119 {strides = array<i32>} : memref<128xi32, #tpu.memory_space<vmem>>, vector<16xi32>,
      %add3A_122 = arith.constant 112 : i32
      %add3A_123 = arith.addi %mul3A_81, %add3A_122 : i32
      %get3A_124 = arith.index_cast %add3A_123 : i32 to index
      %get3A_125 = tpu.vector_load %arg8[%get3A_124] {strides = array<i32>} : memref<1280xi32, #tpu.memory_space<vmem>>, vector<16xi32>,
      %swap3A_126 = arith.constant 112 : index
      %swap3A_127 = tpu.vector_load %arg10[%swap3A_126] {strides = array<i32>} : memref<128xi32, #tpu.memory_space<vmem>>, vector<16xi32>,
      tpu.vector_store %arg10[%swap3A_126], %get3A_125 {strides = array<i32>} : memref<128xi32, #tpu.memory_space<vmem>>, vector<16xi32>,
      %dma_start3A_128 = arith.constant 0 : i32
      %dma_start3A_129 = arith.constant 0 : i32
      %dma_start3A_130 = tpu.memref_slice %arg14[%dma_start3A_128, %dma_start3A_129] : memref<10240x128xf32, #tpu.memory_space<vmem_shared>> -> memref<10240x128xf32, #tpu.memory_space<vmem_shared>>
      tpu.enqueue_indirect_dma source(%arg12 : memref<128x128xf32, #tpu.memory_space<vmem>>) target(%dma_start3A_130 : memref<10240x128xf32, #tpu.memory_space<vmem_shared>>) offsets(%arg10 : memref<128xi32, #tpu.memory_space<vmem>>) semaphore(%arg17 : memref<!tpu.dma_semaphore, #tpu.memory_space<semaphore_mem>>) {add = true}
      %dma_wait3A_131 = arith.constant 0 : i32
      %dma_wait3A_132 = tpu.memref_slice %arg7[%dma_wait3A_131] : memref<1280xi32, #tpu.memory_space<vmem>> -> memref<128xi32, #tpu.memory_space<vmem>>
      %dma_wait3A_133 = arith.constant 0 : i32
      %dma_wait3A_134 = arith.constant 0 : i32
      %dma_wait3A_135 = tpu.memref_slice %arg2[%dma_wait3A_133, %dma_wait3A_134] : memref<10240x128xf32, #tpu.memory_space<hbm>> -> memref<10240x128xf32, #tpu.memory_space<hbm>>
      tpu.wait_indirect_dma semaphore(%arg16 : memref<!tpu.dma_semaphore, #tpu.memory_space<semaphore_mem>>) src(%dma_wait3A_135 : memref<10240x128xf32, #tpu.memory_space<hbm>>) dst(%arg13 : memref<128x128xf32, #tpu.memory_space<vmem>>)
      %add3A_136 = arith.constant 1 : i32
      %add3A_137 = arith.addi %add3A_64, %add3A_136 : i32
      %rem3A_138 = arith.constant 10 : i32
      %rem3A_139 = arith.remsi %add3A_137, %rem3A_138 : i32
      %mul3A_140 = arith.constant 128 : i32
      %mul3A_141 = arith.muli %rem3A_139, %mul3A_140 : i32
      %scan3A_142 = arith.constant 0 : i32
      %scan3A_143 = arith.constant 128 : i32
      %scan3A_144 = arith.addi %scan3A_142, %scan3A_143 : i32
      %scan3A_145 = arith.constant 1 : i32
      scf.for %scan3A_213 = %scan3A_142 to %scan3A_144 step %scan3A_145  : i32 {
        %mul3A_214 = arith.constant 1 : i32
        %mul3A_215 = arith.muli %scan3A_213, %mul3A_214 : i32
        %add3A_216 = arith.constant 0 : i32
        %add3A_217 = arith.addi %add3A_216, %mul3A_215 : i32
        %add3A_218 = arith.addi %mul3A_141, %add3A_217 : i32
        %broadcast_in_dim3A_219 = vector.broadcast %add3A_218 : i32 to vector<16xi32>
        %gather3A = tpu.vector_load_idx %arg9[%broadcast_in_dim3A_219] : memref<1280xf32, #tpu.memory_space<vmem>>[vector<16xi32>], vector<16xf32>,
        %get3A_220 = arith.index_cast %add3A_217 : i32 to index
        %get3A_221 = arith.constant 0 : index
        %get3A_222 = tpu.vector_load %arg13[%get3A_220, %get3A_221] {strides = array<i32>} : memref<128x128xf32, #tpu.memory_space<vmem>>, vector<16xf32>,
        %mul3A_223 = arith.mulf %get3A_222, %gather3A : vector<16xf32>
        %swap3A_224 = arith.index_cast %add3A_217 : i32 to index
        %swap3A_225 = arith.constant 0 : index
        %swap3A_226 = tpu.vector_load %arg13[%swap3A_224, %swap3A_225] {strides = array<i32>} : memref<128x128xf32, #tpu.memory_space<vmem>>, vector<16xf32>,
        tpu.vector_store %arg13[%swap3A_224, %swap3A_225], %mul3A_223 {strides = array<i32>} : memref<128x128xf32, #tpu.memory_space<vmem>>, vector<16xf32>,
        %get3A_227 = arith.index_cast %add3A_217 : i32 to index
        %get3A_228 = arith.constant 16 : index
        %get3A_229 = tpu.vector_load %arg13[%get3A_227, %get3A_228] {strides = array<i32>} : memref<128x128xf32, #tpu.memory_space<vmem>>, vector<16xf32>,
        %mul3A_230 = arith.mulf %get3A_229, %gather3A : vector<16xf32>
        %swap3A_231 = arith.index_cast %add3A_217 : i32 to index
        %swap3A_232 = arith.constant 16 : index
        %swap3A_233 = tpu.vector_load %arg13[%swap3A_231, %swap3A_232] {strides = array<i32>} : memref<128x128xf32, #tpu.memory_space<vmem>>, vector<16xf32>,
        tpu.vector_store %arg13[%swap3A_231, %swap3A_232], %mul3A_230 {strides = array<i32>} : memref<128x128xf32, #tpu.memory_space<vmem>>, vector<16xf32>,
        %get3A_234 = arith.index_cast %add3A_217 : i32 to index
        %get3A_235 = arith.constant 32 : index
        %get3A_236 = tpu.vector_load %arg13[%get3A_234, %get3A_235] {strides = array<i32>} : memref<128x128xf32, #tpu.memory_space<vmem>>, vector<16xf32>,
        %mul3A_237 = arith.mulf %get3A_236, %gather3A : vector<16xf32>
        %swap3A_238 = arith.index_cast %add3A_217 : i32 to index
        %swap3A_239 = arith.constant 32 : index
        %swap3A_240 = tpu.vector_load %arg13[%swap3A_238, %swap3A_239] {strides = array<i32>} : memref<128x128xf32, #tpu.memory_space<vmem>>, vector<16xf32>,
        tpu.vector_store %arg13[%swap3A_238, %swap3A_239], %mul3A_237 {strides = array<i32>} : memref<128x128xf32, #tpu.memory_space<vmem>>, vector<16xf32>,
        %get3A_241 = arith.index_cast %add3A_217 : i32 to index
        %get3A_242 = arith.constant 48 : index
        %get3A_243 = tpu.vector_load %arg13[%get3A_241, %get3A_242] {strides = array<i32>} : memref<128x128xf32, #tpu.memory_space<vmem>>, vector<16xf32>,
        %mul3A_244 = arith.mulf %get3A_243, %gather3A : vector<16xf32>
        %swap3A_245 = arith.index_cast %add3A_217 : i32 to index
        %swap3A_246 = arith.constant 48 : index
        %swap3A_247 = tpu.vector_load %arg13[%swap3A_245, %swap3A_246] {strides = array<i32>} : memref<128x128xf32, #tpu.memory_space<vmem>>, vector<16xf32>,
        tpu.vector_store %arg13[%swap3A_245, %swap3A_246], %mul3A_244 {strides = array<i32>} : memref<128x128xf32, #tpu.memory_space<vmem>>, vector<16xf32>,
        %get3A_248 = arith.index_cast %add3A_217 : i32 to index
        %get3A_249 = arith.constant 64 : index
        %get3A_250 = tpu.vector_load %arg13[%get3A_248, %get3A_249] {strides = array<i32>} : memref<128x128xf32, #tpu.memory_space<vmem>>, vector<16xf32>,
        %mul3A_251 = arith.mulf %get3A_250, %gather3A : vector<16xf32>
        %swap3A_252 = arith.index_cast %add3A_217 : i32 to index
        %swap3A_253 = arith.constant 64 : index
        %swap3A_254 = tpu.vector_load %arg13[%swap3A_252, %swap3A_253] {strides = array<i32>} : memref<128x128xf32, #tpu.memory_space<vmem>>, vector<16xf32>,
        tpu.vector_store %arg13[%swap3A_252, %swap3A_253], %mul3A_251 {strides = array<i32>} : memref<128x128xf32, #tpu.memory_space<vmem>>, vector<16xf32>,
        %get3A_255 = arith.index_cast %add3A_217 : i32 to index
        %get3A_256 = arith.constant 80 : index
        %get3A_257 = tpu.vector_load %arg13[%get3A_255, %get3A_256] {strides = array<i32>} : memref<128x128xf32, #tpu.memory_space<vmem>>, vector<16xf32>,
        %mul3A_258 = arith.mulf %get3A_257, %gather3A : vector<16xf32>
        %swap3A_259 = arith.index_cast %add3A_217 : i32 to index
        %swap3A_260 = arith.constant 80 : index
        %swap3A_261 = tpu.vector_load %arg13[%swap3A_259, %swap3A_260] {strides = array<i32>} : memref<128x128xf32, #tpu.memory_space<vmem>>, vector<16xf32>,
        tpu.vector_store %arg13[%swap3A_259, %swap3A_260], %mul3A_258 {strides = array<i32>} : memref<128x128xf32, #tpu.memory_space<vmem>>, vector<16xf32>,
        %get3A_262 = arith.index_cast %add3A_217 : i32 to index
        %get3A_263 = arith.constant 96 : index
        %get3A_264 = tpu.vector_load %arg13[%get3A_262, %get3A_263] {strides = array<i32>} : memref<128x128xf32, #tpu.memory_space<vmem>>, vector<16xf32>,
        %mul3A_265 = arith.mulf %get3A_264, %gather3A : vector<16xf32>
        %swap3A_266 = arith.index_cast %add3A_217 : i32 to index
        %swap3A_267 = arith.constant 96 : index
        %swap3A_268 = tpu.vector_load %arg13[%swap3A_266, %swap3A_267] {strides = array<i32>} : memref<128x128xf32, #tpu.memory_space<vmem>>, vector<16xf32>,
        tpu.vector_store %arg13[%swap3A_266, %swap3A_267], %mul3A_265 {strides = array<i32>} : memref<128x128xf32, #tpu.memory_space<vmem>>, vector<16xf32>,
        %get3A_269 = arith.index_cast %add3A_217 : i32 to index
        %get3A_270 = arith.constant 112 : index
        %get3A_271 = tpu.vector_load %arg13[%get3A_269, %get3A_270] {strides = array<i32>} : memref<128x128xf32, #tpu.memory_space<vmem>>, vector<16xf32>,
        %mul3A_272 = arith.mulf %get3A_271, %gather3A : vector<16xf32>
        %swap3A_273 = arith.index_cast %add3A_217 : i32 to index
        %swap3A_274 = arith.constant 112 : index
        %swap3A_275 = tpu.vector_load %arg13[%swap3A_273, %swap3A_274] {strides = array<i32>} : memref<128x128xf32, #tpu.memory_space<vmem>>, vector<16xf32>,
        tpu.vector_store %arg13[%swap3A_273, %swap3A_274], %mul3A_272 {strides = array<i32>} : memref<128x128xf32, #tpu.memory_space<vmem>>, vector<16xf32>,
      }
      %scan3A_146 = arith.constant 128 : i32
      %add3A_147 = arith.constant 1 : i32
      %add3A_148 = arith.addi %add3A_64, %add3A_147 : i32
      %rem3A_149 = arith.constant 10 : i32
      %rem3A_150 = arith.remsi %add3A_148, %rem3A_149 : i32
      %mul3A_151 = arith.constant 128 : i32
      %mul3A_152 = arith.muli %rem3A_150, %mul3A_151 : i32
      %add3A_153 = arith.constant 0 : i32
      %add3A_154 = arith.addi %mul3A_152, %add3A_153 : i32
      %get3A_155 = arith.index_cast %add3A_154 : i32 to index
      %get3A_156 = tpu.vector_load %arg8[%get3A_155] {strides = array<i32>} : memref<1280xi32, #tpu.memory_space<vmem>>, vector<16xi32>,
      %swap3A_157 = arith.constant 0 : index
      %swap3A_158 = tpu.vector_load %arg11[%swap3A_157] {strides = array<i32>} : memref<128xi32, #tpu.memory_space<vmem>>, vector<16xi32>,
      tpu.vector_store %arg11[%swap3A_157], %get3A_156 {strides = array<i32>} : memref<128xi32, #tpu.memory_space<vmem>>, vector<16xi32>,
      %add3A_159 = arith.constant 16 : i32
      %add3A_160 = arith.addi %mul3A_152, %add3A_159 : i32
      %get3A_161 = arith.index_cast %add3A_160 : i32 to index
      %get3A_162 = tpu.vector_load %arg8[%get3A_161] {strides = array<i32>} : memref<1280xi32, #tpu.memory_space<vmem>>, vector<16xi32>,
      %swap3A_163 = arith.constant 16 : index
      %swap3A_164 = tpu.vector_load %arg11[%swap3A_163] {strides = array<i32>} : memref<128xi32, #tpu.memory_space<vmem>>, vector<16xi32>,
      tpu.vector_store %arg11[%swap3A_163], %get3A_162 {strides = array<i32>} : memref<128xi32, #tpu.memory_space<vmem>>, vector<16xi32>,
      %add3A_165 = arith.constant 32 : i32
      %add3A_166 = arith.addi %mul3A_152, %add3A_165 : i32
      %get3A_167 = arith.index_cast %add3A_166 : i32 to index
      %get3A_168 = tpu.vector_load %arg8[%get3A_167] {strides = array<i32>} : memref<1280xi32, #tpu.memory_space<vmem>>, vector<16xi32>,
      %swap3A_169 = arith.constant 32 : index
      %swap3A_170 = tpu.vector_load %arg11[%swap3A_169] {strides = array<i32>} : memref<128xi32, #tpu.memory_space<vmem>>, vector<16xi32>,
      tpu.vector_store %arg11[%swap3A_169], %get3A_168 {strides = array<i32>} : memref<128xi32, #tpu.memory_space<vmem>>, vector<16xi32>,
      %add3A_171 = arith.constant 48 : i32
      %add3A_172 = arith.addi %mul3A_152, %add3A_171 : i32
      %get3A_173 = arith.index_cast %add3A_172 : i32 to index
      %get3A_174 = tpu.vector_load %arg8[%get3A_173] {strides = array<i32>} : memref<1280xi32, #tpu.memory_space<vmem>>, vector<16xi32>,
      %swap3A_175 = arith.constant 48 : index
      %swap3A_176 = tpu.vector_load %arg11[%swap3A_175] {strides = array<i32>} : memref<128xi32, #tpu.memory_space<vmem>>, vector<16xi32>,
      tpu.vector_store %arg11[%swap3A_175], %get3A_174 {strides = array<i32>} : memref<128xi32, #tpu.memory_space<vmem>>, vector<16xi32>,
      %add3A_177 = arith.constant 64 : i32
      %add3A_178 = arith.addi %mul3A_152, %add3A_177 : i32
      %get3A_179 = arith.index_cast %add3A_178 : i32 to index
      %get3A_180 = tpu.vector_load %arg8[%get3A_179] {strides = array<i32>} : memref<1280xi32, #tpu.memory_space<vmem>>, vector<16xi32>,
      %swap3A_181 = arith.constant 64 : index
      %swap3A_182 = tpu.vector_load %arg11[%swap3A_181] {strides = array<i32>} : memref<128xi32, #tpu.memory_space<vmem>>, vector<16xi32>,
      tpu.vector_store %arg11[%swap3A_181], %get3A_180 {strides = array<i32>} : memref<128xi32, #tpu.memory_space<vmem>>, vector<16xi32>,
      %add3A_183 = arith.constant 80 : i32
      %add3A_184 = arith.addi %mul3A_152, %add3A_183 : i32
      %get3A_185 = arith.index_cast %add3A_184 : i32 to index
      %get3A_186 = tpu.vector_load %arg8[%get3A_185] {strides = array<i32>} : memref<1280xi32, #tpu.memory_space<vmem>>, vector<16xi32>,
      %swap3A_187 = arith.constant 80 : index
      %swap3A_188 = tpu.vector_load %arg11[%swap3A_187] {strides = array<i32>} : memref<128xi32, #tpu.memory_space<vmem>>, vector<16xi32>,
      tpu.vector_store %arg11[%swap3A_187], %get3A_186 {strides = array<i32>} : memref<128xi32, #tpu.memory_space<vmem>>, vector<16xi32>,
      %add3A_189 = arith.constant 96 : i32
      %add3A_190 = arith.addi %mul3A_152, %add3A_189 : i32
      %get3A_191 = arith.index_cast %add3A_190 : i32 to index
      %get3A_192 = tpu.vector_load %arg8[%get3A_191] {strides = array<i32>} : memref<1280xi32, #tpu.memory_space<vmem>>, vector<16xi32>,
      %swap3A_193 = arith.constant 96 : index
      %swap3A_194 = tpu.vector_load %arg11[%swap3A_193] {strides = array<i32>} : memref<128xi32, #tpu.memory_space<vmem>>, vector<16xi32>,
      tpu.vector_store %arg11[%swap3A_193], %get3A_192 {strides = array<i32>} : memref<128xi32, #tpu.memory_space<vmem>>, vector<16xi32>,
      %add3A_195 = arith.constant 112 : i32
      %add3A_196 = arith.addi %mul3A_152, %add3A_195 : i32
      %get3A_197 = arith.index_cast %add3A_196 : i32 to index
      %get3A_198 = tpu.vector_load %arg8[%get3A_197] {strides = array<i32>} : memref<1280xi32, #tpu.memory_space<vmem>>, vector<16xi32>,
      %swap3A_199 = arith.constant 112 : index
      %swap3A_200 = tpu.vector_load %arg11[%swap3A_199] {strides = array<i32>} : memref<128xi32, #tpu.memory_space<vmem>>, vector<16xi32>,
      tpu.vector_store %arg11[%swap3A_199], %get3A_198 {strides = array<i32>} : memref<128xi32, #tpu.memory_space<vmem>>, vector<16xi32>,
      %dma_start3A_201 = arith.constant 0 : i32
      %dma_start3A_202 = arith.constant 0 : i32
      %dma_start3A_203 = tpu.memref_slice %arg14[%dma_start3A_201, %dma_start3A_202] : memref<10240x128xf32, #tpu.memory_space<vmem_shared>> -> memref<10240x128xf32, #tpu.memory_space<vmem_shared>>
      tpu.enqueue_indirect_dma source(%arg13 : memref<128x128xf32, #tpu.memory_space<vmem>>) target(%dma_start3A_203 : memref<10240x128xf32, #tpu.memory_space<vmem_shared>>) offsets(%arg11 : memref<128xi32, #tpu.memory_space<vmem>>) semaphore(%arg18 : memref<!tpu.dma_semaphore, #tpu.memory_space<semaphore_mem>>) {add = true}
      %dma_wait3A_204 = arith.constant 0 : i32
      %dma_wait3A_205 = arith.constant 0 : i32
      %dma_wait3A_206 = tpu.memref_slice %arg14[%dma_wait3A_204, %dma_wait3A_205] : memref<10240x128xf32, #tpu.memory_space<vmem_shared>> -> memref<10240x128xf32, #tpu.memory_space<vmem_shared>>
      tpu.wait_indirect_dma semaphore(%arg17 : memref<!tpu.dma_semaphore, #tpu.memory_space<semaphore_mem>>) src(%arg12 : memref<128x128xf32, #tpu.memory_space<vmem>>) dst(%dma_wait3A_206 : memref<10240x128xf32, #tpu.memory_space<vmem_shared>>)
      %dma_wait3A_207 = arith.constant 0 : i32
      %dma_wait3A_208 = arith.constant 0 : i32
      %dma_wait3A_209 = tpu.memref_slice %arg14[%dma_wait3A_207, %dma_wait3A_208] : memref<10240x128xf32, #tpu.memory_space<vmem_shared>> -> memref<10240x128xf32, #tpu.memory_space<vmem_shared>>
      tpu.wait_indirect_dma semaphore(%arg18 : memref<!tpu.dma_semaphore, #tpu.memory_space<semaphore_mem>>) src(%arg13 : memref<128x128xf32, #tpu.memory_space<vmem>>) dst(%dma_wait3A_209 : memref<10240x128xf32, #tpu.memory_space<vmem_shared>>)
      %add3A_210 = arith.constant 2 : i32
      %add3A_211 = arith.addi %add3A_64, %add3A_210 : i32
      %lt3A = arith.cmpi slt, %add3A_211, %select_n3A : i32
      %convert_element_type3A = arith.extui %lt3A : i1 to i32
      %cond3A = arith.constant 0 : i32
      %cond3A_212 = arith.cmpi ne, %convert_element_type3A, %cond3A : i32
      scf.if %cond3A_212 {
        %add3A_213 = arith.constant 2 : i32
        %add3A_214 = arith.addi %add3A_64, %add3A_213 : i32
        %rem3A_215 = arith.constant 10 : i32
        %rem3A_216 = arith.remsi %add3A_214, %rem3A_215 : i32
        %eq3A_217 = arith.constant 0 : i32
        %eq3A_218 = arith.cmpi eq, %rem3A_216, %eq3A_217 : i32
        %convert_element_type3A_219 = arith.extui %eq3A_218 : i1 to i32
        %cond3A_220 = arith.constant 0 : i32
        %cond3A_221 = arith.cmpi ne, %convert_element_type3A_219, %cond3A_220 : i32
        scf.if %cond3A_221 {
          %add3A_242 = arith.constant 2 : i32
          %add3A_243 = arith.addi %add3A_64, %add3A_242 : i32
          %jit3A_244 = arith.constant 10 : i32
          %div3A_245 = arith.divsi %add3A_243, %jit3A_244 : i32
          %sign3A = arith.constant 0 : i32
          %sign3A_246 = arith.cmpi sgt, %add3A_243, %sign3A : i32
          %sign3A_247 = arith.extui %sign3A_246 : i1 to i32
          %sign3A_248 = arith.constant 0 : i32
          %sign3A_249 = arith.cmpi slt, %add3A_243, %sign3A_248 : i32
          %sign3A_250 = arith.extui %sign3A_249 : i1 to i32
          %sign3A_251 = arith.subi %sign3A_247, %sign3A_250 : i32
          %sign3A_252 = arith.constant 0 : i32
          %sign3A_253 = arith.cmpi sgt, %jit3A_244, %sign3A_252 : i32
          %sign3A_254 = arith.extui %sign3A_253 : i1 to i32
          %sign3A_255 = arith.constant 0 : i32
          %sign3A_256 = arith.cmpi slt, %jit3A_244, %sign3A_255 : i32
          %sign3A_257 = arith.extui %sign3A_256 : i1 to i32
          %sign3A_258 = arith.subi %sign3A_254, %sign3A_257 : i32
          %ne3A = arith.cmpi ne, %sign3A_251, %sign3A_258 : i32
          %rem3A_259 = arith.remsi %add3A_243, %jit3A_244 : i32
          %ne3A_260 = arith.constant 0 : i32
          %ne3A_261 = arith.cmpi ne, %rem3A_259, %ne3A_260 : i32
          %and3A = arith.andi %ne3A, %ne3A_261 : i1
          %sub3A_262 = arith.constant 1 : i32
          %sub3A_263 = arith.subi %div3A_245, %sub3A_262 : i32
          %select_n3A_264 = arith.select %and3A, %sub3A_263, %div3A_245 : i32
          %mul3A_265 = arith.constant 10 : i32
          %mul3A_266 = arith.muli %select_n3A_264, %mul3A_265 : i32
          %add3A_267 = arith.addi %select_n3A_18, %mul3A_266 : i32
          %mul3A_268 = arith.constant 128 : i32
          %mul3A_269 = arith.muli %add3A_267, %mul3A_268 : i32
          "tpu.region"() ({
            %run_scoped3A = tpu.sem_alloc : memref<!tpu.dma_semaphore, #tpu.memory_space<semaphore_mem>>
            %dma_start3A_270 = tpu.memref_slice %arg3[%mul3A_269] : memref<327680xi32, #tpu.memory_space<hbm>> -> memref<1280xi32, #tpu.memory_space<hbm>>
            %dma_start3A_271 = tpu.memref_slice %arg3[%mul3A_269] : memref<327680xi32, #tpu.memory_space<hbm>> -> memref<1280xi32, #tpu.memory_space<hbm>>
            tpu.enqueue_dma source(%dma_start3A_271 : memref<1280xi32, #tpu.memory_space<hbm>>) target(%arg7 : memref<1280xi32, #tpu.memory_space<vmem>>) target_semaphore(%run_scoped3A : memref<!tpu.dma_semaphore, #tpu.memory_space<semaphore_mem>>)
            %dma_wait3A_272 = tpu.memref_slice %arg3[%mul3A_269] : memref<327680xi32, #tpu.memory_space<hbm>> -> memref<1280xi32, #tpu.memory_space<hbm>>
            %dma_wait3A_273 = tpu.memref_slice %arg3[%mul3A_269] : memref<327680xi32, #tpu.memory_space<hbm>> -> memref<1280xi32, #tpu.memory_space<hbm>>
            tpu.wait_dma2 semaphore(%run_scoped3A : memref<!tpu.dma_semaphore, #tpu.memory_space<semaphore_mem>>) src(%dma_wait3A_273 : memref<1280xi32, #tpu.memory_space<hbm>>) dst(%arg7 : memref<1280xi32, #tpu.memory_space<vmem>>)
            tpu.yield
          }) : () -> ()
          "tpu.region"() ({
            %run_scoped3A = tpu.sem_alloc : memref<!tpu.dma_semaphore, #tpu.memory_space<semaphore_mem>>
            %dma_start3A_270 = tpu.memref_slice %arg4[%mul3A_269] : memref<327680xi32, #tpu.memory_space<hbm>> -> memref<1280xi32, #tpu.memory_space<hbm>>
            %dma_start3A_271 = tpu.memref_slice %arg4[%mul3A_269] : memref<327680xi32, #tpu.memory_space<hbm>> -> memref<1280xi32, #tpu.memory_space<hbm>>
            tpu.enqueue_dma source(%dma_start3A_271 : memref<1280xi32, #tpu.memory_space<hbm>>) target(%arg8 : memref<1280xi32, #tpu.memory_space<vmem>>) target_semaphore(%run_scoped3A : memref<!tpu.dma_semaphore, #tpu.memory_space<semaphore_mem>>)
            %dma_wait3A_272 = tpu.memref_slice %arg4[%mul3A_269] : memref<327680xi32, #tpu.memory_space<hbm>> -> memref<1280xi32, #tpu.memory_space<hbm>>
            %dma_wait3A_273 = tpu.memref_slice %arg4[%mul3A_269] : memref<327680xi32, #tpu.memory_space<hbm>> -> memref<1280xi32, #tpu.memory_space<hbm>>
            tpu.wait_dma2 semaphore(%run_scoped3A : memref<!tpu.dma_semaphore, #tpu.memory_space<semaphore_mem>>) src(%dma_wait3A_273 : memref<1280xi32, #tpu.memory_space<hbm>>) dst(%arg8 : memref<1280xi32, #tpu.memory_space<vmem>>)
            tpu.yield
          }) : () -> ()
          "tpu.region"() ({
            %run_scoped3A = tpu.sem_alloc : memref<!tpu.dma_semaphore, #tpu.memory_space<semaphore_mem>>
            %dma_start3A_270 = tpu.memref_slice %arg5[%mul3A_269] : memref<327680xf32, #tpu.memory_space<hbm>> -> memref<1280xf32, #tpu.memory_space<hbm>>
            %dma_start3A_271 = tpu.memref_slice %arg5[%mul3A_269] : memref<327680xf32, #tpu.memory_space<hbm>> -> memref<1280xf32, #tpu.memory_space<hbm>>
            tpu.enqueue_dma source(%dma_start3A_271 : memref<1280xf32, #tpu.memory_space<hbm>>) target(%arg9 : memref<1280xf32, #tpu.memory_space<vmem>>) target_semaphore(%run_scoped3A : memref<!tpu.dma_semaphore, #tpu.memory_space<semaphore_mem>>)
            %dma_wait3A_272 = tpu.memref_slice %arg5[%mul3A_269] : memref<327680xf32, #tpu.memory_space<hbm>> -> memref<1280xf32, #tpu.memory_space<hbm>>
            %dma_wait3A_273 = tpu.memref_slice %arg5[%mul3A_269] : memref<327680xf32, #tpu.memory_space<hbm>> -> memref<1280xf32, #tpu.memory_space<hbm>>
            tpu.wait_dma2 semaphore(%run_scoped3A : memref<!tpu.dma_semaphore, #tpu.memory_space<semaphore_mem>>) src(%dma_wait3A_273 : memref<1280xf32, #tpu.memory_space<hbm>>) dst(%arg9 : memref<1280xf32, #tpu.memory_space<vmem>>)
            tpu.yield
          }) : () -> ()
        } else {
        }
        %add3A_222 = arith.constant 2 : i32
        %add3A_223 = arith.addi %add3A_64, %add3A_222 : i32
        %rem3A_224 = arith.constant 10 : i32
        %rem3A_225 = arith.remsi %add3A_223, %rem3A_224 : i32
        %mul3A_226 = arith.constant 128 : i32
        %mul3A_227 = arith.muli %rem3A_225, %mul3A_226 : i32
        %dma_start3A_228 = tpu.memref_slice %arg7[%mul3A_227] : memref<1280xi32, #tpu.memory_space<vmem>> -> memref<128xi32, #tpu.memory_space<vmem>>
        %dma_start3A_229 = arith.constant 0 : i32
        %dma_start3A_230 = arith.constant 0 : i32
        %dma_start3A_231 = tpu.memref_slice %arg2[%dma_start3A_229, %dma_start3A_230] : memref<10240x128xf32, #tpu.memory_space<hbm>> -> memref<10240x128xf32, #tpu.memory_space<hbm>>
        tpu.enqueue_indirect_dma source(%dma_start3A_231 : memref<10240x128xf32, #tpu.memory_space<hbm>>) target(%arg12 : memref<128x128xf32, #tpu.memory_space<vmem>>) offsets(%dma_start3A_228 : memref<128xi32, #tpu.memory_space<vmem>>) semaphore(%arg15 : memref<!tpu.dma_semaphore, #tpu.memory_space<semaphore_mem>>)
        %add3A_232 = arith.constant 3 : i32
        %add3A_233 = arith.addi %add3A_64, %add3A_232 : i32
        %rem3A_234 = arith.constant 10 : i32
        %rem3A_235 = arith.remsi %add3A_233, %rem3A_234 : i32
        %mul3A_236 = arith.constant 128 : i32
        %mul3A_237 = arith.muli %rem3A_235, %mul3A_236 : i32
        %dma_start3A_238 = tpu.memref_slice %arg7[%mul3A_237] : memref<1280xi32, #tpu.memory_space<vmem>> -> memref<128xi32, #tpu.memory_space<vmem>>
        %dma_start3A_239 = arith.constant 0 : i32
        %dma_start3A_240 = arith.constant 0 : i32
        %dma_start3A_241 = tpu.memref_slice %arg2[%dma_start3A_239, %dma_start3A_240] : memref<10240x128xf32, #tpu.memory_space<hbm>> -> memref<10240x128xf32, #tpu.memory_space<hbm>>
        tpu.enqueue_indirect_dma source(%dma_start3A_241 : memref<10240x128xf32, #tpu.memory_space<hbm>>) target(%arg13 : memref<128x128xf32, #tpu.memory_space<vmem>>) offsets(%dma_start3A_238 : memref<128xi32, #tpu.memory_space<vmem>>) semaphore(%arg16 : memref<!tpu.dma_semaphore, #tpu.memory_space<semaphore_mem>>)
      } else {
      }
    }
    %while3A_56 = arith.constant 1 : i32
    scf.for %while3A_62 = %while3A_54 to %while3A_50 step %while3A_56  : i32 {
      %mul3A_63 = arith.muli %while3A_62, %while3A : i32
      %add3A_64 = arith.addi %while3A_47, %mul3A_63 : i32
      %dma_wait3A = arith.constant 0 : i32
      %dma_wait3A_65 = tpu.memref_slice %arg7[%dma_wait3A] : memref<1280xi32, #tpu.memory_space<vmem>> -> memref<128xi32, #tpu.memory_space<vmem>>
      %dma_wait3A_66 = arith.constant 0 : i32
      %dma_wait3A_67 = arith.constant 0 : i32
      %dma_wait3A_68 = tpu.memref_slice %arg2[%dma_wait3A_66, %dma_wait3A_67] : memref<10240x128xf32, #tpu.memory_space<hbm>> -> memref<10240x128xf32, #tpu.memory_space<hbm>>
      tpu.wait_indirect_dma semaphore(%arg15 : memref<!tpu.dma_semaphore, #tpu.memory_space<semaphore_mem>>) src(%dma_wait3A_68 : memref<10240x128xf32, #tpu.memory_space<hbm>>) dst(%arg12 : memref<128x128xf32, #tpu.memory_space<vmem>>)
      %rem3A_69 = arith.constant 10 : i32
      %rem3A_70 = arith.remsi %add3A_64, %rem3A_69 : i32
      %mul3A_71 = arith.constant 128 : i32
      %mul3A_72 = arith.muli %rem3A_70, %mul3A_71 : i32
      %scan3A_73 = arith.constant 0 : i32
      %scan3A_74 = arith.constant 128 : i32
      %scan3A_75 = arith.addi %scan3A_73, %scan3A_74 : i32
      %scan3A_76 = arith.constant 1 : i32
      scf.for %scan3A_213 = %scan3A_73 to %scan3A_75 step %scan3A_76  : i32 {
        %mul3A_214 = arith.constant 1 : i32
        %mul3A_215 = arith.muli %scan3A_213, %mul3A_214 : i32
        %add3A_216 = arith.constant 0 : i32
        %add3A_217 = arith.addi %add3A_216, %mul3A_215 : i32
        %add3A_218 = arith.addi %mul3A_72, %add3A_217 : i32
        %broadcast_in_dim3A_219 = vector.broadcast %add3A_218 : i32 to vector<16xi32>
        %gather3A = tpu.vector_load_idx %arg9[%broadcast_in_dim3A_219] : memref<1280xf32, #tpu.memory_space<vmem>>[vector<16xi32>], vector<16xf32>,
        %get3A_220 = arith.index_cast %add3A_217 : i32 to index
        %get3A_221 = arith.constant 0 : index
        %get3A_222 = tpu.vector_load %arg12[%get3A_220, %get3A_221] {strides = array<i32>} : memref<128x128xf32, #tpu.memory_space<vmem>>, vector<16xf32>,
        %mul3A_223 = arith.mulf %get3A_222, %gather3A : vector<16xf32>
        %swap3A_224 = arith.index_cast %add3A_217 : i32 to index
        %swap3A_225 = arith.constant 0 : index
        %swap3A_226 = tpu.vector_load %arg12[%swap3A_224, %swap3A_225] {strides = array<i32>} : memref<128x128xf32, #tpu.memory_space<vmem>>, vector<16xf32>,
        tpu.vector_store %arg12[%swap3A_224, %swap3A_225], %mul3A_223 {strides = array<i32>} : memref<128x128xf32, #tpu.memory_space<vmem>>, vector<16xf32>,
        %get3A_227 = arith.index_cast %add3A_217 : i32 to index
        %get3A_228 = arith.constant 16 : index
        %get3A_229 = tpu.vector_load %arg12[%get3A_227, %get3A_228] {strides = array<i32>} : memref<128x128xf32, #tpu.memory_space<vmem>>, vector<16xf32>,
        %mul3A_230 = arith.mulf %get3A_229, %gather3A : vector<16xf32>
        %swap3A_231 = arith.index_cast %add3A_217 : i32 to index
        %swap3A_232 = arith.constant 16 : index
        %swap3A_233 = tpu.vector_load %arg12[%swap3A_231, %swap3A_232] {strides = array<i32>} : memref<128x128xf32, #tpu.memory_space<vmem>>, vector<16xf32>,
        tpu.vector_store %arg12[%swap3A_231, %swap3A_232], %mul3A_230 {strides = array<i32>} : memref<128x128xf32, #tpu.memory_space<vmem>>, vector<16xf32>,
        %get3A_234 = arith.index_cast %add3A_217 : i32 to index
        %get3A_235 = arith.constant 32 : index
        %get3A_236 = tpu.vector_load %arg12[%get3A_234, %get3A_235] {strides = array<i32>} : memref<128x128xf32, #tpu.memory_space<vmem>>, vector<16xf32>,
        %mul3A_237 = arith.mulf %get3A_236, %gather3A : vector<16xf32>
        %swap3A_238 = arith.index_cast %add3A_217 : i32 to index
        %swap3A_239 = arith.constant 32 : index
        %swap3A_240 = tpu.vector_load %arg12[%swap3A_238, %swap3A_239] {strides = array<i32>} : memref<128x128xf32, #tpu.memory_space<vmem>>, vector<16xf32>,
        tpu.vector_store %arg12[%swap3A_238, %swap3A_239], %mul3A_237 {strides = array<i32>} : memref<128x128xf32, #tpu.memory_space<vmem>>, vector<16xf32>,
        %get3A_241 = arith.index_cast %add3A_217 : i32 to index
        %get3A_242 = arith.constant 48 : index
        %get3A_243 = tpu.vector_load %arg12[%get3A_241, %get3A_242] {strides = array<i32>} : memref<128x128xf32, #tpu.memory_space<vmem>>, vector<16xf32>,
        %mul3A_244 = arith.mulf %get3A_243, %gather3A : vector<16xf32>
        %swap3A_245 = arith.index_cast %add3A_217 : i32 to index
        %swap3A_246 = arith.constant 48 : index
        %swap3A_247 = tpu.vector_load %arg12[%swap3A_245, %swap3A_246] {strides = array<i32>} : memref<128x128xf32, #tpu.memory_space<vmem>>, vector<16xf32>,
        tpu.vector_store %arg12[%swap3A_245, %swap3A_246], %mul3A_244 {strides = array<i32>} : memref<128x128xf32, #tpu.memory_space<vmem>>, vector<16xf32>,
        %get3A_248 = arith.index_cast %add3A_217 : i32 to index
        %get3A_249 = arith.constant 64 : index
        %get3A_250 = tpu.vector_load %arg12[%get3A_248, %get3A_249] {strides = array<i32>} : memref<128x128xf32, #tpu.memory_space<vmem>>, vector<16xf32>,
        %mul3A_251 = arith.mulf %get3A_250, %gather3A : vector<16xf32>
        %swap3A_252 = arith.index_cast %add3A_217 : i32 to index
        %swap3A_253 = arith.constant 64 : index
        %swap3A_254 = tpu.vector_load %arg12[%swap3A_252, %swap3A_253] {strides = array<i32>} : memref<128x128xf32, #tpu.memory_space<vmem>>, vector<16xf32>,
        tpu.vector_store %arg12[%swap3A_252, %swap3A_253], %mul3A_251 {strides = array<i32>} : memref<128x128xf32, #tpu.memory_space<vmem>>, vector<16xf32>,
        %get3A_255 = arith.index_cast %add3A_217 : i32 to index
        %get3A_256 = arith.constant 80 : index
        %get3A_257 = tpu.vector_load %arg12[%get3A_255, %get3A_256] {strides = array<i32>} : memref<128x128xf32, #tpu.memory_space<vmem>>, vector<16xf32>,
        %mul3A_258 = arith.mulf %get3A_257, %gather3A : vector<16xf32>
        %swap3A_259 = arith.index_cast %add3A_217 : i32 to index
        %swap3A_260 = arith.constant 80 : index
        %swap3A_261 = tpu.vector_load %arg12[%swap3A_259, %swap3A_260] {strides = array<i32>} : memref<128x128xf32, #tpu.memory_space<vmem>>, vector<16xf32>,
        tpu.vector_store %arg12[%swap3A_259, %swap3A_260], %mul3A_258 {strides = array<i32>} : memref<128x128xf32, #tpu.memory_space<vmem>>, vector<16xf32>,
        %get3A_262 = arith.index_cast %add3A_217 : i32 to index
        %get3A_263 = arith.constant 96 : index
        %get3A_264 = tpu.vector_load %arg12[%get3A_262, %get3A_263] {strides = array<i32>} : memref<128x128xf32, #tpu.memory_space<vmem>>, vector<16xf32>,
        %mul3A_265 = arith.mulf %get3A_264, %gather3A : vector<16xf32>
        %swap3A_266 = arith.index_cast %add3A_217 : i32 to index
        %swap3A_267 = arith.constant 96 : index
        %swap3A_268 = tpu.vector_load %arg12[%swap3A_266, %swap3A_267] {strides = array<i32>} : memref<128x128xf32, #tpu.memory_space<vmem>>, vector<16xf32>,
        tpu.vector_store %arg12[%swap3A_266, %swap3A_267], %mul3A_265 {strides = array<i32>} : memref<128x128xf32, #tpu.memory_space<vmem>>, vector<16xf32>,
        %get3A_269 = arith.index_cast %add3A_217 : i32 to index
        %get3A_270 = arith.constant 112 : index
        %get3A_271 = tpu.vector_load %arg12[%get3A_269, %get3A_270] {strides = array<i32>} : memref<128x128xf32, #tpu.memory_space<vmem>>, vector<16xf32>,
        %mul3A_272 = arith.mulf %get3A_271, %gather3A : vector<16xf32>
        %swap3A_273 = arith.index_cast %add3A_217 : i32 to index
        %swap3A_274 = arith.constant 112 : index
        %swap3A_275 = tpu.vector_load %arg12[%swap3A_273, %swap3A_274] {strides = array<i32>} : memref<128x128xf32, #tpu.memory_space<vmem>>, vector<16xf32>,
        tpu.vector_store %arg12[%swap3A_273, %swap3A_274], %mul3A_272 {strides = array<i32>} : memref<128x128xf32, #tpu.memory_space<vmem>>, vector<16xf32>,
      }
      %scan3A_77 = arith.constant 128 : i32
      %rem3A_78 = arith.constant 10 : i32
      %rem3A_79 = arith.remsi %add3A_64, %rem3A_78 : i32
      %mul3A_80 = arith.constant 128 : i32
      %mul3A_81 = arith.muli %rem3A_79, %mul3A_80 : i32
      %add3A_82 = arith.constant 0 : i32
      %add3A_83 = arith.addi %mul3A_81, %add3A_82 : i32
      %get3A = arith.index_cast %add3A_83 : i32 to index
      %get3A_84 = tpu.vector_load %arg8[%get3A] {strides = array<i32>} : memref<1280xi32, #tpu.memory_space<vmem>>, vector<16xi32>,
      %swap3A = arith.constant 0 : index
      %swap3A_85 = tpu.vector_load %arg10[%swap3A] {strides = array<i32>} : memref<128xi32, #tpu.memory_space<vmem>>, vector<16xi32>,
      tpu.vector_store %arg10[%swap3A], %get3A_84 {strides = array<i32>} : memref<128xi32, #tpu.memory_space<vmem>>, vector<16xi32>,
      %add3A_86 = arith.constant 16 : i32
      %add3A_87 = arith.addi %mul3A_81, %add3A_86 : i32
      %get3A_88 = arith.index_cast %add3A_87 : i32 to index
      %get3A_89 = tpu.vector_load %arg8[%get3A_88] {strides = array<i32>} : memref<1280xi32, #tpu.memory_space<vmem>>, vector<16xi32>,
      %swap3A_90 = arith.constant 16 : index
      %swap3A_91 = tpu.vector_load %arg10[%swap3A_90] {strides = array<i32>} : memref<128xi32, #tpu.memory_space<vmem>>, vector<16xi32>,
      tpu.vector_store %arg10[%swap3A_90], %get3A_89 {strides = array<i32>} : memref<128xi32, #tpu.memory_space<vmem>>, vector<16xi32>,
      %add3A_92 = arith.constant 32 : i32
      %add3A_93 = arith.addi %mul3A_81, %add3A_92 : i32
      %get3A_94 = arith.index_cast %add3A_93 : i32 to index
      %get3A_95 = tpu.vector_load %arg8[%get3A_94] {strides = array<i32>} : memref<1280xi32, #tpu.memory_space<vmem>>, vector<16xi32>,
      %swap3A_96 = arith.constant 32 : index
      %swap3A_97 = tpu.vector_load %arg10[%swap3A_96] {strides = array<i32>} : memref<128xi32, #tpu.memory_space<vmem>>, vector<16xi32>,
      tpu.vector_store %arg10[%swap3A_96], %get3A_95 {strides = array<i32>} : memref<128xi32, #tpu.memory_space<vmem>>, vector<16xi32>,
      %add3A_98 = arith.constant 48 : i32
      %add3A_99 = arith.addi %mul3A_81, %add3A_98 : i32
      %get3A_100 = arith.index_cast %add3A_99 : i32 to index
      %get3A_101 = tpu.vector_load %arg8[%get3A_100] {strides = array<i32>} : memref<1280xi32, #tpu.memory_space<vmem>>, vector<16xi32>,
      %swap3A_102 = arith.constant 48 : index
      %swap3A_103 = tpu.vector_load %arg10[%swap3A_102] {strides = array<i32>} : memref<128xi32, #tpu.memory_space<vmem>>, vector<16xi32>,
      tpu.vector_store %arg10[%swap3A_102], %get3A_101 {strides = array<i32>} : memref<128xi32, #tpu.memory_space<vmem>>, vector<16xi32>,
      %add3A_104 = arith.constant 64 : i32
      %add3A_105 = arith.addi %mul3A_81, %add3A_104 : i32
      %get3A_106 = arith.index_cast %add3A_105 : i32 to index
      %get3A_107 = tpu.vector_load %arg8[%get3A_106] {strides = array<i32>} : memref<1280xi32, #tpu.memory_space<vmem>>, vector<16xi32>,
      %swap3A_108 = arith.constant 64 : index
      %swap3A_109 = tpu.vector_load %arg10[%swap3A_108] {strides = array<i32>} : memref<128xi32, #tpu.memory_space<vmem>>, vector<16xi32>,
      tpu.vector_store %arg10[%swap3A_108], %get3A_107 {strides = array<i32>} : memref<128xi32, #tpu.memory_space<vmem>>, vector<16xi32>,
      %add3A_110 = arith.constant 80 : i32
      %add3A_111 = arith.addi %mul3A_81, %add3A_110 : i32
      %get3A_112 = arith.index_cast %add3A_111 : i32 to index
      %get3A_113 = tpu.vector_load %arg8[%get3A_112] {strides = array<i32>} : memref<1280xi32, #tpu.memory_space<vmem>>, vector<16xi32>,
      %swap3A_114 = arith.constant 80 : index
      %swap3A_115 = tpu.vector_load %arg10[%swap3A_114] {strides = array<i32>} : memref<128xi32, #tpu.memory_space<vmem>>, vector<16xi32>,
      tpu.vector_store %arg10[%swap3A_114], %get3A_113 {strides = array<i32>} : memref<128xi32, #tpu.memory_space<vmem>>, vector<16xi32>,
      %add3A_116 = arith.constant 96 : i32
      %add3A_117 = arith.addi %mul3A_81, %add3A_116 : i32
      %get3A_118 = arith.index_cast %add3A_117 : i32 to index
      %get3A_119 = tpu.vector_load %arg8[%get3A_118] {strides = array<i32>} : memref<1280xi32, #tpu.memory_space<vmem>>, vector<16xi32>,
      %swap3A_120 = arith.constant 96 : index
      %swap3A_121 = tpu.vector_load %arg10[%swap3A_120] {strides = array<i32>} : memref<128xi32, #tpu.memory_space<vmem>>, vector<16xi32>,
      tpu.vector_store %arg10[%swap3A_120], %get3A_119 {strides = array<i32>} : memref<128xi32, #tpu.memory_space<vmem>>, vector<16xi32>,
      %add3A_122 = arith.constant 112 : i32
      %add3A_123 = arith.addi %mul3A_81, %add3A_122 : i32
      %get3A_124 = arith.index_cast %add3A_123 : i32 to index
      %get3A_125 = tpu.vector_load %arg8[%get3A_124] {strides = array<i32>} : memref<1280xi32, #tpu.memory_space<vmem>>, vector<16xi32>,
      %swap3A_126 = arith.constant 112 : index
      %swap3A_127 = tpu.vector_load %arg10[%swap3A_126] {strides = array<i32>} : memref<128xi32, #tpu.memory_space<vmem>>, vector<16xi32>,
      tpu.vector_store %arg10[%swap3A_126], %get3A_125 {strides = array<i32>} : memref<128xi32, #tpu.memory_space<vmem>>, vector<16xi32>,
      %dma_start3A_128 = arith.constant 0 : i32
      %dma_start3A_129 = arith.constant 0 : i32
      %dma_start3A_130 = tpu.memref_slice %arg14[%dma_start3A_128, %dma_start3A_129] : memref<10240x128xf32, #tpu.memory_space<vmem_shared>> -> memref<10240x128xf32, #tpu.memory_space<vmem_shared>>
      tpu.enqueue_indirect_dma source(%arg12 : memref<128x128xf32, #tpu.memory_space<vmem>>) target(%dma_start3A_130 : memref<10240x128xf32, #tpu.memory_space<vmem_shared>>) offsets(%arg10 : memref<128xi32, #tpu.memory_space<vmem>>) semaphore(%arg17 : memref<!tpu.dma_semaphore, #tpu.memory_space<semaphore_mem>>) {add = true}
      %dma_wait3A_131 = arith.constant 0 : i32
      %dma_wait3A_132 = tpu.memref_slice %arg7[%dma_wait3A_131] : memref<1280xi32, #tpu.memory_space<vmem>> -> memref<128xi32, #tpu.memory_space<vmem>>
      %dma_wait3A_133 = arith.constant 0 : i32
      %dma_wait3A_134 = arith.constant 0 : i32
      %dma_wait3A_135 = tpu.memref_slice %arg2[%dma_wait3A_133, %dma_wait3A_134] : memref<10240x128xf32, #tpu.memory_space<hbm>> -> memref<10240x128xf32, #tpu.memory_space<hbm>>
      tpu.wait_indirect_dma semaphore(%arg16 : memref<!tpu.dma_semaphore, #tpu.memory_space<semaphore_mem>>) src(%dma_wait3A_135 : memref<10240x128xf32, #tpu.memory_space<hbm>>) dst(%arg13 : memref<128x128xf32, #tpu.memory_space<vmem>>)
      %add3A_136 = arith.constant 1 : i32
      %add3A_137 = arith.addi %add3A_64, %add3A_136 : i32
      %rem3A_138 = arith.constant 10 : i32
      %rem3A_139 = arith.remsi %add3A_137, %rem3A_138 : i32
      %mul3A_140 = arith.constant 128 : i32
      %mul3A_141 = arith.muli %rem3A_139, %mul3A_140 : i32
      %scan3A_142 = arith.constant 0 : i32
      %scan3A_143 = arith.constant 128 : i32
      %scan3A_144 = arith.addi %scan3A_142, %scan3A_143 : i32
      %scan3A_145 = arith.constant 1 : i32
      scf.for %scan3A_213 = %scan3A_142 to %scan3A_144 step %scan3A_145  : i32 {
        %mul3A_214 = arith.constant 1 : i32
        %mul3A_215 = arith.muli %scan3A_213, %mul3A_214 : i32
        %add3A_216 = arith.constant 0 : i32
        %add3A_217 = arith.addi %add3A_216, %mul3A_215 : i32
        %add3A_218 = arith.addi %mul3A_141, %add3A_217 : i32
        %broadcast_in_dim3A_219 = vector.broadcast %add3A_218 : i32 to vector<16xi32>
        %gather3A = tpu.vector_load_idx %arg9[%broadcast_in_dim3A_219] : memref<1280xf32, #tpu.memory_space<vmem>>[vector<16xi32>], vector<16xf32>,
        %get3A_220 = arith.index_cast %add3A_217 : i32 to index
        %get3A_221 = arith.constant 0 : index
        %get3A_222 = tpu.vector_load %arg13[%get3A_220, %get3A_221] {strides = array<i32>} : memref<128x128xf32, #tpu.memory_space<vmem>>, vector<16xf32>,
        %mul3A_223 = arith.mulf %get3A_222, %gather3A : vector<16xf32>
        %swap3A_224 = arith.index_cast %add3A_217 : i32 to index
        %swap3A_225 = arith.constant 0 : index
        %swap3A_226 = tpu.vector_load %arg13[%swap3A_224, %swap3A_225] {strides = array<i32>} : memref<128x128xf32, #tpu.memory_space<vmem>>, vector<16xf32>,
        tpu.vector_store %arg13[%swap3A_224, %swap3A_225], %mul3A_223 {strides = array<i32>} : memref<128x128xf32, #tpu.memory_space<vmem>>, vector<16xf32>,
        %get3A_227 = arith.index_cast %add3A_217 : i32 to index
        %get3A_228 = arith.constant 16 : index
        %get3A_229 = tpu.vector_load %arg13[%get3A_227, %get3A_228] {strides = array<i32>} : memref<128x128xf32, #tpu.memory_space<vmem>>, vector<16xf32>,
        %mul3A_230 = arith.mulf %get3A_229, %gather3A : vector<16xf32>
        %swap3A_231 = arith.index_cast %add3A_217 : i32 to index
        %swap3A_232 = arith.constant 16 : index
        %swap3A_233 = tpu.vector_load %arg13[%swap3A_231, %swap3A_232] {strides = array<i32>} : memref<128x128xf32, #tpu.memory_space<vmem>>, vector<16xf32>,
        tpu.vector_store %arg13[%swap3A_231, %swap3A_232], %mul3A_230 {strides = array<i32>} : memref<128x128xf32, #tpu.memory_space<vmem>>, vector<16xf32>,
        %get3A_234 = arith.index_cast %add3A_217 : i32 to index
        %get3A_235 = arith.constant 32 : index
        %get3A_236 = tpu.vector_load %arg13[%get3A_234, %get3A_235] {strides = array<i32>} : memref<128x128xf32, #tpu.memory_space<vmem>>, vector<16xf32>,
        %mul3A_237 = arith.mulf %get3A_236, %gather3A : vector<16xf32>
        %swap3A_238 = arith.index_cast %add3A_217 : i32 to index
        %swap3A_239 = arith.constant 32 : index
        %swap3A_240 = tpu.vector_load %arg13[%swap3A_238, %swap3A_239] {strides = array<i32>} : memref<128x128xf32, #tpu.memory_space<vmem>>, vector<16xf32>,
        tpu.vector_store %arg13[%swap3A_238, %swap3A_239], %mul3A_237 {strides = array<i32>} : memref<128x128xf32, #tpu.memory_space<vmem>>, vector<16xf32>,
        %get3A_241 = arith.index_cast %add3A_217 : i32 to index
        %get3A_242 = arith.constant 48 : index
        %get3A_243 = tpu.vector_load %arg13[%get3A_241, %get3A_242] {strides = array<i32>} : memref<128x128xf32, #tpu.memory_space<vmem>>, vector<16xf32>,
        %mul3A_244 = arith.mulf %get3A_243, %gather3A : vector<16xf32>
        %swap3A_245 = arith.index_cast %add3A_217 : i32 to index
        %swap3A_246 = arith.constant 48 : index
        %swap3A_247 = tpu.vector_load %arg13[%swap3A_245, %swap3A_246] {strides = array<i32>} : memref<128x128xf32, #tpu.memory_space<vmem>>, vector<16xf32>,
        tpu.vector_store %arg13[%swap3A_245, %swap3A_246], %mul3A_244 {strides = array<i32>} : memref<128x128xf32, #tpu.memory_space<vmem>>, vector<16xf32>,
        %get3A_248 = arith.index_cast %add3A_217 : i32 to index
        %get3A_249 = arith.constant 64 : index
        %get3A_250 = tpu.vector_load %arg13[%get3A_248, %get3A_249] {strides = array<i32>} : memref<128x128xf32, #tpu.memory_space<vmem>>, vector<16xf32>,
        %mul3A_251 = arith.mulf %get3A_250, %gather3A : vector<16xf32>
        %swap3A_252 = arith.index_cast %add3A_217 : i32 to index
        %swap3A_253 = arith.constant 64 : index
        %swap3A_254 = tpu.vector_load %arg13[%swap3A_252, %swap3A_253] {strides = array<i32>} : memref<128x128xf32, #tpu.memory_space<vmem>>, vector<16xf32>,
        tpu.vector_store %arg13[%swap3A_252, %swap3A_253], %mul3A_251 {strides = array<i32>} : memref<128x128xf32, #tpu.memory_space<vmem>>, vector<16xf32>,
        %get3A_255 = arith.index_cast %add3A_217 : i32 to index
        %get3A_256 = arith.constant 80 : index
        %get3A_257 = tpu.vector_load %arg13[%get3A_255, %get3A_256] {strides = array<i32>} : memref<128x128xf32, #tpu.memory_space<vmem>>, vector<16xf32>,
        %mul3A_258 = arith.mulf %get3A_257, %gather3A : vector<16xf32>
        %swap3A_259 = arith.index_cast %add3A_217 : i32 to index
        %swap3A_260 = arith.constant 80 : index
        %swap3A_261 = tpu.vector_load %arg13[%swap3A_259, %swap3A_260] {strides = array<i32>} : memref<128x128xf32, #tpu.memory_space<vmem>>, vector<16xf32>,
        tpu.vector_store %arg13[%swap3A_259, %swap3A_260], %mul3A_258 {strides = array<i32>} : memref<128x128xf32, #tpu.memory_space<vmem>>, vector<16xf32>,
        %get3A_262 = arith.index_cast %add3A_217 : i32 to index
        %get3A_263 = arith.constant 96 : index
        %get3A_264 = tpu.vector_load %arg13[%get3A_262, %get3A_263] {strides = array<i32>} : memref<128x128xf32, #tpu.memory_space<vmem>>, vector<16xf32>,
        %mul3A_265 = arith.mulf %get3A_264, %gather3A : vector<16xf32>
        %swap3A_266 = arith.index_cast %add3A_217 : i32 to index
        %swap3A_267 = arith.constant 96 : index
        %swap3A_268 = tpu.vector_load %arg13[%swap3A_266, %swap3A_267] {strides = array<i32>} : memref<128x128xf32, #tpu.memory_space<vmem>>, vector<16xf32>,
        tpu.vector_store %arg13[%swap3A_266, %swap3A_267], %mul3A_265 {strides = array<i32>} : memref<128x128xf32, #tpu.memory_space<vmem>>, vector<16xf32>,
        %get3A_269 = arith.index_cast %add3A_217 : i32 to index
        %get3A_270 = arith.constant 112 : index
        %get3A_271 = tpu.vector_load %arg13[%get3A_269, %get3A_270] {strides = array<i32>} : memref<128x128xf32, #tpu.memory_space<vmem>>, vector<16xf32>,
        %mul3A_272 = arith.mulf %get3A_271, %gather3A : vector<16xf32>
        %swap3A_273 = arith.index_cast %add3A_217 : i32 to index
        %swap3A_274 = arith.constant 112 : index
        %swap3A_275 = tpu.vector_load %arg13[%swap3A_273, %swap3A_274] {strides = array<i32>} : memref<128x128xf32, #tpu.memory_space<vmem>>, vector<16xf32>,
        tpu.vector_store %arg13[%swap3A_273, %swap3A_274], %mul3A_272 {strides = array<i32>} : memref<128x128xf32, #tpu.memory_space<vmem>>, vector<16xf32>,
      }
      %scan3A_146 = arith.constant 128 : i32
      %add3A_147 = arith.constant 1 : i32
      %add3A_148 = arith.addi %add3A_64, %add3A_147 : i32
      %rem3A_149 = arith.constant 10 : i32
      %rem3A_150 = arith.remsi %add3A_148, %rem3A_149 : i32
      %mul3A_151 = arith.constant 128 : i32
      %mul3A_152 = arith.muli %rem3A_150, %mul3A_151 : i32
      %add3A_153 = arith.constant 0 : i32
      %add3A_154 = arith.addi %mul3A_152, %add3A_153 : i32
      %get3A_155 = arith.index_cast %add3A_154 : i32 to index
      %get3A_156 = tpu.vector_load %arg8[%get3A_155] {strides = array<i32>} : memref<1280xi32, #tpu.memory_space<vmem>>, vector<16xi32>,
      %swap3A_157 = arith.constant 0 : index
      %swap3A_158 = tpu.vector_load %arg11[%swap3A_157] {strides = array<i32>} : memref<128xi32, #tpu.memory_space<vmem>>, vector<16xi32>,
      tpu.vector_store %arg11[%swap3A_157], %get3A_156 {strides = array<i32>} : memref<128xi32, #tpu.memory_space<vmem>>, vector<16xi32>,
      %add3A_159 = arith.constant 16 : i32
      %add3A_160 = arith.addi %mul3A_152, %add3A_159 : i32
      %get3A_161 = arith.index_cast %add3A_160 : i32 to index
      %get3A_162 = tpu.vector_load %arg8[%get3A_161] {strides = array<i32>} : memref<1280xi32, #tpu.memory_space<vmem>>, vector<16xi32>,
      %swap3A_163 = arith.constant 16 : index
      %swap3A_164 = tpu.vector_load %arg11[%swap3A_163] {strides = array<i32>} : memref<128xi32, #tpu.memory_space<vmem>>, vector<16xi32>,
      tpu.vector_store %arg11[%swap3A_163], %get3A_162 {strides = array<i32>} : memref<128xi32, #tpu.memory_space<vmem>>, vector<16xi32>,
      %add3A_165 = arith.constant 32 : i32
      %add3A_166 = arith.addi %mul3A_152, %add3A_165 : i32
      %get3A_167 = arith.index_cast %add3A_166 : i32 to index
      %get3A_168 = tpu.vector_load %arg8[%get3A_167] {strides = array<i32>} : memref<1280xi32, #tpu.memory_space<vmem>>, vector<16xi32>,
      %swap3A_169 = arith.constant 32 : index
      %swap3A_170 = tpu.vector_load %arg11[%swap3A_169] {strides = array<i32>} : memref<128xi32, #tpu.memory_space<vmem>>, vector<16xi32>,
      tpu.vector_store %arg11[%swap3A_169], %get3A_168 {strides = array<i32>} : memref<128xi32, #tpu.memory_space<vmem>>, vector<16xi32>,
      %add3A_171 = arith.constant 48 : i32
      %add3A_172 = arith.addi %mul3A_152, %add3A_171 : i32
      %get3A_173 = arith.index_cast %add3A_172 : i32 to index
      %get3A_174 = tpu.vector_load %arg8[%get3A_173] {strides = array<i32>} : memref<1280xi32, #tpu.memory_space<vmem>>, vector<16xi32>,
      %swap3A_175 = arith.constant 48 : index
      %swap3A_176 = tpu.vector_load %arg11[%swap3A_175] {strides = array<i32>} : memref<128xi32, #tpu.memory_space<vmem>>, vector<16xi32>,
      tpu.vector_store %arg11[%swap3A_175], %get3A_174 {strides = array<i32>} : memref<128xi32, #tpu.memory_space<vmem>>, vector<16xi32>,
      %add3A_177 = arith.constant 64 : i32
      %add3A_178 = arith.addi %mul3A_152, %add3A_177 : i32
      %get3A_179 = arith.index_cast %add3A_178 : i32 to index
      %get3A_180 = tpu.vector_load %arg8[%get3A_179] {strides = array<i32>} : memref<1280xi32, #tpu.memory_space<vmem>>, vector<16xi32>,
      %swap3A_181 = arith.constant 64 : index
      %swap3A_182 = tpu.vector_load %arg11[%swap3A_181] {strides = array<i32>} : memref<128xi32, #tpu.memory_space<vmem>>, vector<16xi32>,
      tpu.vector_store %arg11[%swap3A_181], %get3A_180 {strides = array<i32>} : memref<128xi32, #tpu.memory_space<vmem>>, vector<16xi32>,
      %add3A_183 = arith.constant 80 : i32
      %add3A_184 = arith.addi %mul3A_152, %add3A_183 : i32
      %get3A_185 = arith.index_cast %add3A_184 : i32 to index
      %get3A_186 = tpu.vector_load %arg8[%get3A_185] {strides = array<i32>} : memref<1280xi32, #tpu.memory_space<vmem>>, vector<16xi32>,
      %swap3A_187 = arith.constant 80 : index
      %swap3A_188 = tpu.vector_load %arg11[%swap3A_187] {strides = array<i32>} : memref<128xi32, #tpu.memory_space<vmem>>, vector<16xi32>,
      tpu.vector_store %arg11[%swap3A_187], %get3A_186 {strides = array<i32>} : memref<128xi32, #tpu.memory_space<vmem>>, vector<16xi32>,
      %add3A_189 = arith.constant 96 : i32
      %add3A_190 = arith.addi %mul3A_152, %add3A_189 : i32
      %get3A_191 = arith.index_cast %add3A_190 : i32 to index
      %get3A_192 = tpu.vector_load %arg8[%get3A_191] {strides = array<i32>} : memref<1280xi32, #tpu.memory_space<vmem>>, vector<16xi32>,
      %swap3A_193 = arith.constant 96 : index
      %swap3A_194 = tpu.vector_load %arg11[%swap3A_193] {strides = array<i32>} : memref<128xi32, #tpu.memory_space<vmem>>, vector<16xi32>,
      tpu.vector_store %arg11[%swap3A_193], %get3A_192 {strides = array<i32>} : memref<128xi32, #tpu.memory_space<vmem>>, vector<16xi32>,
      %add3A_195 = arith.constant 112 : i32
      %add3A_196 = arith.addi %mul3A_152, %add3A_195 : i32
      %get3A_197 = arith.index_cast %add3A_196 : i32 to index
      %get3A_198 = tpu.vector_load %arg8[%get3A_197] {strides = array<i32>} : memref<1280xi32, #tpu.memory_space<vmem>>, vector<16xi32>,
      %swap3A_199 = arith.constant 112 : index
      %swap3A_200 = tpu.vector_load %arg11[%swap3A_199] {strides = array<i32>} : memref<128xi32, #tpu.memory_space<vmem>>, vector<16xi32>,
      tpu.vector_store %arg11[%swap3A_199], %get3A_198 {strides = array<i32>} : memref<128xi32, #tpu.memory_space<vmem>>, vector<16xi32>,
      %dma_start3A_201 = arith.constant 0 : i32
      %dma_start3A_202 = arith.constant 0 : i32
      %dma_start3A_203 = tpu.memref_slice %arg14[%dma_start3A_201, %dma_start3A_202] : memref<10240x128xf32, #tpu.memory_space<vmem_shared>> -> memref<10240x128xf32, #tpu.memory_space<vmem_shared>>
      tpu.enqueue_indirect_dma source(%arg13 : memref<128x128xf32, #tpu.memory_space<vmem>>) target(%dma_start3A_203 : memref<10240x128xf32, #tpu.memory_space<vmem_shared>>) offsets(%arg11 : memref<128xi32, #tpu.memory_space<vmem>>) semaphore(%arg18 : memref<!tpu.dma_semaphore, #tpu.memory_space<semaphore_mem>>) {add = true}
      %dma_wait3A_204 = arith.constant 0 : i32
      %dma_wait3A_205 = arith.constant 0 : i32
      %dma_wait3A_206 = tpu.memref_slice %arg14[%dma_wait3A_204, %dma_wait3A_205] : memref<10240x128xf32, #tpu.memory_space<vmem_shared>> -> memref<10240x128xf32, #tpu.memory_space<vmem_shared>>
      tpu.wait_indirect_dma semaphore(%arg17 : memref<!tpu.dma_semaphore, #tpu.memory_space<semaphore_mem>>) src(%arg12 : memref<128x128xf32, #tpu.memory_space<vmem>>) dst(%dma_wait3A_206 : memref<10240x128xf32, #tpu.memory_space<vmem_shared>>)
      %dma_wait3A_207 = arith.constant 0 : i32
      %dma_wait3A_208 = arith.constant 0 : i32
      %dma_wait3A_209 = tpu.memref_slice %arg14[%dma_wait3A_207, %dma_wait3A_208] : memref<10240x128xf32, #tpu.memory_space<vmem_shared>> -> memref<10240x128xf32, #tpu.memory_space<vmem_shared>>
      tpu.wait_indirect_dma semaphore(%arg18 : memref<!tpu.dma_semaphore, #tpu.memory_space<semaphore_mem>>) src(%arg13 : memref<128x128xf32, #tpu.memory_space<vmem>>) dst(%dma_wait3A_209 : memref<10240x128xf32, #tpu.memory_space<vmem_shared>>)
      %add3A_210 = arith.constant 2 : i32
      %add3A_211 = arith.addi %add3A_64, %add3A_210 : i32
      %lt3A = arith.cmpi slt, %add3A_211, %select_n3A : i32
      %convert_element_type3A = arith.extui %lt3A : i1 to i32
      %cond3A = arith.constant 0 : i32
      %cond3A_212 = arith.cmpi ne, %convert_element_type3A, %cond3A : i32
      scf.if %cond3A_212 {
        %add3A_213 = arith.constant 2 : i32
        %add3A_214 = arith.addi %add3A_64, %add3A_213 : i32
        %rem3A_215 = arith.constant 10 : i32
        %rem3A_216 = arith.remsi %add3A_214, %rem3A_215 : i32
        %eq3A_217 = arith.constant 0 : i32
        %eq3A_218 = arith.cmpi eq, %rem3A_216, %eq3A_217 : i32
        %convert_element_type3A_219 = arith.extui %eq3A_218 : i1 to i32
        %cond3A_220 = arith.constant 0 : i32
        %cond3A_221 = arith.cmpi ne, %convert_element_type3A_219, %cond3A_220 : i32
        scf.if %cond3A_221 {
          %add3A_242 = arith.constant 2 : i32
          %add3A_243 = arith.addi %add3A_64, %add3A_242 : i32
          %jit3A_244 = arith.constant 10 : i32
          %div3A_245 = arith.divsi %add3A_243, %jit3A_244 : i32
          %sign3A = arith.constant 0 : i32
          %sign3A_246 = arith.cmpi sgt, %add3A_243, %sign3A : i32
          %sign3A_247 = arith.extui %sign3A_246 : i1 to i32
          %sign3A_248 = arith.constant 0 : i32
          %sign3A_249 = arith.cmpi slt, %add3A_243, %sign3A_248 : i32
          %sign3A_250 = arith.extui %sign3A_249 : i1 to i32
          %sign3A_251 = arith.subi %sign3A_247, %sign3A_250 : i32
          %sign3A_252 = arith.constant 0 : i32
          %sign3A_253 = arith.cmpi sgt, %jit3A_244, %sign3A_252 : i32
          %sign3A_254 = arith.extui %sign3A_253 : i1 to i32
          %sign3A_255 = arith.constant 0 : i32
          %sign3A_256 = arith.cmpi slt, %jit3A_244, %sign3A_255 : i32
          %sign3A_257 = arith.extui %sign3A_256 : i1 to i32
          %sign3A_258 = arith.subi %sign3A_254, %sign3A_257 : i32
          %ne3A = arith.cmpi ne, %sign3A_251, %sign3A_258 : i32
          %rem3A_259 = arith.remsi %add3A_243, %jit3A_244 : i32
          %ne3A_260 = arith.constant 0 : i32
          %ne3A_261 = arith.cmpi ne, %rem3A_259, %ne3A_260 : i32
          %and3A = arith.andi %ne3A, %ne3A_261 : i1
          %sub3A_262 = arith.constant 1 : i32
          %sub3A_263 = arith.subi %div3A_245, %sub3A_262 : i32
          %select_n3A_264 = arith.select %and3A, %sub3A_263, %div3A_245 : i32
          %mul3A_265 = arith.constant 10 : i32
          %mul3A_266 = arith.muli %select_n3A_264, %mul3A_265 : i32
          %add3A_267 = arith.addi %select_n3A_18, %mul3A_266 : i32
          %mul3A_268 = arith.constant 128 : i32
          %mul3A_269 = arith.muli %add3A_267, %mul3A_268 : i32
          "tpu.region"() ({
            %run_scoped3A = tpu.sem_alloc : memref<!tpu.dma_semaphore, #tpu.memory_space<semaphore_mem>>
            %dma_start3A_270 = tpu.memref_slice %arg3[%mul3A_269] : memref<327680xi32, #tpu.memory_space<hbm>> -> memref<1280xi32, #tpu.memory_space<hbm>>
            %dma_start3A_271 = tpu.memref_slice %arg3[%mul3A_269] : memref<327680xi32, #tpu.memory_space<hbm>> -> memref<1280xi32, #tpu.memory_space<hbm>>
            tpu.enqueue_dma source(%dma_start3A_271 : memref<1280xi32, #tpu.memory_space<hbm>>) target(%arg7 : memref<1280xi32, #tpu.memory_space<vmem>>) target_semaphore(%run_scoped3A : memref<!tpu.dma_semaphore, #tpu.memory_space<semaphore_mem>>)
            %dma_wait3A_272 = tpu.memref_slice %arg3[%mul3A_269] : memref<327680xi32, #tpu.memory_space<hbm>> -> memref<1280xi32, #tpu.memory_space<hbm>>
            %dma_wait3A_273 = tpu.memref_slice %arg3[%mul3A_269] : memref<327680xi32, #tpu.memory_space<hbm>> -> memref<1280xi32, #tpu.memory_space<hbm>>
            tpu.wait_dma2 semaphore(%run_scoped3A : memref<!tpu.dma_semaphore, #tpu.memory_space<semaphore_mem>>) src(%dma_wait3A_273 : memref<1280xi32, #tpu.memory_space<hbm>>) dst(%arg7 : memref<1280xi32, #tpu.memory_space<vmem>>)
            tpu.yield
          }) : () -> ()
          "tpu.region"() ({
            %run_scoped3A = tpu.sem_alloc : memref<!tpu.dma_semaphore, #tpu.memory_space<semaphore_mem>>
            %dma_start3A_270 = tpu.memref_slice %arg4[%mul3A_269] : memref<327680xi32, #tpu.memory_space<hbm>> -> memref<1280xi32, #tpu.memory_space<hbm>>
            %dma_start3A_271 = tpu.memref_slice %arg4[%mul3A_269] : memref<327680xi32, #tpu.memory_space<hbm>> -> memref<1280xi32, #tpu.memory_space<hbm>>
            tpu.enqueue_dma source(%dma_start3A_271 : memref<1280xi32, #tpu.memory_space<hbm>>) target(%arg8 : memref<1280xi32, #tpu.memory_space<vmem>>) target_semaphore(%run_scoped3A : memref<!tpu.dma_semaphore, #tpu.memory_space<semaphore_mem>>)
            %dma_wait3A_272 = tpu.memref_slice %arg4[%mul3A_269] : memref<327680xi32, #tpu.memory_space<hbm>> -> memref<1280xi32, #tpu.memory_space<hbm>>
            %dma_wait3A_273 = tpu.memref_slice %arg4[%mul3A_269] : memref<327680xi32, #tpu.memory_space<hbm>> -> memref<1280xi32, #tpu.memory_space<hbm>>
            tpu.wait_dma2 semaphore(%run_scoped3A : memref<!tpu.dma_semaphore, #tpu.memory_space<semaphore_mem>>) src(%dma_wait3A_273 : memref<1280xi32, #tpu.memory_space<hbm>>) dst(%arg8 : memref<1280xi32, #tpu.memory_space<vmem>>)
            tpu.yield
          }) : () -> ()
          "tpu.region"() ({
            %run_scoped3A = tpu.sem_alloc : memref<!tpu.dma_semaphore, #tpu.memory_space<semaphore_mem>>
            %dma_start3A_270 = tpu.memref_slice %arg5[%mul3A_269] : memref<327680xf32, #tpu.memory_space<hbm>> -> memref<1280xf32, #tpu.memory_space<hbm>>
            %dma_start3A_271 = tpu.memref_slice %arg5[%mul3A_269] : memref<327680xf32, #tpu.memory_space<hbm>> -> memref<1280xf32, #tpu.memory_space<hbm>>
            tpu.enqueue_dma source(%dma_start3A_271 : memref<1280xf32, #tpu.memory_space<hbm>>) target(%arg9 : memref<1280xf32, #tpu.memory_space<vmem>>) target_semaphore(%run_scoped3A : memref<!tpu.dma_semaphore, #tpu.memory_space<semaphore_mem>>)
            %dma_wait3A_272 = tpu.memref_slice %arg5[%mul3A_269] : memref<327680xf32, #tpu.memory_space<hbm>> -> memref<1280xf32, #tpu.memory_space<hbm>>
            %dma_wait3A_273 = tpu.memref_slice %arg5[%mul3A_269] : memref<327680xf32, #tpu.memory_space<hbm>> -> memref<1280xf32, #tpu.memory_space<hbm>>
            tpu.wait_dma2 semaphore(%run_scoped3A : memref<!tpu.dma_semaphore, #tpu.memory_space<semaphore_mem>>) src(%dma_wait3A_273 : memref<1280xf32, #tpu.memory_space<hbm>>) dst(%arg9 : memref<1280xf32, #tpu.memory_space<vmem>>)
            tpu.yield
          }) : () -> ()
        } else {
        }
        %add3A_222 = arith.constant 2 : i32
        %add3A_223 = arith.addi %add3A_64, %add3A_222 : i32
        %rem3A_224 = arith.constant 10 : i32
        %rem3A_225 = arith.remsi %add3A_223, %rem3A_224 : i32
        %mul3A_226 = arith.constant 128 : i32
        %mul3A_227 = arith.muli %rem3A_225, %mul3A_226 : i32
        %dma_start3A_228 = tpu.memref_slice %arg7[%mul3A_227] : memref<1280xi32, #tpu.memory_space<vmem>> -> memref<128xi32, #tpu.memory_space<vmem>>
        %dma_start3A_229 = arith.constant 0 : i32
        %dma_start3A_230 = arith.constant 0 : i32
        %dma_start3A_231 = tpu.memref_slice %arg2[%dma_start3A_229, %dma_start3A_230] : memref<10240x128xf32, #tpu.memory_space<hbm>> -> memref<10240x128xf32, #tpu.memory_space<hbm>>
        tpu.enqueue_indirect_dma source(%dma_start3A_231 : memref<10240x128xf32, #tpu.memory_space<hbm>>) target(%arg12 : memref<128x128xf32, #tpu.memory_space<vmem>>) offsets(%dma_start3A_228 : memref<128xi32, #tpu.memory_space<vmem>>) semaphore(%arg15 : memref<!tpu.dma_semaphore, #tpu.memory_space<semaphore_mem>>)
        %add3A_232 = arith.constant 3 : i32
        %add3A_233 = arith.addi %add3A_64, %add3A_232 : i32
        %rem3A_234 = arith.constant 10 : i32
        %rem3A_235 = arith.remsi %add3A_233, %rem3A_234 : i32
        %mul3A_236 = arith.constant 128 : i32
        %mul3A_237 = arith.muli %rem3A_235, %mul3A_236 : i32
        %dma_start3A_238 = tpu.memref_slice %arg7[%mul3A_237] : memref<1280xi32, #tpu.memory_space<vmem>> -> memref<128xi32, #tpu.memory_space<vmem>>
        %dma_start3A_239 = arith.constant 0 : i32
        %dma_start3A_240 = arith.constant 0 : i32
        %dma_start3A_241 = tpu.memref_slice %arg2[%dma_start3A_239, %dma_start3A_240] : memref<10240x128xf32, #tpu.memory_space<hbm>> -> memref<10240x128xf32, #tpu.memory_space<hbm>>
        tpu.enqueue_indirect_dma source(%dma_start3A_241 : memref<10240x128xf32, #tpu.memory_space<hbm>>) target(%arg13 : memref<128x128xf32, #tpu.memory_space<vmem>>) offsets(%dma_start3A_238 : memref<128xi32, #tpu.memory_space<vmem>>) semaphore(%arg16 : memref<!tpu.dma_semaphore, #tpu.memory_space<semaphore_mem>>)
      } else {
      }
    }
    %barrier3A_57 = arith.constant 0 : index
    tpu.barrier barrier_id(%barrier3A_57)
    %mul3A_58 = arith.constant 640 : i32
    %mul3A_59 = arith.muli %arg1, %mul3A_58 : i32
    %mul3A_60 = arith.constant 640 : i32
    %mul3A_61 = arith.muli %arg1, %mul3A_60 : i32
    "tpu.region"() ({
      %run_scoped3A = tpu.sem_alloc : memref<!tpu.dma_semaphore, #tpu.memory_space<semaphore_mem>>
      %dma_start3A_62 = arith.constant 0 : i32
      %dma_start3A_63 = tpu.memref_slice %arg6[%arg0, %mul3A_61, %dma_start3A_62] : memref<2x10240x128xf32, #tpu.memory_space<hbm>> -> memref<1x640x128xf32, #tpu.memory_space<hbm>>
      %dma_start3A_64 = tpu.memref_squeeze %dma_start3A_63 : memref<1x640x128xf32, #tpu.memory_space<hbm>> -> memref<640x128xf32, #tpu.memory_space<hbm>>
      %dma_start3A_65 = arith.constant 0 : i32
      %dma_start3A_66 = tpu.memref_slice %arg14[%mul3A_59, %dma_start3A_65] : memref<10240x128xf32, #tpu.memory_space<vmem_shared>> -> memref<640x128xf32, #tpu.memory_space<vmem_shared>>
      tpu.enqueue_dma source(%dma_start3A_66 : memref<640x128xf32, #tpu.memory_space<vmem_shared>>) target(%dma_start3A_64 : memref<640x128xf32, #tpu.memory_space<hbm>>) target_semaphore(%run_scoped3A : memref<!tpu.dma_semaphore, #tpu.memory_space<semaphore_mem>>)
      %dma_wait3A = arith.constant 0 : i32
      %dma_wait3A_67 = tpu.memref_slice %arg6[%arg0, %mul3A_61, %dma_wait3A] : memref<2x10240x128xf32, #tpu.memory_space<hbm>> -> memref<1x640x128xf32, #tpu.memory_space<hbm>>
      %dma_wait3A_68 = tpu.memref_squeeze %dma_wait3A_67 : memref<1x640x128xf32, #tpu.memory_space<hbm>> -> memref<640x128xf32, #tpu.memory_space<hbm>>
      %dma_wait3A_69 = arith.constant 0 : i32
      %dma_wait3A_70 = tpu.memref_slice %arg14[%mul3A_59, %dma_wait3A_69] : memref<10240x128xf32, #tpu.memory_space<vmem_shared>> -> memref<640x128xf32, #tpu.memory_space<vmem_shared>>
      tpu.wait_dma2 semaphore(%run_scoped3A : memref<!tpu.dma_semaphore, #tpu.memory_space<semaphore_mem>>) src(%dma_wait3A_70 : memref<640x128xf32, #tpu.memory_space<vmem_shared>>) dst(%dma_wait3A_68 : memref<640x128xf32, #tpu.memory_space<hbm>>)
      tpu.yield
    }) : () -> ()
    return
  }
}

#map = affine_map<(d0, d1) -> (0, 0)>
#map1 = affine_map<(d0, d1) -> (0)>
#map2 = affine_map<(d0, d1) -> (0, 0, 0)>
module attributes {stable_mosaic.version = 14 : i64} {
  func.func @sc_spmm_d64(%arg0: i32, %arg1: i32, %arg2: memref<10240x64xf32, #tpu.memory_space<hbm>>, %arg3: memref<327680xi32, #tpu.memory_space<hbm>>, %arg4: memref<327680xi32, #tpu.memory_space<hbm>>, %arg5: memref<327680xf32, #tpu.memory_space<hbm>>, %arg6: memref<2x10240x64xf32, #tpu.memory_space<hbm>>, %arg7: memref<1280xi32, #tpu.memory_space<vmem>>, %arg8: memref<1280xi32, #tpu.memory_space<vmem>>, %arg9: memref<1280xf32, #tpu.memory_space<vmem>>, %arg10: memref<128xi32, #tpu.memory_space<vmem>>, %arg11: memref<128xi32, #tpu.memory_space<vmem>>, %arg12: memref<128x64xf32, #tpu.memory_space<vmem>>, %arg13: memref<128x64xf32, #tpu.memory_space<vmem>>, %arg14: memref<10240x64xf32, #tpu.memory_space<vmem_shared>>, %arg15: memref<!tpu.dma_semaphore, #tpu.memory_space<semaphore_mem>>, %arg16: memref<!tpu.dma_semaphore, #tpu.memory_space<semaphore_mem>>, %arg17: memref<!tpu.dma_semaphore, #tpu.memory_space<semaphore_mem>>, %arg18: memref<!tpu.dma_semaphore, #tpu.memory_space<semaphore_mem>>) attributes {dimension_semantics = [#tpu.dimension_semantics<core_parallel>, #tpu.dimension_semantics<subcore_parallel>], iteration_bounds = array<i64: 2, 16>, scalar_prefetch = 0 : i64, scratch_operands = 12 : i64, tpu.core_type = #tpu.core_type<sc_vector_subcore>, window_params = [{transform_indices = #map}, {transform_indices = #map1}, {transform_indices = #map1}, {transform_indices = #map1}, {transform_indices = #map2}]} {
    %broadcast_in_dim3A = arith.constant 0.000000e+00 : f32
    %broadcast_in_dim3A_0 = vector.broadcast %broadcast_in_dim3A : f32 to vector<16xf32>
    %scan3A = arith.constant 0 : i32
    %scan3A_1 = arith.constant 128 : i32
    %scan3A_2 = arith.addi %scan3A, %scan3A_1 : i32
    %scan3A_3 = arith.constant 1 : i32
    scf.for %scan3A_62 = %scan3A to %scan3A_2 step %scan3A_3  : i32 {
      %mul3A_63 = arith.constant 1 : i32
      %mul3A_64 = arith.muli %scan3A_62, %mul3A_63 : i32
      %add3A_65 = arith.constant 0 : i32
      %add3A_66 = arith.addi %add3A_65, %mul3A_64 : i32
      %swap3A = arith.index_cast %add3A_66 : i32 to index
      %swap3A_67 = arith.constant 0 : index
      %swap3A_68 = tpu.vector_load %arg12[%swap3A, %swap3A_67] {strides = array<i32>} : memref<128x64xf32, #tpu.memory_space<vmem>>, vector<16xf32>,
      tpu.vector_store %arg12[%swap3A, %swap3A_67], %broadcast_in_dim3A_0 {strides = array<i32>} : memref<128x64xf32, #tpu.memory_space<vmem>>, vector<16xf32>,
      %swap3A_69 = arith.index_cast %add3A_66 : i32 to index
      %swap3A_70 = arith.constant 16 : index
      %swap3A_71 = tpu.vector_load %arg12[%swap3A_69, %swap3A_70] {strides = array<i32>} : memref<128x64xf32, #tpu.memory_space<vmem>>, vector<16xf32>,
      tpu.vector_store %arg12[%swap3A_69, %swap3A_70], %broadcast_in_dim3A_0 {strides = array<i32>} : memref<128x64xf32, #tpu.memory_space<vmem>>, vector<16xf32>,
      %swap3A_72 = arith.index_cast %add3A_66 : i32 to index
      %swap3A_73 = arith.constant 32 : index
      %swap3A_74 = tpu.vector_load %arg12[%swap3A_72, %swap3A_73] {strides = array<i32>} : memref<128x64xf32, #tpu.memory_space<vmem>>, vector<16xf32>,
      tpu.vector_store %arg12[%swap3A_72, %swap3A_73], %broadcast_in_dim3A_0 {strides = array<i32>} : memref<128x64xf32, #tpu.memory_space<vmem>>, vector<16xf32>,
      %swap3A_75 = arith.index_cast %add3A_66 : i32 to index
      %swap3A_76 = arith.constant 48 : index
      %swap3A_77 = tpu.vector_load %arg12[%swap3A_75, %swap3A_76] {strides = array<i32>} : memref<128x64xf32, #tpu.memory_space<vmem>>, vector<16xf32>,
      tpu.vector_store %arg12[%swap3A_75, %swap3A_76], %broadcast_in_dim3A_0 {strides = array<i32>} : memref<128x64xf32, #tpu.memory_space<vmem>>, vector<16xf32>,
    }
    %scan3A_4 = arith.constant 128 : i32
    %scan3A_5 = arith.constant 0 : i32
    %scan3A_6 = arith.constant 5 : i32
    %scan3A_7 = arith.addi %scan3A_5, %scan3A_6 : i32
    %scan3A_8 = arith.constant 1 : i32
    scf.for %scan3A_62 = %scan3A_5 to %scan3A_7 step %scan3A_8  : i32 {
      %mul3A_63 = arith.constant 1 : i32
      %mul3A_64 = arith.muli %scan3A_62, %mul3A_63 : i32
      %add3A_65 = arith.constant 0 : i32
      %add3A_66 = arith.addi %add3A_65, %mul3A_64 : i32
      %mul3A_67 = arith.constant 640 : i32
      %mul3A_68 = arith.muli %arg1, %mul3A_67 : i32
      %mul3A_69 = arith.constant 128 : i32
      %mul3A_70 = arith.muli %add3A_66, %mul3A_69 : i32
      %add3A_71 = arith.addi %mul3A_68, %mul3A_70 : i32
      "tpu.region"() ({
        %run_scoped3A = tpu.sem_alloc : memref<!tpu.dma_semaphore, #tpu.memory_space<semaphore_mem>>
        %dma_start3A_72 = arith.constant 0 : i32
        %dma_start3A_73 = tpu.memref_slice %arg14[%add3A_71, %dma_start3A_72] : memref<10240x64xf32, #tpu.memory_space<vmem_shared>> -> memref<128x64xf32, #tpu.memory_space<vmem_shared>>
        %dma_start3A_74 = arith.constant 0 : i32
        %dma_start3A_75 = tpu.memref_slice %arg14[%add3A_71, %dma_start3A_74] : memref<10240x64xf32, #tpu.memory_space<vmem_shared>> -> memref<128x64xf32, #tpu.memory_space<vmem_shared>>
        tpu.enqueue_dma source(%arg12 : memref<128x64xf32, #tpu.memory_space<vmem>>) target(%dma_start3A_75 : memref<128x64xf32, #tpu.memory_space<vmem_shared>>) target_semaphore(%run_scoped3A : memref<!tpu.dma_semaphore, #tpu.memory_space<semaphore_mem>>)
        %dma_wait3A = arith.constant 0 : i32
        %dma_wait3A_76 = tpu.memref_slice %arg14[%add3A_71, %dma_wait3A] : memref<10240x64xf32, #tpu.memory_space<vmem_shared>> -> memref<128x64xf32, #tpu.memory_space<vmem_shared>>
        %dma_wait3A_77 = arith.constant 0 : i32
        %dma_wait3A_78 = tpu.memref_slice %arg14[%add3A_71, %dma_wait3A_77] : memref<10240x64xf32, #tpu.memory_space<vmem_shared>> -> memref<128x64xf32, #tpu.memory_space<vmem_shared>>
        tpu.wait_dma2 semaphore(%run_scoped3A : memref<!tpu.dma_semaphore, #tpu.memory_space<semaphore_mem>>) src(%arg12 : memref<128x64xf32, #tpu.memory_space<vmem>>) dst(%dma_wait3A_78 : memref<128x64xf32, #tpu.memory_space<vmem_shared>>)
        tpu.yield
      }) : () -> ()
    }
    %scan3A_9 = arith.constant 5 : i32
    %barrier3A = arith.constant 0 : index
    tpu.barrier barrier_id(%barrier3A)
    %eq3A = arith.constant 0 : i32
    %eq3A_10 = arith.cmpi eq, %arg0, %eq3A : i32
    %jit3A = arith.constant 130 : i32
    %jit3A_11 = arith.constant 30 : i32
    %select_n3A = arith.select %eq3A_10, %jit3A, %jit3A_11 : i32
    %eq3A_12 = arith.constant 0 : i32
    %eq3A_13 = arith.cmpi eq, %arg0, %eq3A_12 : i32
    %mul3A = arith.constant 130 : i32
    %mul3A_14 = arith.muli %arg1, %mul3A : i32
    %mul3A_15 = arith.constant 30 : i32
    %mul3A_16 = arith.muli %arg1, %mul3A_15 : i32
    %add3A = arith.constant 2080 : i32
    %add3A_17 = arith.addi %add3A, %mul3A_16 : i32
    %select_n3A_18 = arith.select %eq3A_13, %mul3A_14, %add3A_17 : i32
    %mul3A_19 = arith.constant 0 : i32
    %mul3A_20 = arith.constant 10 : i32
    %mul3A_21 = arith.muli %mul3A_19, %mul3A_20 : i32
    %add3A_22 = arith.addi %select_n3A_18, %mul3A_21 : i32
    %mul3A_23 = arith.constant 128 : i32
    %mul3A_24 = arith.muli %add3A_22, %mul3A_23 : i32
    "tpu.region"() ({
      %run_scoped3A = tpu.sem_alloc : memref<!tpu.dma_semaphore, #tpu.memory_space<semaphore_mem>>
      %dma_start3A_62 = tpu.memref_slice %arg3[%mul3A_24] : memref<327680xi32, #tpu.memory_space<hbm>> -> memref<1280xi32, #tpu.memory_space<hbm>>
      %dma_start3A_63 = tpu.memref_slice %arg3[%mul3A_24] : memref<327680xi32, #tpu.memory_space<hbm>> -> memref<1280xi32, #tpu.memory_space<hbm>>
      tpu.enqueue_dma source(%dma_start3A_63 : memref<1280xi32, #tpu.memory_space<hbm>>) target(%arg7 : memref<1280xi32, #tpu.memory_space<vmem>>) target_semaphore(%run_scoped3A : memref<!tpu.dma_semaphore, #tpu.memory_space<semaphore_mem>>)
      %dma_wait3A = tpu.memref_slice %arg3[%mul3A_24] : memref<327680xi32, #tpu.memory_space<hbm>> -> memref<1280xi32, #tpu.memory_space<hbm>>
      %dma_wait3A_64 = tpu.memref_slice %arg3[%mul3A_24] : memref<327680xi32, #tpu.memory_space<hbm>> -> memref<1280xi32, #tpu.memory_space<hbm>>
      tpu.wait_dma2 semaphore(%run_scoped3A : memref<!tpu.dma_semaphore, #tpu.memory_space<semaphore_mem>>) src(%dma_wait3A_64 : memref<1280xi32, #tpu.memory_space<hbm>>) dst(%arg7 : memref<1280xi32, #tpu.memory_space<vmem>>)
      tpu.yield
    }) : () -> ()
    "tpu.region"() ({
      %run_scoped3A = tpu.sem_alloc : memref<!tpu.dma_semaphore, #tpu.memory_space<semaphore_mem>>
      %dma_start3A_62 = tpu.memref_slice %arg4[%mul3A_24] : memref<327680xi32, #tpu.memory_space<hbm>> -> memref<1280xi32, #tpu.memory_space<hbm>>
      %dma_start3A_63 = tpu.memref_slice %arg4[%mul3A_24] : memref<327680xi32, #tpu.memory_space<hbm>> -> memref<1280xi32, #tpu.memory_space<hbm>>
      tpu.enqueue_dma source(%dma_start3A_63 : memref<1280xi32, #tpu.memory_space<hbm>>) target(%arg8 : memref<1280xi32, #tpu.memory_space<vmem>>) target_semaphore(%run_scoped3A : memref<!tpu.dma_semaphore, #tpu.memory_space<semaphore_mem>>)
      %dma_wait3A = tpu.memref_slice %arg4[%mul3A_24] : memref<327680xi32, #tpu.memory_space<hbm>> -> memref<1280xi32, #tpu.memory_space<hbm>>
      %dma_wait3A_64 = tpu.memref_slice %arg4[%mul3A_24] : memref<327680xi32, #tpu.memory_space<hbm>> -> memref<1280xi32, #tpu.memory_space<hbm>>
      tpu.wait_dma2 semaphore(%run_scoped3A : memref<!tpu.dma_semaphore, #tpu.memory_space<semaphore_mem>>) src(%dma_wait3A_64 : memref<1280xi32, #tpu.memory_space<hbm>>) dst(%arg8 : memref<1280xi32, #tpu.memory_space<vmem>>)
      tpu.yield
    }) : () -> ()
    "tpu.region"() ({
      %run_scoped3A = tpu.sem_alloc : memref<!tpu.dma_semaphore, #tpu.memory_space<semaphore_mem>>
      %dma_start3A_62 = tpu.memref_slice %arg5[%mul3A_24] : memref<327680xf32, #tpu.memory_space<hbm>> -> memref<1280xf32, #tpu.memory_space<hbm>>
      %dma_start3A_63 = tpu.memref_slice %arg5[%mul3A_24] : memref<327680xf32, #tpu.memory_space<hbm>> -> memref<1280xf32, #tpu.memory_space<hbm>>
      tpu.enqueue_dma source(%dma_start3A_63 : memref<1280xf32, #tpu.memory_space<hbm>>) target(%arg9 : memref<1280xf32, #tpu.memory_space<vmem>>) target_semaphore(%run_scoped3A : memref<!tpu.dma_semaphore, #tpu.memory_space<semaphore_mem>>)
      %dma_wait3A = tpu.memref_slice %arg5[%mul3A_24] : memref<327680xf32, #tpu.memory_space<hbm>> -> memref<1280xf32, #tpu.memory_space<hbm>>
      %dma_wait3A_64 = tpu.memref_slice %arg5[%mul3A_24] : memref<327680xf32, #tpu.memory_space<hbm>> -> memref<1280xf32, #tpu.memory_space<hbm>>
      tpu.wait_dma2 semaphore(%run_scoped3A : memref<!tpu.dma_semaphore, #tpu.memory_space<semaphore_mem>>) src(%dma_wait3A_64 : memref<1280xf32, #tpu.memory_space<hbm>>) dst(%arg9 : memref<1280xf32, #tpu.memory_space<vmem>>)
      tpu.yield
    }) : () -> ()
    %rem3A = arith.constant 0 : i32
    %rem3A_25 = arith.constant 10 : i32
    %rem3A_26 = arith.remsi %rem3A, %rem3A_25 : i32
    %mul3A_27 = arith.constant 128 : i32
    %mul3A_28 = arith.muli %rem3A_26, %mul3A_27 : i32
    %dma_start3A = tpu.memref_slice %arg7[%mul3A_28] : memref<1280xi32, #tpu.memory_space<vmem>> -> memref<128xi32, #tpu.memory_space<vmem>>
    %dma_start3A_29 = arith.constant 0 : i32
    %dma_start3A_30 = arith.constant 0 : i32
    %dma_start3A_31 = tpu.memref_slice %arg2[%dma_start3A_29, %dma_start3A_30] : memref<10240x64xf32, #tpu.memory_space<hbm>> -> memref<10240x64xf32, #tpu.memory_space<hbm>>
    tpu.enqueue_indirect_dma source(%dma_start3A_31 : memref<10240x64xf32, #tpu.memory_space<hbm>>) target(%arg12 : memref<128x64xf32, #tpu.memory_space<vmem>>) offsets(%dma_start3A : memref<128xi32, #tpu.memory_space<vmem>>) semaphore(%arg15 : memref<!tpu.dma_semaphore, #tpu.memory_space<semaphore_mem>>)
    %rem3A_32 = arith.constant 1 : i32
    %rem3A_33 = arith.constant 10 : i32
    %rem3A_34 = arith.remsi %rem3A_32, %rem3A_33 : i32
    %mul3A_35 = arith.constant 128 : i32
    %mul3A_36 = arith.muli %rem3A_34, %mul3A_35 : i32
    %dma_start3A_37 = tpu.memref_slice %arg7[%mul3A_36] : memref<1280xi32, #tpu.memory_space<vmem>> -> memref<128xi32, #tpu.memory_space<vmem>>
    %dma_start3A_38 = arith.constant 0 : i32
    %dma_start3A_39 = arith.constant 0 : i32
    %dma_start3A_40 = tpu.memref_slice %arg2[%dma_start3A_38, %dma_start3A_39] : memref<10240x64xf32, #tpu.memory_space<hbm>> -> memref<10240x64xf32, #tpu.memory_space<hbm>>
    tpu.enqueue_indirect_dma source(%dma_start3A_40 : memref<10240x64xf32, #tpu.memory_space<hbm>>) target(%arg13 : memref<128x64xf32, #tpu.memory_space<vmem>>) offsets(%dma_start3A_37 : memref<128xi32, #tpu.memory_space<vmem>>) semaphore(%arg16 : memref<!tpu.dma_semaphore, #tpu.memory_space<semaphore_mem>>)
    %sub3A = arith.constant 0 : i32
    %sub3A_41 = arith.subi %select_n3A, %sub3A : i32
    %sub3A_42 = arith.constant 2 : i32
    %sub3A_43 = arith.constant 1 : i32
    %sub3A_44 = arith.subi %sub3A_42, %sub3A_43 : i32
    %add3A_45 = arith.addi %sub3A_41, %sub3A_44 : i32
    %div3A = arith.constant 2 : i32
    %div3A_46 = arith.divsi %add3A_45, %div3A : i32
    %while3A = arith.constant 2 : i32
    %while3A_47 = arith.constant 0 : i32
    %while3A_48 = arith.constant 0 : i32
    %while3A_49 = arith.subi %div3A_46, %while3A_48 : i32
    %while3A_50 = arith.addi %while3A_48, %while3A_49 : i32
    %while3A_51 = arith.constant 1 : i32
    %while3A_52 = arith.divsi %while3A_49, %while3A_51 : i32
    %while3A_53 = arith.muli %while3A_52, %while3A_51 : i32
    %while3A_54 = arith.addi %while3A_48, %while3A_53 : i32
    %while3A_55 = arith.constant 1 : i32
    scf.for %while3A_62 = %while3A_48 to %while3A_54 step %while3A_55  : i32 {
      %mul3A_63 = arith.muli %while3A_62, %while3A : i32
      %add3A_64 = arith.addi %while3A_47, %mul3A_63 : i32
      %dma_wait3A = arith.constant 0 : i32
      %dma_wait3A_65 = tpu.memref_slice %arg7[%dma_wait3A] : memref<1280xi32, #tpu.memory_space<vmem>> -> memref<128xi32, #tpu.memory_space<vmem>>
      %dma_wait3A_66 = arith.constant 0 : i32
      %dma_wait3A_67 = arith.constant 0 : i32
      %dma_wait3A_68 = tpu.memref_slice %arg2[%dma_wait3A_66, %dma_wait3A_67] : memref<10240x64xf32, #tpu.memory_space<hbm>> -> memref<10240x64xf32, #tpu.memory_space<hbm>>
      tpu.wait_indirect_dma semaphore(%arg15 : memref<!tpu.dma_semaphore, #tpu.memory_space<semaphore_mem>>) src(%dma_wait3A_68 : memref<10240x64xf32, #tpu.memory_space<hbm>>) dst(%arg12 : memref<128x64xf32, #tpu.memory_space<vmem>>)
      %rem3A_69 = arith.constant 10 : i32
      %rem3A_70 = arith.remsi %add3A_64, %rem3A_69 : i32
      %mul3A_71 = arith.constant 128 : i32
      %mul3A_72 = arith.muli %rem3A_70, %mul3A_71 : i32
      %scan3A_73 = arith.constant 0 : i32
      %scan3A_74 = arith.constant 128 : i32
      %scan3A_75 = arith.addi %scan3A_73, %scan3A_74 : i32
      %scan3A_76 = arith.constant 1 : i32
      scf.for %scan3A_213 = %scan3A_73 to %scan3A_75 step %scan3A_76  : i32 {
        %mul3A_214 = arith.constant 1 : i32
        %mul3A_215 = arith.muli %scan3A_213, %mul3A_214 : i32
        %add3A_216 = arith.constant 0 : i32
        %add3A_217 = arith.addi %add3A_216, %mul3A_215 : i32
        %add3A_218 = arith.addi %mul3A_72, %add3A_217 : i32
        %broadcast_in_dim3A_219 = vector.broadcast %add3A_218 : i32 to vector<16xi32>
        %gather3A = tpu.vector_load_idx %arg9[%broadcast_in_dim3A_219] : memref<1280xf32, #tpu.memory_space<vmem>>[vector<16xi32>], vector<16xf32>,
        %get3A_220 = arith.index_cast %add3A_217 : i32 to index
        %get3A_221 = arith.constant 0 : index
        %get3A_222 = tpu.vector_load %arg12[%get3A_220, %get3A_221] {strides = array<i32>} : memref<128x64xf32, #tpu.memory_space<vmem>>, vector<16xf32>,
        %mul3A_223 = arith.mulf %get3A_222, %gather3A : vector<16xf32>
        %swap3A_224 = arith.index_cast %add3A_217 : i32 to index
        %swap3A_225 = arith.constant 0 : index
        %swap3A_226 = tpu.vector_load %arg12[%swap3A_224, %swap3A_225] {strides = array<i32>} : memref<128x64xf32, #tpu.memory_space<vmem>>, vector<16xf32>,
        tpu.vector_store %arg12[%swap3A_224, %swap3A_225], %mul3A_223 {strides = array<i32>} : memref<128x64xf32, #tpu.memory_space<vmem>>, vector<16xf32>,
        %get3A_227 = arith.index_cast %add3A_217 : i32 to index
        %get3A_228 = arith.constant 16 : index
        %get3A_229 = tpu.vector_load %arg12[%get3A_227, %get3A_228] {strides = array<i32>} : memref<128x64xf32, #tpu.memory_space<vmem>>, vector<16xf32>,
        %mul3A_230 = arith.mulf %get3A_229, %gather3A : vector<16xf32>
        %swap3A_231 = arith.index_cast %add3A_217 : i32 to index
        %swap3A_232 = arith.constant 16 : index
        %swap3A_233 = tpu.vector_load %arg12[%swap3A_231, %swap3A_232] {strides = array<i32>} : memref<128x64xf32, #tpu.memory_space<vmem>>, vector<16xf32>,
        tpu.vector_store %arg12[%swap3A_231, %swap3A_232], %mul3A_230 {strides = array<i32>} : memref<128x64xf32, #tpu.memory_space<vmem>>, vector<16xf32>,
        %get3A_234 = arith.index_cast %add3A_217 : i32 to index
        %get3A_235 = arith.constant 32 : index
        %get3A_236 = tpu.vector_load %arg12[%get3A_234, %get3A_235] {strides = array<i32>} : memref<128x64xf32, #tpu.memory_space<vmem>>, vector<16xf32>,
        %mul3A_237 = arith.mulf %get3A_236, %gather3A : vector<16xf32>
        %swap3A_238 = arith.index_cast %add3A_217 : i32 to index
        %swap3A_239 = arith.constant 32 : index
        %swap3A_240 = tpu.vector_load %arg12[%swap3A_238, %swap3A_239] {strides = array<i32>} : memref<128x64xf32, #tpu.memory_space<vmem>>, vector<16xf32>,
        tpu.vector_store %arg12[%swap3A_238, %swap3A_239], %mul3A_237 {strides = array<i32>} : memref<128x64xf32, #tpu.memory_space<vmem>>, vector<16xf32>,
        %get3A_241 = arith.index_cast %add3A_217 : i32 to index
        %get3A_242 = arith.constant 48 : index
        %get3A_243 = tpu.vector_load %arg12[%get3A_241, %get3A_242] {strides = array<i32>} : memref<128x64xf32, #tpu.memory_space<vmem>>, vector<16xf32>,
        %mul3A_244 = arith.mulf %get3A_243, %gather3A : vector<16xf32>
        %swap3A_245 = arith.index_cast %add3A_217 : i32 to index
        %swap3A_246 = arith.constant 48 : index
        %swap3A_247 = tpu.vector_load %arg12[%swap3A_245, %swap3A_246] {strides = array<i32>} : memref<128x64xf32, #tpu.memory_space<vmem>>, vector<16xf32>,
        tpu.vector_store %arg12[%swap3A_245, %swap3A_246], %mul3A_244 {strides = array<i32>} : memref<128x64xf32, #tpu.memory_space<vmem>>, vector<16xf32>,
      }
      %scan3A_77 = arith.constant 128 : i32
      %rem3A_78 = arith.constant 10 : i32
      %rem3A_79 = arith.remsi %add3A_64, %rem3A_78 : i32
      %mul3A_80 = arith.constant 128 : i32
      %mul3A_81 = arith.muli %rem3A_79, %mul3A_80 : i32
      %add3A_82 = arith.constant 0 : i32
      %add3A_83 = arith.addi %mul3A_81, %add3A_82 : i32
      %get3A = arith.index_cast %add3A_83 : i32 to index
      %get3A_84 = tpu.vector_load %arg8[%get3A] {strides = array<i32>} : memref<1280xi32, #tpu.memory_space<vmem>>, vector<16xi32>,
      %swap3A = arith.constant 0 : index
      %swap3A_85 = tpu.vector_load %arg10[%swap3A] {strides = array<i32>} : memref<128xi32, #tpu.memory_space<vmem>>, vector<16xi32>,
      tpu.vector_store %arg10[%swap3A], %get3A_84 {strides = array<i32>} : memref<128xi32, #tpu.memory_space<vmem>>, vector<16xi32>,
      %add3A_86 = arith.constant 16 : i32
      %add3A_87 = arith.addi %mul3A_81, %add3A_86 : i32
      %get3A_88 = arith.index_cast %add3A_87 : i32 to index
      %get3A_89 = tpu.vector_load %arg8[%get3A_88] {strides = array<i32>} : memref<1280xi32, #tpu.memory_space<vmem>>, vector<16xi32>,
      %swap3A_90 = arith.constant 16 : index
      %swap3A_91 = tpu.vector_load %arg10[%swap3A_90] {strides = array<i32>} : memref<128xi32, #tpu.memory_space<vmem>>, vector<16xi32>,
      tpu.vector_store %arg10[%swap3A_90], %get3A_89 {strides = array<i32>} : memref<128xi32, #tpu.memory_space<vmem>>, vector<16xi32>,
      %add3A_92 = arith.constant 32 : i32
      %add3A_93 = arith.addi %mul3A_81, %add3A_92 : i32
      %get3A_94 = arith.index_cast %add3A_93 : i32 to index
      %get3A_95 = tpu.vector_load %arg8[%get3A_94] {strides = array<i32>} : memref<1280xi32, #tpu.memory_space<vmem>>, vector<16xi32>,
      %swap3A_96 = arith.constant 32 : index
      %swap3A_97 = tpu.vector_load %arg10[%swap3A_96] {strides = array<i32>} : memref<128xi32, #tpu.memory_space<vmem>>, vector<16xi32>,
      tpu.vector_store %arg10[%swap3A_96], %get3A_95 {strides = array<i32>} : memref<128xi32, #tpu.memory_space<vmem>>, vector<16xi32>,
      %add3A_98 = arith.constant 48 : i32
      %add3A_99 = arith.addi %mul3A_81, %add3A_98 : i32
      %get3A_100 = arith.index_cast %add3A_99 : i32 to index
      %get3A_101 = tpu.vector_load %arg8[%get3A_100] {strides = array<i32>} : memref<1280xi32, #tpu.memory_space<vmem>>, vector<16xi32>,
      %swap3A_102 = arith.constant 48 : index
      %swap3A_103 = tpu.vector_load %arg10[%swap3A_102] {strides = array<i32>} : memref<128xi32, #tpu.memory_space<vmem>>, vector<16xi32>,
      tpu.vector_store %arg10[%swap3A_102], %get3A_101 {strides = array<i32>} : memref<128xi32, #tpu.memory_space<vmem>>, vector<16xi32>,
      %add3A_104 = arith.constant 64 : i32
      %add3A_105 = arith.addi %mul3A_81, %add3A_104 : i32
      %get3A_106 = arith.index_cast %add3A_105 : i32 to index
      %get3A_107 = tpu.vector_load %arg8[%get3A_106] {strides = array<i32>} : memref<1280xi32, #tpu.memory_space<vmem>>, vector<16xi32>,
      %swap3A_108 = arith.constant 64 : index
      %swap3A_109 = tpu.vector_load %arg10[%swap3A_108] {strides = array<i32>} : memref<128xi32, #tpu.memory_space<vmem>>, vector<16xi32>,
      tpu.vector_store %arg10[%swap3A_108], %get3A_107 {strides = array<i32>} : memref<128xi32, #tpu.memory_space<vmem>>, vector<16xi32>,
      %add3A_110 = arith.constant 80 : i32
      %add3A_111 = arith.addi %mul3A_81, %add3A_110 : i32
      %get3A_112 = arith.index_cast %add3A_111 : i32 to index
      %get3A_113 = tpu.vector_load %arg8[%get3A_112] {strides = array<i32>} : memref<1280xi32, #tpu.memory_space<vmem>>, vector<16xi32>,
      %swap3A_114 = arith.constant 80 : index
      %swap3A_115 = tpu.vector_load %arg10[%swap3A_114] {strides = array<i32>} : memref<128xi32, #tpu.memory_space<vmem>>, vector<16xi32>,
      tpu.vector_store %arg10[%swap3A_114], %get3A_113 {strides = array<i32>} : memref<128xi32, #tpu.memory_space<vmem>>, vector<16xi32>,
      %add3A_116 = arith.constant 96 : i32
      %add3A_117 = arith.addi %mul3A_81, %add3A_116 : i32
      %get3A_118 = arith.index_cast %add3A_117 : i32 to index
      %get3A_119 = tpu.vector_load %arg8[%get3A_118] {strides = array<i32>} : memref<1280xi32, #tpu.memory_space<vmem>>, vector<16xi32>,
      %swap3A_120 = arith.constant 96 : index
      %swap3A_121 = tpu.vector_load %arg10[%swap3A_120] {strides = array<i32>} : memref<128xi32, #tpu.memory_space<vmem>>, vector<16xi32>,
      tpu.vector_store %arg10[%swap3A_120], %get3A_119 {strides = array<i32>} : memref<128xi32, #tpu.memory_space<vmem>>, vector<16xi32>,
      %add3A_122 = arith.constant 112 : i32
      %add3A_123 = arith.addi %mul3A_81, %add3A_122 : i32
      %get3A_124 = arith.index_cast %add3A_123 : i32 to index
      %get3A_125 = tpu.vector_load %arg8[%get3A_124] {strides = array<i32>} : memref<1280xi32, #tpu.memory_space<vmem>>, vector<16xi32>,
      %swap3A_126 = arith.constant 112 : index
      %swap3A_127 = tpu.vector_load %arg10[%swap3A_126] {strides = array<i32>} : memref<128xi32, #tpu.memory_space<vmem>>, vector<16xi32>,
      tpu.vector_store %arg10[%swap3A_126], %get3A_125 {strides = array<i32>} : memref<128xi32, #tpu.memory_space<vmem>>, vector<16xi32>,
      %dma_start3A_128 = arith.constant 0 : i32
      %dma_start3A_129 = arith.constant 0 : i32
      %dma_start3A_130 = tpu.memref_slice %arg14[%dma_start3A_128, %dma_start3A_129] : memref<10240x64xf32, #tpu.memory_space<vmem_shared>> -> memref<10240x64xf32, #tpu.memory_space<vmem_shared>>
      tpu.enqueue_indirect_dma source(%arg12 : memref<128x64xf32, #tpu.memory_space<vmem>>) target(%dma_start3A_130 : memref<10240x64xf32, #tpu.memory_space<vmem_shared>>) offsets(%arg10 : memref<128xi32, #tpu.memory_space<vmem>>) semaphore(%arg17 : memref<!tpu.dma_semaphore, #tpu.memory_space<semaphore_mem>>) {add = true}
      %dma_wait3A_131 = arith.constant 0 : i32
      %dma_wait3A_132 = tpu.memref_slice %arg7[%dma_wait3A_131] : memref<1280xi32, #tpu.memory_space<vmem>> -> memref<128xi32, #tpu.memory_space<vmem>>
      %dma_wait3A_133 = arith.constant 0 : i32
      %dma_wait3A_134 = arith.constant 0 : i32
      %dma_wait3A_135 = tpu.memref_slice %arg2[%dma_wait3A_133, %dma_wait3A_134] : memref<10240x64xf32, #tpu.memory_space<hbm>> -> memref<10240x64xf32, #tpu.memory_space<hbm>>
      tpu.wait_indirect_dma semaphore(%arg16 : memref<!tpu.dma_semaphore, #tpu.memory_space<semaphore_mem>>) src(%dma_wait3A_135 : memref<10240x64xf32, #tpu.memory_space<hbm>>) dst(%arg13 : memref<128x64xf32, #tpu.memory_space<vmem>>)
      %add3A_136 = arith.constant 1 : i32
      %add3A_137 = arith.addi %add3A_64, %add3A_136 : i32
      %rem3A_138 = arith.constant 10 : i32
      %rem3A_139 = arith.remsi %add3A_137, %rem3A_138 : i32
      %mul3A_140 = arith.constant 128 : i32
      %mul3A_141 = arith.muli %rem3A_139, %mul3A_140 : i32
      %scan3A_142 = arith.constant 0 : i32
      %scan3A_143 = arith.constant 128 : i32
      %scan3A_144 = arith.addi %scan3A_142, %scan3A_143 : i32
      %scan3A_145 = arith.constant 1 : i32
      scf.for %scan3A_213 = %scan3A_142 to %scan3A_144 step %scan3A_145  : i32 {
        %mul3A_214 = arith.constant 1 : i32
        %mul3A_215 = arith.muli %scan3A_213, %mul3A_214 : i32
        %add3A_216 = arith.constant 0 : i32
        %add3A_217 = arith.addi %add3A_216, %mul3A_215 : i32
        %add3A_218 = arith.addi %mul3A_141, %add3A_217 : i32
        %broadcast_in_dim3A_219 = vector.broadcast %add3A_218 : i32 to vector<16xi32>
        %gather3A = tpu.vector_load_idx %arg9[%broadcast_in_dim3A_219] : memref<1280xf32, #tpu.memory_space<vmem>>[vector<16xi32>], vector<16xf32>,
        %get3A_220 = arith.index_cast %add3A_217 : i32 to index
        %get3A_221 = arith.constant 0 : index
        %get3A_222 = tpu.vector_load %arg13[%get3A_220, %get3A_221] {strides = array<i32>} : memref<128x64xf32, #tpu.memory_space<vmem>>, vector<16xf32>,
        %mul3A_223 = arith.mulf %get3A_222, %gather3A : vector<16xf32>
        %swap3A_224 = arith.index_cast %add3A_217 : i32 to index
        %swap3A_225 = arith.constant 0 : index
        %swap3A_226 = tpu.vector_load %arg13[%swap3A_224, %swap3A_225] {strides = array<i32>} : memref<128x64xf32, #tpu.memory_space<vmem>>, vector<16xf32>,
        tpu.vector_store %arg13[%swap3A_224, %swap3A_225], %mul3A_223 {strides = array<i32>} : memref<128x64xf32, #tpu.memory_space<vmem>>, vector<16xf32>,
        %get3A_227 = arith.index_cast %add3A_217 : i32 to index
        %get3A_228 = arith.constant 16 : index
        %get3A_229 = tpu.vector_load %arg13[%get3A_227, %get3A_228] {strides = array<i32>} : memref<128x64xf32, #tpu.memory_space<vmem>>, vector<16xf32>,
        %mul3A_230 = arith.mulf %get3A_229, %gather3A : vector<16xf32>
        %swap3A_231 = arith.index_cast %add3A_217 : i32 to index
        %swap3A_232 = arith.constant 16 : index
        %swap3A_233 = tpu.vector_load %arg13[%swap3A_231, %swap3A_232] {strides = array<i32>} : memref<128x64xf32, #tpu.memory_space<vmem>>, vector<16xf32>,
        tpu.vector_store %arg13[%swap3A_231, %swap3A_232], %mul3A_230 {strides = array<i32>} : memref<128x64xf32, #tpu.memory_space<vmem>>, vector<16xf32>,
        %get3A_234 = arith.index_cast %add3A_217 : i32 to index
        %get3A_235 = arith.constant 32 : index
        %get3A_236 = tpu.vector_load %arg13[%get3A_234, %get3A_235] {strides = array<i32>} : memref<128x64xf32, #tpu.memory_space<vmem>>, vector<16xf32>,
        %mul3A_237 = arith.mulf %get3A_236, %gather3A : vector<16xf32>
        %swap3A_238 = arith.index_cast %add3A_217 : i32 to index
        %swap3A_239 = arith.constant 32 : index
        %swap3A_240 = tpu.vector_load %arg13[%swap3A_238, %swap3A_239] {strides = array<i32>} : memref<128x64xf32, #tpu.memory_space<vmem>>, vector<16xf32>,
        tpu.vector_store %arg13[%swap3A_238, %swap3A_239], %mul3A_237 {strides = array<i32>} : memref<128x64xf32, #tpu.memory_space<vmem>>, vector<16xf32>,
        %get3A_241 = arith.index_cast %add3A_217 : i32 to index
        %get3A_242 = arith.constant 48 : index
        %get3A_243 = tpu.vector_load %arg13[%get3A_241, %get3A_242] {strides = array<i32>} : memref<128x64xf32, #tpu.memory_space<vmem>>, vector<16xf32>,
        %mul3A_244 = arith.mulf %get3A_243, %gather3A : vector<16xf32>
        %swap3A_245 = arith.index_cast %add3A_217 : i32 to index
        %swap3A_246 = arith.constant 48 : index
        %swap3A_247 = tpu.vector_load %arg13[%swap3A_245, %swap3A_246] {strides = array<i32>} : memref<128x64xf32, #tpu.memory_space<vmem>>, vector<16xf32>,
        tpu.vector_store %arg13[%swap3A_245, %swap3A_246], %mul3A_244 {strides = array<i32>} : memref<128x64xf32, #tpu.memory_space<vmem>>, vector<16xf32>,
      }
      %scan3A_146 = arith.constant 128 : i32
      %add3A_147 = arith.constant 1 : i32
      %add3A_148 = arith.addi %add3A_64, %add3A_147 : i32
      %rem3A_149 = arith.constant 10 : i32
      %rem3A_150 = arith.remsi %add3A_148, %rem3A_149 : i32
      %mul3A_151 = arith.constant 128 : i32
      %mul3A_152 = arith.muli %rem3A_150, %mul3A_151 : i32
      %add3A_153 = arith.constant 0 : i32
      %add3A_154 = arith.addi %mul3A_152, %add3A_153 : i32
      %get3A_155 = arith.index_cast %add3A_154 : i32 to index
      %get3A_156 = tpu.vector_load %arg8[%get3A_155] {strides = array<i32>} : memref<1280xi32, #tpu.memory_space<vmem>>, vector<16xi32>,
      %swap3A_157 = arith.constant 0 : index
      %swap3A_158 = tpu.vector_load %arg11[%swap3A_157] {strides = array<i32>} : memref<128xi32, #tpu.memory_space<vmem>>, vector<16xi32>,
      tpu.vector_store %arg11[%swap3A_157], %get3A_156 {strides = array<i32>} : memref<128xi32, #tpu.memory_space<vmem>>, vector<16xi32>,
      %add3A_159 = arith.constant 16 : i32
      %add3A_160 = arith.addi %mul3A_152, %add3A_159 : i32
      %get3A_161 = arith.index_cast %add3A_160 : i32 to index
      %get3A_162 = tpu.vector_load %arg8[%get3A_161] {strides = array<i32>} : memref<1280xi32, #tpu.memory_space<vmem>>, vector<16xi32>,
      %swap3A_163 = arith.constant 16 : index
      %swap3A_164 = tpu.vector_load %arg11[%swap3A_163] {strides = array<i32>} : memref<128xi32, #tpu.memory_space<vmem>>, vector<16xi32>,
      tpu.vector_store %arg11[%swap3A_163], %get3A_162 {strides = array<i32>} : memref<128xi32, #tpu.memory_space<vmem>>, vector<16xi32>,
      %add3A_165 = arith.constant 32 : i32
      %add3A_166 = arith.addi %mul3A_152, %add3A_165 : i32
      %get3A_167 = arith.index_cast %add3A_166 : i32 to index
      %get3A_168 = tpu.vector_load %arg8[%get3A_167] {strides = array<i32>} : memref<1280xi32, #tpu.memory_space<vmem>>, vector<16xi32>,
      %swap3A_169 = arith.constant 32 : index
      %swap3A_170 = tpu.vector_load %arg11[%swap3A_169] {strides = array<i32>} : memref<128xi32, #tpu.memory_space<vmem>>, vector<16xi32>,
      tpu.vector_store %arg11[%swap3A_169], %get3A_168 {strides = array<i32>} : memref<128xi32, #tpu.memory_space<vmem>>, vector<16xi32>,
      %add3A_171 = arith.constant 48 : i32
      %add3A_172 = arith.addi %mul3A_152, %add3A_171 : i32
      %get3A_173 = arith.index_cast %add3A_172 : i32 to index
      %get3A_174 = tpu.vector_load %arg8[%get3A_173] {strides = array<i32>} : memref<1280xi32, #tpu.memory_space<vmem>>, vector<16xi32>,
      %swap3A_175 = arith.constant 48 : index
      %swap3A_176 = tpu.vector_load %arg11[%swap3A_175] {strides = array<i32>} : memref<128xi32, #tpu.memory_space<vmem>>, vector<16xi32>,
      tpu.vector_store %arg11[%swap3A_175], %get3A_174 {strides = array<i32>} : memref<128xi32, #tpu.memory_space<vmem>>, vector<16xi32>,
      %add3A_177 = arith.constant 64 : i32
      %add3A_178 = arith.addi %mul3A_152, %add3A_177 : i32
      %get3A_179 = arith.index_cast %add3A_178 : i32 to index
      %get3A_180 = tpu.vector_load %arg8[%get3A_179] {strides = array<i32>} : memref<1280xi32, #tpu.memory_space<vmem>>, vector<16xi32>,
      %swap3A_181 = arith.constant 64 : index
      %swap3A_182 = tpu.vector_load %arg11[%swap3A_181] {strides = array<i32>} : memref<128xi32, #tpu.memory_space<vmem>>, vector<16xi32>,
      tpu.vector_store %arg11[%swap3A_181], %get3A_180 {strides = array<i32>} : memref<128xi32, #tpu.memory_space<vmem>>, vector<16xi32>,
      %add3A_183 = arith.constant 80 : i32
      %add3A_184 = arith.addi %mul3A_152, %add3A_183 : i32
      %get3A_185 = arith.index_cast %add3A_184 : i32 to index
      %get3A_186 = tpu.vector_load %arg8[%get3A_185] {strides = array<i32>} : memref<1280xi32, #tpu.memory_space<vmem>>, vector<16xi32>,
      %swap3A_187 = arith.constant 80 : index
      %swap3A_188 = tpu.vector_load %arg11[%swap3A_187] {strides = array<i32>} : memref<128xi32, #tpu.memory_space<vmem>>, vector<16xi32>,
      tpu.vector_store %arg11[%swap3A_187], %get3A_186 {strides = array<i32>} : memref<128xi32, #tpu.memory_space<vmem>>, vector<16xi32>,
      %add3A_189 = arith.constant 96 : i32
      %add3A_190 = arith.addi %mul3A_152, %add3A_189 : i32
      %get3A_191 = arith.index_cast %add3A_190 : i32 to index
      %get3A_192 = tpu.vector_load %arg8[%get3A_191] {strides = array<i32>} : memref<1280xi32, #tpu.memory_space<vmem>>, vector<16xi32>,
      %swap3A_193 = arith.constant 96 : index
      %swap3A_194 = tpu.vector_load %arg11[%swap3A_193] {strides = array<i32>} : memref<128xi32, #tpu.memory_space<vmem>>, vector<16xi32>,
      tpu.vector_store %arg11[%swap3A_193], %get3A_192 {strides = array<i32>} : memref<128xi32, #tpu.memory_space<vmem>>, vector<16xi32>,
      %add3A_195 = arith.constant 112 : i32
      %add3A_196 = arith.addi %mul3A_152, %add3A_195 : i32
      %get3A_197 = arith.index_cast %add3A_196 : i32 to index
      %get3A_198 = tpu.vector_load %arg8[%get3A_197] {strides = array<i32>} : memref<1280xi32, #tpu.memory_space<vmem>>, vector<16xi32>,
      %swap3A_199 = arith.constant 112 : index
      %swap3A_200 = tpu.vector_load %arg11[%swap3A_199] {strides = array<i32>} : memref<128xi32, #tpu.memory_space<vmem>>, vector<16xi32>,
      tpu.vector_store %arg11[%swap3A_199], %get3A_198 {strides = array<i32>} : memref<128xi32, #tpu.memory_space<vmem>>, vector<16xi32>,
      %dma_start3A_201 = arith.constant 0 : i32
      %dma_start3A_202 = arith.constant 0 : i32
      %dma_start3A_203 = tpu.memref_slice %arg14[%dma_start3A_201, %dma_start3A_202] : memref<10240x64xf32, #tpu.memory_space<vmem_shared>> -> memref<10240x64xf32, #tpu.memory_space<vmem_shared>>
      tpu.enqueue_indirect_dma source(%arg13 : memref<128x64xf32, #tpu.memory_space<vmem>>) target(%dma_start3A_203 : memref<10240x64xf32, #tpu.memory_space<vmem_shared>>) offsets(%arg11 : memref<128xi32, #tpu.memory_space<vmem>>) semaphore(%arg18 : memref<!tpu.dma_semaphore, #tpu.memory_space<semaphore_mem>>) {add = true}
      %dma_wait3A_204 = arith.constant 0 : i32
      %dma_wait3A_205 = arith.constant 0 : i32
      %dma_wait3A_206 = tpu.memref_slice %arg14[%dma_wait3A_204, %dma_wait3A_205] : memref<10240x64xf32, #tpu.memory_space<vmem_shared>> -> memref<10240x64xf32, #tpu.memory_space<vmem_shared>>
      tpu.wait_indirect_dma semaphore(%arg17 : memref<!tpu.dma_semaphore, #tpu.memory_space<semaphore_mem>>) src(%arg12 : memref<128x64xf32, #tpu.memory_space<vmem>>) dst(%dma_wait3A_206 : memref<10240x64xf32, #tpu.memory_space<vmem_shared>>)
      %dma_wait3A_207 = arith.constant 0 : i32
      %dma_wait3A_208 = arith.constant 0 : i32
      %dma_wait3A_209 = tpu.memref_slice %arg14[%dma_wait3A_207, %dma_wait3A_208] : memref<10240x64xf32, #tpu.memory_space<vmem_shared>> -> memref<10240x64xf32, #tpu.memory_space<vmem_shared>>
      tpu.wait_indirect_dma semaphore(%arg18 : memref<!tpu.dma_semaphore, #tpu.memory_space<semaphore_mem>>) src(%arg13 : memref<128x64xf32, #tpu.memory_space<vmem>>) dst(%dma_wait3A_209 : memref<10240x64xf32, #tpu.memory_space<vmem_shared>>)
      %add3A_210 = arith.constant 2 : i32
      %add3A_211 = arith.addi %add3A_64, %add3A_210 : i32
      %lt3A = arith.cmpi slt, %add3A_211, %select_n3A : i32
      %convert_element_type3A = arith.extui %lt3A : i1 to i32
      %cond3A = arith.constant 0 : i32
      %cond3A_212 = arith.cmpi ne, %convert_element_type3A, %cond3A : i32
      scf.if %cond3A_212 {
        %add3A_213 = arith.constant 2 : i32
        %add3A_214 = arith.addi %add3A_64, %add3A_213 : i32
        %rem3A_215 = arith.constant 10 : i32
        %rem3A_216 = arith.remsi %add3A_214, %rem3A_215 : i32
        %eq3A_217 = arith.constant 0 : i32
        %eq3A_218 = arith.cmpi eq, %rem3A_216, %eq3A_217 : i32
        %convert_element_type3A_219 = arith.extui %eq3A_218 : i1 to i32
        %cond3A_220 = arith.constant 0 : i32
        %cond3A_221 = arith.cmpi ne, %convert_element_type3A_219, %cond3A_220 : i32
        scf.if %cond3A_221 {
          %add3A_242 = arith.constant 2 : i32
          %add3A_243 = arith.addi %add3A_64, %add3A_242 : i32
          %jit3A_244 = arith.constant 10 : i32
          %div3A_245 = arith.divsi %add3A_243, %jit3A_244 : i32
          %sign3A = arith.constant 0 : i32
          %sign3A_246 = arith.cmpi sgt, %add3A_243, %sign3A : i32
          %sign3A_247 = arith.extui %sign3A_246 : i1 to i32
          %sign3A_248 = arith.constant 0 : i32
          %sign3A_249 = arith.cmpi slt, %add3A_243, %sign3A_248 : i32
          %sign3A_250 = arith.extui %sign3A_249 : i1 to i32
          %sign3A_251 = arith.subi %sign3A_247, %sign3A_250 : i32
          %sign3A_252 = arith.constant 0 : i32
          %sign3A_253 = arith.cmpi sgt, %jit3A_244, %sign3A_252 : i32
          %sign3A_254 = arith.extui %sign3A_253 : i1 to i32
          %sign3A_255 = arith.constant 0 : i32
          %sign3A_256 = arith.cmpi slt, %jit3A_244, %sign3A_255 : i32
          %sign3A_257 = arith.extui %sign3A_256 : i1 to i32
          %sign3A_258 = arith.subi %sign3A_254, %sign3A_257 : i32
          %ne3A = arith.cmpi ne, %sign3A_251, %sign3A_258 : i32
          %rem3A_259 = arith.remsi %add3A_243, %jit3A_244 : i32
          %ne3A_260 = arith.constant 0 : i32
          %ne3A_261 = arith.cmpi ne, %rem3A_259, %ne3A_260 : i32
          %and3A = arith.andi %ne3A, %ne3A_261 : i1
          %sub3A_262 = arith.constant 1 : i32
          %sub3A_263 = arith.subi %div3A_245, %sub3A_262 : i32
          %select_n3A_264 = arith.select %and3A, %sub3A_263, %div3A_245 : i32
          %mul3A_265 = arith.constant 10 : i32
          %mul3A_266 = arith.muli %select_n3A_264, %mul3A_265 : i32
          %add3A_267 = arith.addi %select_n3A_18, %mul3A_266 : i32
          %mul3A_268 = arith.constant 128 : i32
          %mul3A_269 = arith.muli %add3A_267, %mul3A_268 : i32
          "tpu.region"() ({
            %run_scoped3A = tpu.sem_alloc : memref<!tpu.dma_semaphore, #tpu.memory_space<semaphore_mem>>
            %dma_start3A_270 = tpu.memref_slice %arg3[%mul3A_269] : memref<327680xi32, #tpu.memory_space<hbm>> -> memref<1280xi32, #tpu.memory_space<hbm>>
            %dma_start3A_271 = tpu.memref_slice %arg3[%mul3A_269] : memref<327680xi32, #tpu.memory_space<hbm>> -> memref<1280xi32, #tpu.memory_space<hbm>>
            tpu.enqueue_dma source(%dma_start3A_271 : memref<1280xi32, #tpu.memory_space<hbm>>) target(%arg7 : memref<1280xi32, #tpu.memory_space<vmem>>) target_semaphore(%run_scoped3A : memref<!tpu.dma_semaphore, #tpu.memory_space<semaphore_mem>>)
            %dma_wait3A_272 = tpu.memref_slice %arg3[%mul3A_269] : memref<327680xi32, #tpu.memory_space<hbm>> -> memref<1280xi32, #tpu.memory_space<hbm>>
            %dma_wait3A_273 = tpu.memref_slice %arg3[%mul3A_269] : memref<327680xi32, #tpu.memory_space<hbm>> -> memref<1280xi32, #tpu.memory_space<hbm>>
            tpu.wait_dma2 semaphore(%run_scoped3A : memref<!tpu.dma_semaphore, #tpu.memory_space<semaphore_mem>>) src(%dma_wait3A_273 : memref<1280xi32, #tpu.memory_space<hbm>>) dst(%arg7 : memref<1280xi32, #tpu.memory_space<vmem>>)
            tpu.yield
          }) : () -> ()
          "tpu.region"() ({
            %run_scoped3A = tpu.sem_alloc : memref<!tpu.dma_semaphore, #tpu.memory_space<semaphore_mem>>
            %dma_start3A_270 = tpu.memref_slice %arg4[%mul3A_269] : memref<327680xi32, #tpu.memory_space<hbm>> -> memref<1280xi32, #tpu.memory_space<hbm>>
            %dma_start3A_271 = tpu.memref_slice %arg4[%mul3A_269] : memref<327680xi32, #tpu.memory_space<hbm>> -> memref<1280xi32, #tpu.memory_space<hbm>>
            tpu.enqueue_dma source(%dma_start3A_271 : memref<1280xi32, #tpu.memory_space<hbm>>) target(%arg8 : memref<1280xi32, #tpu.memory_space<vmem>>) target_semaphore(%run_scoped3A : memref<!tpu.dma_semaphore, #tpu.memory_space<semaphore_mem>>)
            %dma_wait3A_272 = tpu.memref_slice %arg4[%mul3A_269] : memref<327680xi32, #tpu.memory_space<hbm>> -> memref<1280xi32, #tpu.memory_space<hbm>>
            %dma_wait3A_273 = tpu.memref_slice %arg4[%mul3A_269] : memref<327680xi32, #tpu.memory_space<hbm>> -> memref<1280xi32, #tpu.memory_space<hbm>>
            tpu.wait_dma2 semaphore(%run_scoped3A : memref<!tpu.dma_semaphore, #tpu.memory_space<semaphore_mem>>) src(%dma_wait3A_273 : memref<1280xi32, #tpu.memory_space<hbm>>) dst(%arg8 : memref<1280xi32, #tpu.memory_space<vmem>>)
            tpu.yield
          }) : () -> ()
          "tpu.region"() ({
            %run_scoped3A = tpu.sem_alloc : memref<!tpu.dma_semaphore, #tpu.memory_space<semaphore_mem>>
            %dma_start3A_270 = tpu.memref_slice %arg5[%mul3A_269] : memref<327680xf32, #tpu.memory_space<hbm>> -> memref<1280xf32, #tpu.memory_space<hbm>>
            %dma_start3A_271 = tpu.memref_slice %arg5[%mul3A_269] : memref<327680xf32, #tpu.memory_space<hbm>> -> memref<1280xf32, #tpu.memory_space<hbm>>
            tpu.enqueue_dma source(%dma_start3A_271 : memref<1280xf32, #tpu.memory_space<hbm>>) target(%arg9 : memref<1280xf32, #tpu.memory_space<vmem>>) target_semaphore(%run_scoped3A : memref<!tpu.dma_semaphore, #tpu.memory_space<semaphore_mem>>)
            %dma_wait3A_272 = tpu.memref_slice %arg5[%mul3A_269] : memref<327680xf32, #tpu.memory_space<hbm>> -> memref<1280xf32, #tpu.memory_space<hbm>>
            %dma_wait3A_273 = tpu.memref_slice %arg5[%mul3A_269] : memref<327680xf32, #tpu.memory_space<hbm>> -> memref<1280xf32, #tpu.memory_space<hbm>>
            tpu.wait_dma2 semaphore(%run_scoped3A : memref<!tpu.dma_semaphore, #tpu.memory_space<semaphore_mem>>) src(%dma_wait3A_273 : memref<1280xf32, #tpu.memory_space<hbm>>) dst(%arg9 : memref<1280xf32, #tpu.memory_space<vmem>>)
            tpu.yield
          }) : () -> ()
        } else {
        }
        %add3A_222 = arith.constant 2 : i32
        %add3A_223 = arith.addi %add3A_64, %add3A_222 : i32
        %rem3A_224 = arith.constant 10 : i32
        %rem3A_225 = arith.remsi %add3A_223, %rem3A_224 : i32
        %mul3A_226 = arith.constant 128 : i32
        %mul3A_227 = arith.muli %rem3A_225, %mul3A_226 : i32
        %dma_start3A_228 = tpu.memref_slice %arg7[%mul3A_227] : memref<1280xi32, #tpu.memory_space<vmem>> -> memref<128xi32, #tpu.memory_space<vmem>>
        %dma_start3A_229 = arith.constant 0 : i32
        %dma_start3A_230 = arith.constant 0 : i32
        %dma_start3A_231 = tpu.memref_slice %arg2[%dma_start3A_229, %dma_start3A_230] : memref<10240x64xf32, #tpu.memory_space<hbm>> -> memref<10240x64xf32, #tpu.memory_space<hbm>>
        tpu.enqueue_indirect_dma source(%dma_start3A_231 : memref<10240x64xf32, #tpu.memory_space<hbm>>) target(%arg12 : memref<128x64xf32, #tpu.memory_space<vmem>>) offsets(%dma_start3A_228 : memref<128xi32, #tpu.memory_space<vmem>>) semaphore(%arg15 : memref<!tpu.dma_semaphore, #tpu.memory_space<semaphore_mem>>)
        %add3A_232 = arith.constant 3 : i32
        %add3A_233 = arith.addi %add3A_64, %add3A_232 : i32
        %rem3A_234 = arith.constant 10 : i32
        %rem3A_235 = arith.remsi %add3A_233, %rem3A_234 : i32
        %mul3A_236 = arith.constant 128 : i32
        %mul3A_237 = arith.muli %rem3A_235, %mul3A_236 : i32
        %dma_start3A_238 = tpu.memref_slice %arg7[%mul3A_237] : memref<1280xi32, #tpu.memory_space<vmem>> -> memref<128xi32, #tpu.memory_space<vmem>>
        %dma_start3A_239 = arith.constant 0 : i32
        %dma_start3A_240 = arith.constant 0 : i32
        %dma_start3A_241 = tpu.memref_slice %arg2[%dma_start3A_239, %dma_start3A_240] : memref<10240x64xf32, #tpu.memory_space<hbm>> -> memref<10240x64xf32, #tpu.memory_space<hbm>>
        tpu.enqueue_indirect_dma source(%dma_start3A_241 : memref<10240x64xf32, #tpu.memory_space<hbm>>) target(%arg13 : memref<128x64xf32, #tpu.memory_space<vmem>>) offsets(%dma_start3A_238 : memref<128xi32, #tpu.memory_space<vmem>>) semaphore(%arg16 : memref<!tpu.dma_semaphore, #tpu.memory_space<semaphore_mem>>)
      } else {
      }
    }
    %while3A_56 = arith.constant 1 : i32
    scf.for %while3A_62 = %while3A_54 to %while3A_50 step %while3A_56  : i32 {
      %mul3A_63 = arith.muli %while3A_62, %while3A : i32
      %add3A_64 = arith.addi %while3A_47, %mul3A_63 : i32
      %dma_wait3A = arith.constant 0 : i32
      %dma_wait3A_65 = tpu.memref_slice %arg7[%dma_wait3A] : memref<1280xi32, #tpu.memory_space<vmem>> -> memref<128xi32, #tpu.memory_space<vmem>>
      %dma_wait3A_66 = arith.constant 0 : i32
      %dma_wait3A_67 = arith.constant 0 : i32
      %dma_wait3A_68 = tpu.memref_slice %arg2[%dma_wait3A_66, %dma_wait3A_67] : memref<10240x64xf32, #tpu.memory_space<hbm>> -> memref<10240x64xf32, #tpu.memory_space<hbm>>
      tpu.wait_indirect_dma semaphore(%arg15 : memref<!tpu.dma_semaphore, #tpu.memory_space<semaphore_mem>>) src(%dma_wait3A_68 : memref<10240x64xf32, #tpu.memory_space<hbm>>) dst(%arg12 : memref<128x64xf32, #tpu.memory_space<vmem>>)
      %rem3A_69 = arith.constant 10 : i32
      %rem3A_70 = arith.remsi %add3A_64, %rem3A_69 : i32
      %mul3A_71 = arith.constant 128 : i32
      %mul3A_72 = arith.muli %rem3A_70, %mul3A_71 : i32
      %scan3A_73 = arith.constant 0 : i32
      %scan3A_74 = arith.constant 128 : i32
      %scan3A_75 = arith.addi %scan3A_73, %scan3A_74 : i32
      %scan3A_76 = arith.constant 1 : i32
      scf.for %scan3A_213 = %scan3A_73 to %scan3A_75 step %scan3A_76  : i32 {
        %mul3A_214 = arith.constant 1 : i32
        %mul3A_215 = arith.muli %scan3A_213, %mul3A_214 : i32
        %add3A_216 = arith.constant 0 : i32
        %add3A_217 = arith.addi %add3A_216, %mul3A_215 : i32
        %add3A_218 = arith.addi %mul3A_72, %add3A_217 : i32
        %broadcast_in_dim3A_219 = vector.broadcast %add3A_218 : i32 to vector<16xi32>
        %gather3A = tpu.vector_load_idx %arg9[%broadcast_in_dim3A_219] : memref<1280xf32, #tpu.memory_space<vmem>>[vector<16xi32>], vector<16xf32>,
        %get3A_220 = arith.index_cast %add3A_217 : i32 to index
        %get3A_221 = arith.constant 0 : index
        %get3A_222 = tpu.vector_load %arg12[%get3A_220, %get3A_221] {strides = array<i32>} : memref<128x64xf32, #tpu.memory_space<vmem>>, vector<16xf32>,
        %mul3A_223 = arith.mulf %get3A_222, %gather3A : vector<16xf32>
        %swap3A_224 = arith.index_cast %add3A_217 : i32 to index
        %swap3A_225 = arith.constant 0 : index
        %swap3A_226 = tpu.vector_load %arg12[%swap3A_224, %swap3A_225] {strides = array<i32>} : memref<128x64xf32, #tpu.memory_space<vmem>>, vector<16xf32>,
        tpu.vector_store %arg12[%swap3A_224, %swap3A_225], %mul3A_223 {strides = array<i32>} : memref<128x64xf32, #tpu.memory_space<vmem>>, vector<16xf32>,
        %get3A_227 = arith.index_cast %add3A_217 : i32 to index
        %get3A_228 = arith.constant 16 : index
        %get3A_229 = tpu.vector_load %arg12[%get3A_227, %get3A_228] {strides = array<i32>} : memref<128x64xf32, #tpu.memory_space<vmem>>, vector<16xf32>,
        %mul3A_230 = arith.mulf %get3A_229, %gather3A : vector<16xf32>
        %swap3A_231 = arith.index_cast %add3A_217 : i32 to index
        %swap3A_232 = arith.constant 16 : index
        %swap3A_233 = tpu.vector_load %arg12[%swap3A_231, %swap3A_232] {strides = array<i32>} : memref<128x64xf32, #tpu.memory_space<vmem>>, vector<16xf32>,
        tpu.vector_store %arg12[%swap3A_231, %swap3A_232], %mul3A_230 {strides = array<i32>} : memref<128x64xf32, #tpu.memory_space<vmem>>, vector<16xf32>,
        %get3A_234 = arith.index_cast %add3A_217 : i32 to index
        %get3A_235 = arith.constant 32 : index
        %get3A_236 = tpu.vector_load %arg12[%get3A_234, %get3A_235] {strides = array<i32>} : memref<128x64xf32, #tpu.memory_space<vmem>>, vector<16xf32>,
        %mul3A_237 = arith.mulf %get3A_236, %gather3A : vector<16xf32>
        %swap3A_238 = arith.index_cast %add3A_217 : i32 to index
        %swap3A_239 = arith.constant 32 : index
        %swap3A_240 = tpu.vector_load %arg12[%swap3A_238, %swap3A_239] {strides = array<i32>} : memref<128x64xf32, #tpu.memory_space<vmem>>, vector<16xf32>,
        tpu.vector_store %arg12[%swap3A_238, %swap3A_239], %mul3A_237 {strides = array<i32>} : memref<128x64xf32, #tpu.memory_space<vmem>>, vector<16xf32>,
        %get3A_241 = arith.index_cast %add3A_217 : i32 to index
        %get3A_242 = arith.constant 48 : index
        %get3A_243 = tpu.vector_load %arg12[%get3A_241, %get3A_242] {strides = array<i32>} : memref<128x64xf32, #tpu.memory_space<vmem>>, vector<16xf32>,
        %mul3A_244 = arith.mulf %get3A_243, %gather3A : vector<16xf32>
        %swap3A_245 = arith.index_cast %add3A_217 : i32 to index
        %swap3A_246 = arith.constant 48 : index
        %swap3A_247 = tpu.vector_load %arg12[%swap3A_245, %swap3A_246] {strides = array<i32>} : memref<128x64xf32, #tpu.memory_space<vmem>>, vector<16xf32>,
        tpu.vector_store %arg12[%swap3A_245, %swap3A_246], %mul3A_244 {strides = array<i32>} : memref<128x64xf32, #tpu.memory_space<vmem>>, vector<16xf32>,
      }
      %scan3A_77 = arith.constant 128 : i32
      %rem3A_78 = arith.constant 10 : i32
      %rem3A_79 = arith.remsi %add3A_64, %rem3A_78 : i32
      %mul3A_80 = arith.constant 128 : i32
      %mul3A_81 = arith.muli %rem3A_79, %mul3A_80 : i32
      %add3A_82 = arith.constant 0 : i32
      %add3A_83 = arith.addi %mul3A_81, %add3A_82 : i32
      %get3A = arith.index_cast %add3A_83 : i32 to index
      %get3A_84 = tpu.vector_load %arg8[%get3A] {strides = array<i32>} : memref<1280xi32, #tpu.memory_space<vmem>>, vector<16xi32>,
      %swap3A = arith.constant 0 : index
      %swap3A_85 = tpu.vector_load %arg10[%swap3A] {strides = array<i32>} : memref<128xi32, #tpu.memory_space<vmem>>, vector<16xi32>,
      tpu.vector_store %arg10[%swap3A], %get3A_84 {strides = array<i32>} : memref<128xi32, #tpu.memory_space<vmem>>, vector<16xi32>,
      %add3A_86 = arith.constant 16 : i32
      %add3A_87 = arith.addi %mul3A_81, %add3A_86 : i32
      %get3A_88 = arith.index_cast %add3A_87 : i32 to index
      %get3A_89 = tpu.vector_load %arg8[%get3A_88] {strides = array<i32>} : memref<1280xi32, #tpu.memory_space<vmem>>, vector<16xi32>,
      %swap3A_90 = arith.constant 16 : index
      %swap3A_91 = tpu.vector_load %arg10[%swap3A_90] {strides = array<i32>} : memref<128xi32, #tpu.memory_space<vmem>>, vector<16xi32>,
      tpu.vector_store %arg10[%swap3A_90], %get3A_89 {strides = array<i32>} : memref<128xi32, #tpu.memory_space<vmem>>, vector<16xi32>,
      %add3A_92 = arith.constant 32 : i32
      %add3A_93 = arith.addi %mul3A_81, %add3A_92 : i32
      %get3A_94 = arith.index_cast %add3A_93 : i32 to index
      %get3A_95 = tpu.vector_load %arg8[%get3A_94] {strides = array<i32>} : memref<1280xi32, #tpu.memory_space<vmem>>, vector<16xi32>,
      %swap3A_96 = arith.constant 32 : index
      %swap3A_97 = tpu.vector_load %arg10[%swap3A_96] {strides = array<i32>} : memref<128xi32, #tpu.memory_space<vmem>>, vector<16xi32>,
      tpu.vector_store %arg10[%swap3A_96], %get3A_95 {strides = array<i32>} : memref<128xi32, #tpu.memory_space<vmem>>, vector<16xi32>,
      %add3A_98 = arith.constant 48 : i32
      %add3A_99 = arith.addi %mul3A_81, %add3A_98 : i32
      %get3A_100 = arith.index_cast %add3A_99 : i32 to index
      %get3A_101 = tpu.vector_load %arg8[%get3A_100] {strides = array<i32>} : memref<1280xi32, #tpu.memory_space<vmem>>, vector<16xi32>,
      %swap3A_102 = arith.constant 48 : index
      %swap3A_103 = tpu.vector_load %arg10[%swap3A_102] {strides = array<i32>} : memref<128xi32, #tpu.memory_space<vmem>>, vector<16xi32>,
      tpu.vector_store %arg10[%swap3A_102], %get3A_101 {strides = array<i32>} : memref<128xi32, #tpu.memory_space<vmem>>, vector<16xi32>,
      %add3A_104 = arith.constant 64 : i32
      %add3A_105 = arith.addi %mul3A_81, %add3A_104 : i32
      %get3A_106 = arith.index_cast %add3A_105 : i32 to index
      %get3A_107 = tpu.vector_load %arg8[%get3A_106] {strides = array<i32>} : memref<1280xi32, #tpu.memory_space<vmem>>, vector<16xi32>,
      %swap3A_108 = arith.constant 64 : index
      %swap3A_109 = tpu.vector_load %arg10[%swap3A_108] {strides = array<i32>} : memref<128xi32, #tpu.memory_space<vmem>>, vector<16xi32>,
      tpu.vector_store %arg10[%swap3A_108], %get3A_107 {strides = array<i32>} : memref<128xi32, #tpu.memory_space<vmem>>, vector<16xi32>,
      %add3A_110 = arith.constant 80 : i32
      %add3A_111 = arith.addi %mul3A_81, %add3A_110 : i32
      %get3A_112 = arith.index_cast %add3A_111 : i32 to index
      %get3A_113 = tpu.vector_load %arg8[%get3A_112] {strides = array<i32>} : memref<1280xi32, #tpu.memory_space<vmem>>, vector<16xi32>,
      %swap3A_114 = arith.constant 80 : index
      %swap3A_115 = tpu.vector_load %arg10[%swap3A_114] {strides = array<i32>} : memref<128xi32, #tpu.memory_space<vmem>>, vector<16xi32>,
      tpu.vector_store %arg10[%swap3A_114], %get3A_113 {strides = array<i32>} : memref<128xi32, #tpu.memory_space<vmem>>, vector<16xi32>,
      %add3A_116 = arith.constant 96 : i32
      %add3A_117 = arith.addi %mul3A_81, %add3A_116 : i32
      %get3A_118 = arith.index_cast %add3A_117 : i32 to index
      %get3A_119 = tpu.vector_load %arg8[%get3A_118] {strides = array<i32>} : memref<1280xi32, #tpu.memory_space<vmem>>, vector<16xi32>,
      %swap3A_120 = arith.constant 96 : index
      %swap3A_121 = tpu.vector_load %arg10[%swap3A_120] {strides = array<i32>} : memref<128xi32, #tpu.memory_space<vmem>>, vector<16xi32>,
      tpu.vector_store %arg10[%swap3A_120], %get3A_119 {strides = array<i32>} : memref<128xi32, #tpu.memory_space<vmem>>, vector<16xi32>,
      %add3A_122 = arith.constant 112 : i32
      %add3A_123 = arith.addi %mul3A_81, %add3A_122 : i32
      %get3A_124 = arith.index_cast %add3A_123 : i32 to index
      %get3A_125 = tpu.vector_load %arg8[%get3A_124] {strides = array<i32>} : memref<1280xi32, #tpu.memory_space<vmem>>, vector<16xi32>,
      %swap3A_126 = arith.constant 112 : index
      %swap3A_127 = tpu.vector_load %arg10[%swap3A_126] {strides = array<i32>} : memref<128xi32, #tpu.memory_space<vmem>>, vector<16xi32>,
      tpu.vector_store %arg10[%swap3A_126], %get3A_125 {strides = array<i32>} : memref<128xi32, #tpu.memory_space<vmem>>, vector<16xi32>,
      %dma_start3A_128 = arith.constant 0 : i32
      %dma_start3A_129 = arith.constant 0 : i32
      %dma_start3A_130 = tpu.memref_slice %arg14[%dma_start3A_128, %dma_start3A_129] : memref<10240x64xf32, #tpu.memory_space<vmem_shared>> -> memref<10240x64xf32, #tpu.memory_space<vmem_shared>>
      tpu.enqueue_indirect_dma source(%arg12 : memref<128x64xf32, #tpu.memory_space<vmem>>) target(%dma_start3A_130 : memref<10240x64xf32, #tpu.memory_space<vmem_shared>>) offsets(%arg10 : memref<128xi32, #tpu.memory_space<vmem>>) semaphore(%arg17 : memref<!tpu.dma_semaphore, #tpu.memory_space<semaphore_mem>>) {add = true}
      %dma_wait3A_131 = arith.constant 0 : i32
      %dma_wait3A_132 = tpu.memref_slice %arg7[%dma_wait3A_131] : memref<1280xi32, #tpu.memory_space<vmem>> -> memref<128xi32, #tpu.memory_space<vmem>>
      %dma_wait3A_133 = arith.constant 0 : i32
      %dma_wait3A_134 = arith.constant 0 : i32
      %dma_wait3A_135 = tpu.memref_slice %arg2[%dma_wait3A_133, %dma_wait3A_134] : memref<10240x64xf32, #tpu.memory_space<hbm>> -> memref<10240x64xf32, #tpu.memory_space<hbm>>
      tpu.wait_indirect_dma semaphore(%arg16 : memref<!tpu.dma_semaphore, #tpu.memory_space<semaphore_mem>>) src(%dma_wait3A_135 : memref<10240x64xf32, #tpu.memory_space<hbm>>) dst(%arg13 : memref<128x64xf32, #tpu.memory_space<vmem>>)
      %add3A_136 = arith.constant 1 : i32
      %add3A_137 = arith.addi %add3A_64, %add3A_136 : i32
      %rem3A_138 = arith.constant 10 : i32
      %rem3A_139 = arith.remsi %add3A_137, %rem3A_138 : i32
      %mul3A_140 = arith.constant 128 : i32
      %mul3A_141 = arith.muli %rem3A_139, %mul3A_140 : i32
      %scan3A_142 = arith.constant 0 : i32
      %scan3A_143 = arith.constant 128 : i32
      %scan3A_144 = arith.addi %scan3A_142, %scan3A_143 : i32
      %scan3A_145 = arith.constant 1 : i32
      scf.for %scan3A_213 = %scan3A_142 to %scan3A_144 step %scan3A_145  : i32 {
        %mul3A_214 = arith.constant 1 : i32
        %mul3A_215 = arith.muli %scan3A_213, %mul3A_214 : i32
        %add3A_216 = arith.constant 0 : i32
        %add3A_217 = arith.addi %add3A_216, %mul3A_215 : i32
        %add3A_218 = arith.addi %mul3A_141, %add3A_217 : i32
        %broadcast_in_dim3A_219 = vector.broadcast %add3A_218 : i32 to vector<16xi32>
        %gather3A = tpu.vector_load_idx %arg9[%broadcast_in_dim3A_219] : memref<1280xf32, #tpu.memory_space<vmem>>[vector<16xi32>], vector<16xf32>,
        %get3A_220 = arith.index_cast %add3A_217 : i32 to index
        %get3A_221 = arith.constant 0 : index
        %get3A_222 = tpu.vector_load %arg13[%get3A_220, %get3A_221] {strides = array<i32>} : memref<128x64xf32, #tpu.memory_space<vmem>>, vector<16xf32>,
        %mul3A_223 = arith.mulf %get3A_222, %gather3A : vector<16xf32>
        %swap3A_224 = arith.index_cast %add3A_217 : i32 to index
        %swap3A_225 = arith.constant 0 : index
        %swap3A_226 = tpu.vector_load %arg13[%swap3A_224, %swap3A_225] {strides = array<i32>} : memref<128x64xf32, #tpu.memory_space<vmem>>, vector<16xf32>,
        tpu.vector_store %arg13[%swap3A_224, %swap3A_225], %mul3A_223 {strides = array<i32>} : memref<128x64xf32, #tpu.memory_space<vmem>>, vector<16xf32>,
        %get3A_227 = arith.index_cast %add3A_217 : i32 to index
        %get3A_228 = arith.constant 16 : index
        %get3A_229 = tpu.vector_load %arg13[%get3A_227, %get3A_228] {strides = array<i32>} : memref<128x64xf32, #tpu.memory_space<vmem>>, vector<16xf32>,
        %mul3A_230 = arith.mulf %get3A_229, %gather3A : vector<16xf32>
        %swap3A_231 = arith.index_cast %add3A_217 : i32 to index
        %swap3A_232 = arith.constant 16 : index
        %swap3A_233 = tpu.vector_load %arg13[%swap3A_231, %swap3A_232] {strides = array<i32>} : memref<128x64xf32, #tpu.memory_space<vmem>>, vector<16xf32>,
        tpu.vector_store %arg13[%swap3A_231, %swap3A_232], %mul3A_230 {strides = array<i32>} : memref<128x64xf32, #tpu.memory_space<vmem>>, vector<16xf32>,
        %get3A_234 = arith.index_cast %add3A_217 : i32 to index
        %get3A_235 = arith.constant 32 : index
        %get3A_236 = tpu.vector_load %arg13[%get3A_234, %get3A_235] {strides = array<i32>} : memref<128x64xf32, #tpu.memory_space<vmem>>, vector<16xf32>,
        %mul3A_237 = arith.mulf %get3A_236, %gather3A : vector<16xf32>
        %swap3A_238 = arith.index_cast %add3A_217 : i32 to index
        %swap3A_239 = arith.constant 32 : index
        %swap3A_240 = tpu.vector_load %arg13[%swap3A_238, %swap3A_239] {strides = array<i32>} : memref<128x64xf32, #tpu.memory_space<vmem>>, vector<16xf32>,
        tpu.vector_store %arg13[%swap3A_238, %swap3A_239], %mul3A_237 {strides = array<i32>} : memref<128x64xf32, #tpu.memory_space<vmem>>, vector<16xf32>,
        %get3A_241 = arith.index_cast %add3A_217 : i32 to index
        %get3A_242 = arith.constant 48 : index
        %get3A_243 = tpu.vector_load %arg13[%get3A_241, %get3A_242] {strides = array<i32>} : memref<128x64xf32, #tpu.memory_space<vmem>>, vector<16xf32>,
        %mul3A_244 = arith.mulf %get3A_243, %gather3A : vector<16xf32>
        %swap3A_245 = arith.index_cast %add3A_217 : i32 to index
        %swap3A_246 = arith.constant 48 : index
        %swap3A_247 = tpu.vector_load %arg13[%swap3A_245, %swap3A_246] {strides = array<i32>} : memref<128x64xf32, #tpu.memory_space<vmem>>, vector<16xf32>,
        tpu.vector_store %arg13[%swap3A_245, %swap3A_246], %mul3A_244 {strides = array<i32>} : memref<128x64xf32, #tpu.memory_space<vmem>>, vector<16xf32>,
      }
      %scan3A_146 = arith.constant 128 : i32
      %add3A_147 = arith.constant 1 : i32
      %add3A_148 = arith.addi %add3A_64, %add3A_147 : i32
      %rem3A_149 = arith.constant 10 : i32
      %rem3A_150 = arith.remsi %add3A_148, %rem3A_149 : i32
      %mul3A_151 = arith.constant 128 : i32
      %mul3A_152 = arith.muli %rem3A_150, %mul3A_151 : i32
      %add3A_153 = arith.constant 0 : i32
      %add3A_154 = arith.addi %mul3A_152, %add3A_153 : i32
      %get3A_155 = arith.index_cast %add3A_154 : i32 to index
      %get3A_156 = tpu.vector_load %arg8[%get3A_155] {strides = array<i32>} : memref<1280xi32, #tpu.memory_space<vmem>>, vector<16xi32>,
      %swap3A_157 = arith.constant 0 : index
      %swap3A_158 = tpu.vector_load %arg11[%swap3A_157] {strides = array<i32>} : memref<128xi32, #tpu.memory_space<vmem>>, vector<16xi32>,
      tpu.vector_store %arg11[%swap3A_157], %get3A_156 {strides = array<i32>} : memref<128xi32, #tpu.memory_space<vmem>>, vector<16xi32>,
      %add3A_159 = arith.constant 16 : i32
      %add3A_160 = arith.addi %mul3A_152, %add3A_159 : i32
      %get3A_161 = arith.index_cast %add3A_160 : i32 to index
      %get3A_162 = tpu.vector_load %arg8[%get3A_161] {strides = array<i32>} : memref<1280xi32, #tpu.memory_space<vmem>>, vector<16xi32>,
      %swap3A_163 = arith.constant 16 : index
      %swap3A_164 = tpu.vector_load %arg11[%swap3A_163] {strides = array<i32>} : memref<128xi32, #tpu.memory_space<vmem>>, vector<16xi32>,
      tpu.vector_store %arg11[%swap3A_163], %get3A_162 {strides = array<i32>} : memref<128xi32, #tpu.memory_space<vmem>>, vector<16xi32>,
      %add3A_165 = arith.constant 32 : i32
      %add3A_166 = arith.addi %mul3A_152, %add3A_165 : i32
      %get3A_167 = arith.index_cast %add3A_166 : i32 to index
      %get3A_168 = tpu.vector_load %arg8[%get3A_167] {strides = array<i32>} : memref<1280xi32, #tpu.memory_space<vmem>>, vector<16xi32>,
      %swap3A_169 = arith.constant 32 : index
      %swap3A_170 = tpu.vector_load %arg11[%swap3A_169] {strides = array<i32>} : memref<128xi32, #tpu.memory_space<vmem>>, vector<16xi32>,
      tpu.vector_store %arg11[%swap3A_169], %get3A_168 {strides = array<i32>} : memref<128xi32, #tpu.memory_space<vmem>>, vector<16xi32>,
      %add3A_171 = arith.constant 48 : i32
      %add3A_172 = arith.addi %mul3A_152, %add3A_171 : i32
      %get3A_173 = arith.index_cast %add3A_172 : i32 to index
      %get3A_174 = tpu.vector_load %arg8[%get3A_173] {strides = array<i32>} : memref<1280xi32, #tpu.memory_space<vmem>>, vector<16xi32>,
      %swap3A_175 = arith.constant 48 : index
      %swap3A_176 = tpu.vector_load %arg11[%swap3A_175] {strides = array<i32>} : memref<128xi32, #tpu.memory_space<vmem>>, vector<16xi32>,
      tpu.vector_store %arg11[%swap3A_175], %get3A_174 {strides = array<i32>} : memref<128xi32, #tpu.memory_space<vmem>>, vector<16xi32>,
      %add3A_177 = arith.constant 64 : i32
      %add3A_178 = arith.addi %mul3A_152, %add3A_177 : i32
      %get3A_179 = arith.index_cast %add3A_178 : i32 to index
      %get3A_180 = tpu.vector_load %arg8[%get3A_179] {strides = array<i32>} : memref<1280xi32, #tpu.memory_space<vmem>>, vector<16xi32>,
      %swap3A_181 = arith.constant 64 : index
      %swap3A_182 = tpu.vector_load %arg11[%swap3A_181] {strides = array<i32>} : memref<128xi32, #tpu.memory_space<vmem>>, vector<16xi32>,
      tpu.vector_store %arg11[%swap3A_181], %get3A_180 {strides = array<i32>} : memref<128xi32, #tpu.memory_space<vmem>>, vector<16xi32>,
      %add3A_183 = arith.constant 80 : i32
      %add3A_184 = arith.addi %mul3A_152, %add3A_183 : i32
      %get3A_185 = arith.index_cast %add3A_184 : i32 to index
      %get3A_186 = tpu.vector_load %arg8[%get3A_185] {strides = array<i32>} : memref<1280xi32, #tpu.memory_space<vmem>>, vector<16xi32>,
      %swap3A_187 = arith.constant 80 : index
      %swap3A_188 = tpu.vector_load %arg11[%swap3A_187] {strides = array<i32>} : memref<128xi32, #tpu.memory_space<vmem>>, vector<16xi32>,
      tpu.vector_store %arg11[%swap3A_187], %get3A_186 {strides = array<i32>} : memref<128xi32, #tpu.memory_space<vmem>>, vector<16xi32>,
      %add3A_189 = arith.constant 96 : i32
      %add3A_190 = arith.addi %mul3A_152, %add3A_189 : i32
      %get3A_191 = arith.index_cast %add3A_190 : i32 to index
      %get3A_192 = tpu.vector_load %arg8[%get3A_191] {strides = array<i32>} : memref<1280xi32, #tpu.memory_space<vmem>>, vector<16xi32>,
      %swap3A_193 = arith.constant 96 : index
      %swap3A_194 = tpu.vector_load %arg11[%swap3A_193] {strides = array<i32>} : memref<128xi32, #tpu.memory_space<vmem>>, vector<16xi32>,
      tpu.vector_store %arg11[%swap3A_193], %get3A_192 {strides = array<i32>} : memref<128xi32, #tpu.memory_space<vmem>>, vector<16xi32>,
      %add3A_195 = arith.constant 112 : i32
      %add3A_196 = arith.addi %mul3A_152, %add3A_195 : i32
      %get3A_197 = arith.index_cast %add3A_196 : i32 to index
      %get3A_198 = tpu.vector_load %arg8[%get3A_197] {strides = array<i32>} : memref<1280xi32, #tpu.memory_space<vmem>>, vector<16xi32>,
      %swap3A_199 = arith.constant 112 : index
      %swap3A_200 = tpu.vector_load %arg11[%swap3A_199] {strides = array<i32>} : memref<128xi32, #tpu.memory_space<vmem>>, vector<16xi32>,
      tpu.vector_store %arg11[%swap3A_199], %get3A_198 {strides = array<i32>} : memref<128xi32, #tpu.memory_space<vmem>>, vector<16xi32>,
      %dma_start3A_201 = arith.constant 0 : i32
      %dma_start3A_202 = arith.constant 0 : i32
      %dma_start3A_203 = tpu.memref_slice %arg14[%dma_start3A_201, %dma_start3A_202] : memref<10240x64xf32, #tpu.memory_space<vmem_shared>> -> memref<10240x64xf32, #tpu.memory_space<vmem_shared>>
      tpu.enqueue_indirect_dma source(%arg13 : memref<128x64xf32, #tpu.memory_space<vmem>>) target(%dma_start3A_203 : memref<10240x64xf32, #tpu.memory_space<vmem_shared>>) offsets(%arg11 : memref<128xi32, #tpu.memory_space<vmem>>) semaphore(%arg18 : memref<!tpu.dma_semaphore, #tpu.memory_space<semaphore_mem>>) {add = true}
      %dma_wait3A_204 = arith.constant 0 : i32
      %dma_wait3A_205 = arith.constant 0 : i32
      %dma_wait3A_206 = tpu.memref_slice %arg14[%dma_wait3A_204, %dma_wait3A_205] : memref<10240x64xf32, #tpu.memory_space<vmem_shared>> -> memref<10240x64xf32, #tpu.memory_space<vmem_shared>>
      tpu.wait_indirect_dma semaphore(%arg17 : memref<!tpu.dma_semaphore, #tpu.memory_space<semaphore_mem>>) src(%arg12 : memref<128x64xf32, #tpu.memory_space<vmem>>) dst(%dma_wait3A_206 : memref<10240x64xf32, #tpu.memory_space<vmem_shared>>)
      %dma_wait3A_207 = arith.constant 0 : i32
      %dma_wait3A_208 = arith.constant 0 : i32
      %dma_wait3A_209 = tpu.memref_slice %arg14[%dma_wait3A_207, %dma_wait3A_208] : memref<10240x64xf32, #tpu.memory_space<vmem_shared>> -> memref<10240x64xf32, #tpu.memory_space<vmem_shared>>
      tpu.wait_indirect_dma semaphore(%arg18 : memref<!tpu.dma_semaphore, #tpu.memory_space<semaphore_mem>>) src(%arg13 : memref<128x64xf32, #tpu.memory_space<vmem>>) dst(%dma_wait3A_209 : memref<10240x64xf32, #tpu.memory_space<vmem_shared>>)
      %add3A_210 = arith.constant 2 : i32
      %add3A_211 = arith.addi %add3A_64, %add3A_210 : i32
      %lt3A = arith.cmpi slt, %add3A_211, %select_n3A : i32
      %convert_element_type3A = arith.extui %lt3A : i1 to i32
      %cond3A = arith.constant 0 : i32
      %cond3A_212 = arith.cmpi ne, %convert_element_type3A, %cond3A : i32
      scf.if %cond3A_212 {
        %add3A_213 = arith.constant 2 : i32
        %add3A_214 = arith.addi %add3A_64, %add3A_213 : i32
        %rem3A_215 = arith.constant 10 : i32
        %rem3A_216 = arith.remsi %add3A_214, %rem3A_215 : i32
        %eq3A_217 = arith.constant 0 : i32
        %eq3A_218 = arith.cmpi eq, %rem3A_216, %eq3A_217 : i32
        %convert_element_type3A_219 = arith.extui %eq3A_218 : i1 to i32
        %cond3A_220 = arith.constant 0 : i32
        %cond3A_221 = arith.cmpi ne, %convert_element_type3A_219, %cond3A_220 : i32
        scf.if %cond3A_221 {
          %add3A_242 = arith.constant 2 : i32
          %add3A_243 = arith.addi %add3A_64, %add3A_242 : i32
          %jit3A_244 = arith.constant 10 : i32
          %div3A_245 = arith.divsi %add3A_243, %jit3A_244 : i32
          %sign3A = arith.constant 0 : i32
          %sign3A_246 = arith.cmpi sgt, %add3A_243, %sign3A : i32
          %sign3A_247 = arith.extui %sign3A_246 : i1 to i32
          %sign3A_248 = arith.constant 0 : i32
          %sign3A_249 = arith.cmpi slt, %add3A_243, %sign3A_248 : i32
          %sign3A_250 = arith.extui %sign3A_249 : i1 to i32
          %sign3A_251 = arith.subi %sign3A_247, %sign3A_250 : i32
          %sign3A_252 = arith.constant 0 : i32
          %sign3A_253 = arith.cmpi sgt, %jit3A_244, %sign3A_252 : i32
          %sign3A_254 = arith.extui %sign3A_253 : i1 to i32
          %sign3A_255 = arith.constant 0 : i32
          %sign3A_256 = arith.cmpi slt, %jit3A_244, %sign3A_255 : i32
          %sign3A_257 = arith.extui %sign3A_256 : i1 to i32
          %sign3A_258 = arith.subi %sign3A_254, %sign3A_257 : i32
          %ne3A = arith.cmpi ne, %sign3A_251, %sign3A_258 : i32
          %rem3A_259 = arith.remsi %add3A_243, %jit3A_244 : i32
          %ne3A_260 = arith.constant 0 : i32
          %ne3A_261 = arith.cmpi ne, %rem3A_259, %ne3A_260 : i32
          %and3A = arith.andi %ne3A, %ne3A_261 : i1
          %sub3A_262 = arith.constant 1 : i32
          %sub3A_263 = arith.subi %div3A_245, %sub3A_262 : i32
          %select_n3A_264 = arith.select %and3A, %sub3A_263, %div3A_245 : i32
          %mul3A_265 = arith.constant 10 : i32
          %mul3A_266 = arith.muli %select_n3A_264, %mul3A_265 : i32
          %add3A_267 = arith.addi %select_n3A_18, %mul3A_266 : i32
          %mul3A_268 = arith.constant 128 : i32
          %mul3A_269 = arith.muli %add3A_267, %mul3A_268 : i32
          "tpu.region"() ({
            %run_scoped3A = tpu.sem_alloc : memref<!tpu.dma_semaphore, #tpu.memory_space<semaphore_mem>>
            %dma_start3A_270 = tpu.memref_slice %arg3[%mul3A_269] : memref<327680xi32, #tpu.memory_space<hbm>> -> memref<1280xi32, #tpu.memory_space<hbm>>
            %dma_start3A_271 = tpu.memref_slice %arg3[%mul3A_269] : memref<327680xi32, #tpu.memory_space<hbm>> -> memref<1280xi32, #tpu.memory_space<hbm>>
            tpu.enqueue_dma source(%dma_start3A_271 : memref<1280xi32, #tpu.memory_space<hbm>>) target(%arg7 : memref<1280xi32, #tpu.memory_space<vmem>>) target_semaphore(%run_scoped3A : memref<!tpu.dma_semaphore, #tpu.memory_space<semaphore_mem>>)
            %dma_wait3A_272 = tpu.memref_slice %arg3[%mul3A_269] : memref<327680xi32, #tpu.memory_space<hbm>> -> memref<1280xi32, #tpu.memory_space<hbm>>
            %dma_wait3A_273 = tpu.memref_slice %arg3[%mul3A_269] : memref<327680xi32, #tpu.memory_space<hbm>> -> memref<1280xi32, #tpu.memory_space<hbm>>
            tpu.wait_dma2 semaphore(%run_scoped3A : memref<!tpu.dma_semaphore, #tpu.memory_space<semaphore_mem>>) src(%dma_wait3A_273 : memref<1280xi32, #tpu.memory_space<hbm>>) dst(%arg7 : memref<1280xi32, #tpu.memory_space<vmem>>)
            tpu.yield
          }) : () -> ()
          "tpu.region"() ({
            %run_scoped3A = tpu.sem_alloc : memref<!tpu.dma_semaphore, #tpu.memory_space<semaphore_mem>>
            %dma_start3A_270 = tpu.memref_slice %arg4[%mul3A_269] : memref<327680xi32, #tpu.memory_space<hbm>> -> memref<1280xi32, #tpu.memory_space<hbm>>
            %dma_start3A_271 = tpu.memref_slice %arg4[%mul3A_269] : memref<327680xi32, #tpu.memory_space<hbm>> -> memref<1280xi32, #tpu.memory_space<hbm>>
            tpu.enqueue_dma source(%dma_start3A_271 : memref<1280xi32, #tpu.memory_space<hbm>>) target(%arg8 : memref<1280xi32, #tpu.memory_space<vmem>>) target_semaphore(%run_scoped3A : memref<!tpu.dma_semaphore, #tpu.memory_space<semaphore_mem>>)
            %dma_wait3A_272 = tpu.memref_slice %arg4[%mul3A_269] : memref<327680xi32, #tpu.memory_space<hbm>> -> memref<1280xi32, #tpu.memory_space<hbm>>
            %dma_wait3A_273 = tpu.memref_slice %arg4[%mul3A_269] : memref<327680xi32, #tpu.memory_space<hbm>> -> memref<1280xi32, #tpu.memory_space<hbm>>
            tpu.wait_dma2 semaphore(%run_scoped3A : memref<!tpu.dma_semaphore, #tpu.memory_space<semaphore_mem>>) src(%dma_wait3A_273 : memref<1280xi32, #tpu.memory_space<hbm>>) dst(%arg8 : memref<1280xi32, #tpu.memory_space<vmem>>)
            tpu.yield
          }) : () -> ()
          "tpu.region"() ({
            %run_scoped3A = tpu.sem_alloc : memref<!tpu.dma_semaphore, #tpu.memory_space<semaphore_mem>>
            %dma_start3A_270 = tpu.memref_slice %arg5[%mul3A_269] : memref<327680xf32, #tpu.memory_space<hbm>> -> memref<1280xf32, #tpu.memory_space<hbm>>
            %dma_start3A_271 = tpu.memref_slice %arg5[%mul3A_269] : memref<327680xf32, #tpu.memory_space<hbm>> -> memref<1280xf32, #tpu.memory_space<hbm>>
            tpu.enqueue_dma source(%dma_start3A_271 : memref<1280xf32, #tpu.memory_space<hbm>>) target(%arg9 : memref<1280xf32, #tpu.memory_space<vmem>>) target_semaphore(%run_scoped3A : memref<!tpu.dma_semaphore, #tpu.memory_space<semaphore_mem>>)
            %dma_wait3A_272 = tpu.memref_slice %arg5[%mul3A_269] : memref<327680xf32, #tpu.memory_space<hbm>> -> memref<1280xf32, #tpu.memory_space<hbm>>
            %dma_wait3A_273 = tpu.memref_slice %arg5[%mul3A_269] : memref<327680xf32, #tpu.memory_space<hbm>> -> memref<1280xf32, #tpu.memory_space<hbm>>
            tpu.wait_dma2 semaphore(%run_scoped3A : memref<!tpu.dma_semaphore, #tpu.memory_space<semaphore_mem>>) src(%dma_wait3A_273 : memref<1280xf32, #tpu.memory_space<hbm>>) dst(%arg9 : memref<1280xf32, #tpu.memory_space<vmem>>)
            tpu.yield
          }) : () -> ()
        } else {
        }
        %add3A_222 = arith.constant 2 : i32
        %add3A_223 = arith.addi %add3A_64, %add3A_222 : i32
        %rem3A_224 = arith.constant 10 : i32
        %rem3A_225 = arith.remsi %add3A_223, %rem3A_224 : i32
        %mul3A_226 = arith.constant 128 : i32
        %mul3A_227 = arith.muli %rem3A_225, %mul3A_226 : i32
        %dma_start3A_228 = tpu.memref_slice %arg7[%mul3A_227] : memref<1280xi32, #tpu.memory_space<vmem>> -> memref<128xi32, #tpu.memory_space<vmem>>
        %dma_start3A_229 = arith.constant 0 : i32
        %dma_start3A_230 = arith.constant 0 : i32
        %dma_start3A_231 = tpu.memref_slice %arg2[%dma_start3A_229, %dma_start3A_230] : memref<10240x64xf32, #tpu.memory_space<hbm>> -> memref<10240x64xf32, #tpu.memory_space<hbm>>
        tpu.enqueue_indirect_dma source(%dma_start3A_231 : memref<10240x64xf32, #tpu.memory_space<hbm>>) target(%arg12 : memref<128x64xf32, #tpu.memory_space<vmem>>) offsets(%dma_start3A_228 : memref<128xi32, #tpu.memory_space<vmem>>) semaphore(%arg15 : memref<!tpu.dma_semaphore, #tpu.memory_space<semaphore_mem>>)
        %add3A_232 = arith.constant 3 : i32
        %add3A_233 = arith.addi %add3A_64, %add3A_232 : i32
        %rem3A_234 = arith.constant 10 : i32
        %rem3A_235 = arith.remsi %add3A_233, %rem3A_234 : i32
        %mul3A_236 = arith.constant 128 : i32
        %mul3A_237 = arith.muli %rem3A_235, %mul3A_236 : i32
        %dma_start3A_238 = tpu.memref_slice %arg7[%mul3A_237] : memref<1280xi32, #tpu.memory_space<vmem>> -> memref<128xi32, #tpu.memory_space<vmem>>
        %dma_start3A_239 = arith.constant 0 : i32
        %dma_start3A_240 = arith.constant 0 : i32
        %dma_start3A_241 = tpu.memref_slice %arg2[%dma_start3A_239, %dma_start3A_240] : memref<10240x64xf32, #tpu.memory_space<hbm>> -> memref<10240x64xf32, #tpu.memory_space<hbm>>
        tpu.enqueue_indirect_dma source(%dma_start3A_241 : memref<10240x64xf32, #tpu.memory_space<hbm>>) target(%arg13 : memref<128x64xf32, #tpu.memory_space<vmem>>) offsets(%dma_start3A_238 : memref<128xi32, #tpu.memory_space<vmem>>) semaphore(%arg16 : memref<!tpu.dma_semaphore, #tpu.memory_space<semaphore_mem>>)
      } else {
      }
    }
    %barrier3A_57 = arith.constant 0 : index
    tpu.barrier barrier_id(%barrier3A_57)
    %mul3A_58 = arith.constant 640 : i32
    %mul3A_59 = arith.muli %arg1, %mul3A_58 : i32
    %mul3A_60 = arith.constant 640 : i32
    %mul3A_61 = arith.muli %arg1, %mul3A_60 : i32
    "tpu.region"() ({
      %run_scoped3A = tpu.sem_alloc : memref<!tpu.dma_semaphore, #tpu.memory_space<semaphore_mem>>
      %dma_start3A_62 = arith.constant 0 : i32
      %dma_start3A_63 = tpu.memref_slice %arg6[%arg0, %mul3A_61, %dma_start3A_62] : memref<2x10240x64xf32, #tpu.memory_space<hbm>> -> memref<1x640x64xf32, #tpu.memory_space<hbm>>
      %dma_start3A_64 = tpu.memref_squeeze %dma_start3A_63 : memref<1x640x64xf32, #tpu.memory_space<hbm>> -> memref<640x64xf32, #tpu.memory_space<hbm>>
      %dma_start3A_65 = arith.constant 0 : i32
      %dma_start3A_66 = tpu.memref_slice %arg14[%mul3A_59, %dma_start3A_65] : memref<10240x64xf32, #tpu.memory_space<vmem_shared>> -> memref<640x64xf32, #tpu.memory_space<vmem_shared>>
      tpu.enqueue_dma source(%dma_start3A_66 : memref<640x64xf32, #tpu.memory_space<vmem_shared>>) target(%dma_start3A_64 : memref<640x64xf32, #tpu.memory_space<hbm>>) target_semaphore(%run_scoped3A : memref<!tpu.dma_semaphore, #tpu.memory_space<semaphore_mem>>)
      %dma_wait3A = arith.constant 0 : i32
      %dma_wait3A_67 = tpu.memref_slice %arg6[%arg0, %mul3A_61, %dma_wait3A] : memref<2x10240x64xf32, #tpu.memory_space<hbm>> -> memref<1x640x64xf32, #tpu.memory_space<hbm>>
      %dma_wait3A_68 = tpu.memref_squeeze %dma_wait3A_67 : memref<1x640x64xf32, #tpu.memory_space<hbm>> -> memref<640x64xf32, #tpu.memory_space<hbm>>
      %dma_wait3A_69 = arith.constant 0 : i32
      %dma_wait3A_70 = tpu.memref_slice %arg14[%mul3A_59, %dma_wait3A_69] : memref<10240x64xf32, #tpu.memory_space<vmem_shared>> -> memref<640x64xf32, #tpu.memory_space<vmem_shared>>
      tpu.wait_dma2 semaphore(%run_scoped3A : memref<!tpu.dma_semaphore, #tpu.memory_space<semaphore_mem>>) src(%dma_wait3A_70 : memref<640x64xf32, #tpu.memory_space<vmem_shared>>) dst(%dma_wait3A_68 : memref<640x64xf32, #tpu.memory_space<hbm>>)
      tpu.yield
    }) : () -> ()
    return
  }
}

module attributes {stable_mosaic.version = 14 : i64} {
  func.func @body(%arg0: i32, %arg1: memref<1024x128xf32, #tpu.memory_space<vmem>>, %arg2: memref<128x128xf32, #tpu.memory_space<vmem>>, %arg3: memref<1024x128xf32, #tpu.memory_space<vmem>>) attributes {dimension_semantics = [#tpu.dimension_semantics<arbitrary>], iteration_bounds = array<i64: 10>, scalar_prefetch = 0 : i64, scratch_operands = 0 : i64, tpu.core_type = #tpu.core_type<tc>, window_params = [{transform_indices = @transform_0, window_bounds = array<i64: 1024, 128>}, {pipeline_mode = #tpu.pipeline_mode<synchronous>, transform_indices = @transform_1, window_bounds = array<i64: 128, 128>}, {transform_indices = @transform_2, window_bounds = array<i64: 1024, 128>}]} {
    %get3A = arith.constant 0 : index
    %get3A_0 = arith.constant 0 : index
    %get3A_1 = vector.load %arg1[%get3A, %get3A_0] : memref<1024x128xf32, #tpu.memory_space<vmem>>, vector<1024x128xf32>
    %get3A_2 = arith.constant 0 : index
    %get3A_3 = arith.constant 0 : index
    %get3A_4 = vector.load %arg2[%get3A_2, %get3A_3] : memref<128x128xf32, #tpu.memory_space<vmem>>, vector<128x128xf32>
    %dot_general3A = arith.constant dense<0.000000e+00> : vector<1024x128xf32>
    %dot_general3A_5 = tpu.matmul %get3A_1, %get3A_4, %dot_general3A {dimension_numbers = #tpu.dot_dimension_numbers<[1], [0], [0], [1], [0, 0, 1, 1], [], []>, precision = #tpu.contract_precision<fp32>, transpose_lhs_hint = false} : vector<1024x128xf32>, vector<128x128xf32>, vector<1024x128xf32> -> vector<1024x128xf32>
    %swap3A = arith.constant 0 : index
    %swap3A_6 = arith.constant 0 : index
    %swap3A_7 = vector.load %arg3[%swap3A, %swap3A_6] : memref<1024x128xf32, #tpu.memory_space<vmem>>, vector<1024x128xf32>
    tpu.vector_store %arg3[%swap3A, %swap3A_6], %dot_general3A_5 {strides = array<i32>} : memref<1024x128xf32, #tpu.memory_space<vmem>>, vector<1024x128xf32>,
    return
  }
  func.func @transform_0(%arg0: i32) -> (i32, i32) {
    %c0_i32 = arith.constant 0 : i32
    %c0_i32_0 = arith.constant 0 : i32
    return %arg0, %c0_i32 : i32, i32
  }
  func.func @transform_1(%arg0: i32) -> (i32, i32) {
    %c0_i32 = arith.constant 0 : i32
    %c0_i32_0 = arith.constant 0 : i32
    %c0_i32_1 = arith.constant 0 : i32
    return %c0_i32, %c0_i32_0 : i32, i32
  }
  func.func @transform_2(%arg0: i32) -> (i32, i32) {
    %c0_i32 = arith.constant 0 : i32
    %c0_i32_0 = arith.constant 0 : i32
    return %arg0, %c0_i32 : i32, i32
  }
}

module attributes {stable_mosaic.version = 14 : i64} {
  func.func @body(%arg0: i32, %arg1: memref<2x1024x128xf32, #tpu.memory_space<vmem>>, %arg2: memref<128x64xf32, #tpu.memory_space<vmem>>, %arg3: memref<1024x64xf32, #tpu.memory_space<vmem>>) attributes {dimension_semantics = [#tpu.dimension_semantics<arbitrary>], iteration_bounds = array<i64: 10>, scalar_prefetch = 0 : i64, scratch_operands = 0 : i64, tpu.core_type = #tpu.core_type<tc>, window_params = [{transform_indices = @transform_0, window_bounds = array<i64: 2, 1024, 128>}, {pipeline_mode = #tpu.pipeline_mode<synchronous>, transform_indices = @transform_1, window_bounds = array<i64: 128, 64>}, {transform_indices = @transform_2, window_bounds = array<i64: 1024, 64>}]} {
    %get3A = arith.constant 0 : index
    %get3A_0 = arith.constant 0 : index
    %get3A_1 = arith.constant 0 : index
    %get3A_2 = vector.load %arg1[%get3A, %get3A_0, %get3A_1] : memref<2x1024x128xf32, #tpu.memory_space<vmem>>, vector<1x1024x128xf32>
    %get3A_3 = vector.shape_cast %get3A_2 : vector<1x1024x128xf32> to vector<1024x128xf32>
    %get3A_4 = arith.constant 1 : index
    %get3A_5 = arith.constant 0 : index
    %get3A_6 = arith.constant 0 : index
    %get3A_7 = vector.load %arg1[%get3A_4, %get3A_5, %get3A_6] : memref<2x1024x128xf32, #tpu.memory_space<vmem>>, vector<1x1024x128xf32>
    %get3A_8 = vector.shape_cast %get3A_7 : vector<1x1024x128xf32> to vector<1024x128xf32>
    %add3A = arith.addf %get3A_3, %get3A_8 : vector<1024x128xf32>
    %max3A = arith.constant 0.000000e+00 : f32
    %max3A_9 = vector.broadcast %max3A : f32 to vector<1024x128xf32>
    %max3A_10 = arith.maximumf %add3A, %max3A_9 : vector<1024x128xf32>
    %get3A_11 = arith.constant 0 : index
    %get3A_12 = arith.constant 0 : index
    %get3A_13 = vector.load %arg2[%get3A_11, %get3A_12] : memref<128x64xf32, #tpu.memory_space<vmem>>, vector<128x64xf32>
    %dot_general3A = arith.constant dense<0.000000e+00> : vector<1024x64xf32>
    %dot_general3A_14 = tpu.matmul %max3A_10, %get3A_13, %dot_general3A {dimension_numbers = #tpu.dot_dimension_numbers<[1], [0], [0], [1], [0, 0, 1, 1], [], []>, precision = #tpu.contract_precision<fp32>, transpose_lhs_hint = false} : vector<1024x128xf32>, vector<128x64xf32>, vector<1024x64xf32> -> vector<1024x64xf32>
    %swap3A = arith.constant 0 : index
    %swap3A_15 = arith.constant 0 : index
    %swap3A_16 = vector.load %arg3[%swap3A, %swap3A_15] : memref<1024x64xf32, #tpu.memory_space<vmem>>, vector<1024x64xf32>
    tpu.vector_store %arg3[%swap3A, %swap3A_15], %dot_general3A_14 {strides = array<i32>} : memref<1024x64xf32, #tpu.memory_space<vmem>>, vector<1024x64xf32>,
    return
  }
  func.func @transform_0(%arg0: i32) -> (i32, i32, i32) {
    %c0_i32 = arith.constant 0 : i32
    %c0_i32_0 = arith.constant 0 : i32
    %c0_i32_1 = arith.constant 0 : i32
    return %c0_i32, %arg0, %c0_i32_0 : i32, i32, i32
  }
  func.func @transform_1(%arg0: i32) -> (i32, i32) {
    %c0_i32 = arith.constant 0 : i32
    %c0_i32_0 = arith.constant 0 : i32
    %c0_i32_1 = arith.constant 0 : i32
    return %c0_i32, %c0_i32_0 : i32, i32
  }
  func.func @transform_2(%arg0: i32) -> (i32, i32) {
    %c0_i32 = arith.constant 0 : i32
    %c0_i32_0 = arith.constant 0 : i32
    return %arg0, %c0_i32 : i32, i32
  }
}

module attributes {stable_mosaic.version = 14 : i64} {
  func.func @body(%arg0: i32, %arg1: memref<2x1024x64xf32, #tpu.memory_space<vmem>>, %arg2: memref<1024x64xf32, #tpu.memory_space<vmem>>) attributes {dimension_semantics = [#tpu.dimension_semantics<arbitrary>], iteration_bounds = array<i64: 10>, scalar_prefetch = 0 : i64, scratch_operands = 0 : i64, tpu.core_type = #tpu.core_type<tc>, window_params = [{transform_indices = @transform_0, window_bounds = array<i64: 2, 1024, 64>}, {transform_indices = @transform_1, window_bounds = array<i64: 1024, 64>}]} {
    %get3A = arith.constant 0 : index
    %get3A_0 = arith.constant 0 : index
    %get3A_1 = arith.constant 0 : index
    %get3A_2 = vector.load %arg1[%get3A, %get3A_0, %get3A_1] : memref<2x1024x64xf32, #tpu.memory_space<vmem>>, vector<1x1024x64xf32>
    %get3A_3 = vector.shape_cast %get3A_2 : vector<1x1024x64xf32> to vector<1024x64xf32>
    %get3A_4 = arith.constant 1 : index
    %get3A_5 = arith.constant 0 : index
    %get3A_6 = arith.constant 0 : index
    %get3A_7 = vector.load %arg1[%get3A_4, %get3A_5, %get3A_6] : memref<2x1024x64xf32, #tpu.memory_space<vmem>>, vector<1x1024x64xf32>
    %get3A_8 = vector.shape_cast %get3A_7 : vector<1x1024x64xf32> to vector<1024x64xf32>
    %add3A = arith.addf %get3A_3, %get3A_8 : vector<1024x64xf32>
    %reduce_max3A = arith.constant dense<0xFF800000> : vector<1024xf32>
    %reduce_max3A_9 = vector.multi_reduction <maximumf>, %add3A, %reduce_max3A [1] : vector<1024x64xf32> to vector<1024xf32>
    %broadcast_in_dim3A = vector.shape_cast %reduce_max3A_9 : vector<1024xf32> to vector<1024x1xf32>
    %sub3A = vector.broadcast %broadcast_in_dim3A : vector<1024x1xf32> to vector<1024x64xf32>
    %sub3A_10 = arith.subf %add3A, %sub3A : vector<1024x64xf32>
    %exp3A = math.exp %sub3A_10 : vector<1024x64xf32>
    %reduce_sum3A = arith.constant dense<0.000000e+00> : vector<1024xf32>
    %reduce_sum3A_11 = vector.multi_reduction <add>, %exp3A, %reduce_sum3A [1] : vector<1024x64xf32> to vector<1024xf32>
    %broadcast_in_dim3A_12 = vector.shape_cast %reduce_sum3A_11 : vector<1024xf32> to vector<1024x1xf32>
    %div3A = vector.broadcast %broadcast_in_dim3A_12 : vector<1024x1xf32> to vector<1024x64xf32>
    %div3A_13 = arith.divf %exp3A, %div3A : vector<1024x64xf32>
    %swap3A = arith.constant 0 : index
    %swap3A_14 = arith.constant 0 : index
    %swap3A_15 = vector.load %arg2[%swap3A, %swap3A_14] : memref<1024x64xf32, #tpu.memory_space<vmem>>, vector<1024x64xf32>
    tpu.vector_store %arg2[%swap3A, %swap3A_14], %div3A_13 {strides = array<i32>} : memref<1024x64xf32, #tpu.memory_space<vmem>>, vector<1024x64xf32>,
    return
  }
  func.func @transform_0(%arg0: i32) -> (i32, i32, i32) {
    %c0_i32 = arith.constant 0 : i32
    %c0_i32_0 = arith.constant 0 : i32
    %c0_i32_1 = arith.constant 0 : i32
    return %c0_i32, %arg0, %c0_i32_0 : i32, i32, i32
  }
  func.func @transform_1(%arg0: i32) -> (i32, i32) {
    %c0_i32 = arith.constant 0 : i32
    %c0_i32_0 = arith.constant 0 : i32
    return %arg0, %c0_i32 : i32, i32
  }
}

</mosaic_0001>

<sc_bundles>
// kernel: sc_spmm_d128.3.cloned.1.call-start
scs
__scs_entry_jumppad:
0x0: {  	(pc) =	sbr.rel $0x88, $3  }
0x1: {  	(tag) =	ssettag $0x0;
	lr =	simm.s32 $0x1  }
0x2: {  	[smem:$0x3F9C] =	sst lr;
	_ =	strace $0xD0000000  }
0x3: {  	_ = 	snop  }
0x4: {  	_ = 	snop  }
0x5: {  	_ = 	snop  }
0x6: {  	_ = 	snop  }
0x7: {  	_ = 	snop  }
__scs_overlays_trampoline_lowered:
0x8: {  	[smem:$0x3FAB] =	sst s0  }
0x9: {  	[smem:$0x3FAC] =	sst s1  }
0xa: {  	[smem:$0x3FAD] =	sst s2  }
0xb: {  	[smem:$0x3FAE] =	sst s3  }
0xc: {  	[smem:$0x3FAF] =	sst s4  }
0xd: {  	[smem:$0x3FB0] =	sst s5  }
0xe: {  	[smem:$0x3FB1] =	sst s6  }
0xf: {  	[smem:$0x3FB2] =	sst s7  }
0x10: {  	[smem:$0x3FB3] =	sst s8  }
0x11: {  	[smem:$0x3FB4] =	sst s9;
	s0 =	simm.s32 @!p0 $0x0  }
0x12: {  	s1 =	sld [smem:$0x3F9A];
	s0 =	simm.s32 @p0 $0x1  }
0x13: {  	[smem:$0x3FB5] =	sst s0;
	s0 =	simm.s32 @!p1 $0x0  }
0x14: {  	s2 =	sld [smem:$0x3F99];
	s0 =	simm.s32 @p1 $0x1  }
0x15: {  	[smem:$0x3FB6] =	sst s0;
	s0 =	simm.s32 @!p2 $0x0  }
0x16: {  	s3 =	sld [smem:$0x3FDB];
	s0 =	simm.s32 @p2 $0x1  }
0x17: {  	s4 =	simm.s32 $0x1BF5;
	[smem:$0x3FB8] =	sst s0  }
0x18: {  	s0 =	sld [smem:$0x3F9B];
	_ =	swait.ge [sflag:s4], $0x0  }
0x19: {  	s7 =	sld [smem:$0x3F9C]  }
0x1a: {  	s8 =	sadd.s32 $0xFFFFE003, lr  }
0x1b: {  	s9 =	sadd.s32 $0xFFFFFEF7, lr;
	s5 =	simm.s32 $0xFFFFFFFF;
	p2 =	slt.u32 s8, $0xFFFFF086  }
0x1c: {  	p1 =	slt.u32 s9, $0xF7A;
	s5 =	simm.s32 @!p2 $0x0  }
0x1d: {  	s5 =	simm.s32 @p1 $0x1;
	p0 =	seq.s32 s7, s2  }
0x1e: {  	s7 =	smul.u32 @!p0 $0xF7A, s2;
	p2 =	seq.s32 @!p0 s5, $0x0  }
0x1f: {  	s9 =	smul.u32 $0xF7A, s1;
	s8 =	simm.s32 @!p0 $0x1BF5;
	p2 =	por !p2, p0  }
0x20: {  	[sflag:s8] =	ssyncset.s32 @!p0 $0xFFFFF086;
	s6 =	sadd.s32 @!p0 s3, s7;
	s7 =	simm.s32 @!p0 $0x108  }
0x21: {  	s3 =	sadd.s32 s3, s9;
	s6 =	sadd.s32 @!p0 $0x88, s6;
	s7 =	simm.s32 @p2 $0x1082  }
0x22: {  	[simem:s7], [sflag:s8] =	dma.local @!p0 [hbm:s6], $0xF7A  }
0x23: {  	s9 =	sor.u32 $0xD0000000, s2;
	s6 =	simm.s32 $0x108;
	_ =	swait.ge @!p0 [sflag:s8], $0x0  }
0x24: {  	s3 =	sadd.s32 $0x88, s3;
	s6 =	simm.s32 @!p1 $0x1082;
	[sflag:s4] =	ssyncset.s32 $0xFFFFF086  }
0x25: {  	[simem:s6], [sflag:s4] =	dma.local [hbm:s3], $0xF7A  }
0x26: {  	[smem:$0x3F9C] =	sst s1;
	(tag) =	ssettag s2;
	_ =	strace s9  }
0x27: {  	s1 =	sld [smem:$0x3FAC]  }
0x28: {  	s2 =	sld [smem:$0x3FAD]  }
0x29: {  	s4 =	sld [smem:$0x3FAF]  }
0x2a: {  	p0 =	seq.s32 s5, $0x0;
	s5 =	sld [smem:$0x3FB0]  }
0x2b: {  	s6 =	sld [smem:$0x3FB1]  }
0x2c: {  	s7 =	sld [smem:$0x3FB2]  }
0x2d: {  	s3 =	simm.s32 $0x108;
	s8 =	sld [smem:$0x3FB3]  }
0x2e: {  	s3 =	simm.s32 @!p0 $0x1082;
	s9 =	sld [smem:$0x3FB4]  }
0x2f: {  	lr =	sadd.s32 s0, s3;
	s0 =	sld [smem:$0x3FAB]  }
0x30: {  	s3 =	sld [smem:$0x3FAE]  }
0x31: {  	[smem:$0x3FB7] =	sst s10  }
0x32: {  	s10 =	sld [smem:$0x3FB5];
	_ =	sdelay $0x3  }
0x33: {  	p0 =	seq.s32 s10, $0x1;
	s10 =	sld [smem:$0x3FB7];
	_ =	sdelay $0x3  }
0x34: {  	[smem:$0x3FB7] =	sst s10  }
0x35: {  	s10 =	sld [smem:$0x3FB6];
	_ =	sdelay $0x3  }
0x36: {  	p1 =	seq.s32 s10, $0x1;
	s10 =	sld [smem:$0x3FB7];
	_ =	sdelay $0x3  }
0x37: {  	[smem:$0x3FB7] =	sst s10  }
0x38: {  	s10 =	sld [smem:$0x3FB8]  }
0x39: {  	_ = 	snop;
	(pc) =	sbr.ind lr, $3  }
0x3a: {  	_ = 	snop  }
0x3b: {  	_ = 	snop  }
0x3c: {  	p2 =	seq.s32 s10, $0x1;
	s10 =	sld [smem:$0x3FB7]  }
0x3d: {  	_ =	shalt  }
0x3e: {  	_ =	shalt  }
0x3f: {  	_ =	shalt  }
0x40: {  	_ =	shalt  }
0x41: {  	_ =	shalt  }
0x42: {  	_ =	shalt  }
0x43: {  	_ =	shalt  }
0x44: {  	_ =	shalt  }
0x45: {  	_ =	shalt  }
0x46: {  	_ =	shalt  }
0x47: {  	_ =	shalt  }
0x48: {  	_ =	shalt  }
0x49: {  	_ =	shalt  }
0x4a: {  	_ =	shalt  }
0x4b: {  	_ =	shalt  }
0x4c: {  	_ =	shalt  }
0x4d: {  	_ =	shalt  }
0x4e: {  	_ =	shalt  }
0x4f: {  	_ =	shalt  }
0x50: {  	_ =	shalt  }
0x51: {  	_ =	shalt  }
0x52: {  	_ =	shalt  }
0x53: {  	_ =	shalt  }
0x54: {  	_ =	shalt  }
0x55: {  	_ =	shalt  }
0x56: {  	_ =	shalt  }
0x57: {  	_ =	shalt  }
0x58: {  	_ =	shalt  }
0x59: {  	_ =	shalt  }
0x5a: {  	_ =	shalt  }
0x5b: {  	_ =	shalt  }
0x5c: {  	_ =	shalt  }
0x5d: {  	_ =	shalt  }
0x5e: {  	_ =	shalt  }
0x5f: {  	_ =	shalt  }
0x60: {  	_ =	shalt  }
0x61: {  	_ =	shalt  }
0x62: {  	_ =	shalt  }
0x63: {  	_ =	shalt  }
0x64: {  	_ =	shalt  }
0x65: {  	_ =	shalt  }
0x66: {  	_ =	shalt  }
0x67: {  	_ =	shalt  }
0x68: {  	_ =	shalt  }
0x69: {  	_ =	shalt  }
0x6a: {  	_ =	shalt  }
0x6b: {  	_ =	shalt  }
0x6c: {  	_ =	shalt  }
0x6d: {  	_ =	shalt  }
0x6e: {  	_ =	shalt  }
0x6f: {  	_ =	shalt  }
0x70: {  	_ =	shalt  }
0x71: {  	_ =	shalt  }
0x72: {  	_ =	shalt  }
0x73: {  	_ =	shalt  }
0x74: {  	_ =	shalt  }
0x75: {  	_ =	shalt  }
0x76: {  	_ =	shalt  }
0x77: {  	_ =	shalt  }
0x78: {  	_ =	shalt  }
0x79: {  	_ =	shalt  }
0x7a: {  	_ =	shalt  }
0x7b: {  	_ =	shalt  }
0x7c: {  	_ =	shalt  }
0x7d: {  	_ =	shalt  }
0x7e: {  	_ =	shalt  }
0x7f: {  	_ =	shalt  }
0x80: {  	_ =	shalt  }
0x81: {  	_ =	shalt  }
0x82: {  	_ =	shalt  }
0x83: {  	_ =	shalt  }
0x84: {  	_ =	shalt  }
0x85: {  	_ =	shalt  }
0x86: {  	_ =	shalt  }
0x87: {  	_ =	shalt  }
.Lfunc_end0:
.L_simem_size_0:
called_computation_lowered:
.L_overlay_start_0:
0x88: {  	s2 =	sld [smem:$0x3FD9]  }
0x89: {  	s3 =	sld [smem:$0x3FFE];
	_ =	sdelay $0x1  }
0x8a: {  	s1 =	srdreg.scid  }
0x8b: {  	s0 =	sand.u32 $0x1, s1  }
0x8c: {  	s17 =	sshll.u32 s0, $0xA;
	s2 =	sadd.s32 s3, s2  }
0x8d: {  	s2 =	sadd.s32 s2, s17  }
0x8e: {  	[smem:$0x3FC3] =	sst s2  }
0x8f: {  	_ = 	snop  }
0x90: {  	s2 =	sld [smem:$0x3FD0];
	(tm) =	ssettm $0x1  }
0x91: {  	s18 =	sld [smem:$0x3FFB];
	_ =	sdelay $0x3  }
0x92: {  	_ =	strace s18  }
0x93: {  	s3 =	sld [smem:$0x3FFC];
	_ =	sdelay $0x3  }
0x94: {  	_ =	strace s3  }
0x95: {  	s3 =	sld [smem:$0x3FFD];
	_ =	sdelay $0x3  }
0x96: {  	_ =	strace s3  }
0x97: {  	_ =	strace $0x8FFFFFFF  }
0x98: {  	s19 =	sld [smem:$0x3FDB];
	_ =	sdelay $0x1  }
0x99: {  	s4 =	simm.s32 $_scs_section_size  }
0x9a: {  	s5 =	simm.s32 $_size__tile_overlayer_lowered;
	s6 =	simm.s32 $_tile_overlayer_lowered  }
0x9b: {  	s22 =	simm.s32 $0x1BFF;
	s21 =	sshll.u32 s6, $0x1;
	s3 =	sadd.s32 s4, s19  }
0x9c: {  	s7 =	simm.s32 $0x0;
	s20 =	sshll.u32 s5, $0x1;
	s5 =	sadd.s32 s21, s3  }
0x9d: {  	[timem:s7], [sflag:s22] =	dma.local [hbm:s5], s20  }
0x9e: {  	_ =	swait.ge [sflag:s22], s20  }
0x9f: {  	s4 =	ssub.s32 $0x0, s20;
	[sflag:s22] =	ssyncset.done $0x0  }
0xa0: {  	[sflag:s22] =	ssyncadd.s32 s4;
	_ =	sdelay $0x1  }
0xa1: {  	s23 =	simm.s32 $0x1B8B  }
0xa2: {  	_ =	swait.ge [sflag:s23], $0x1  }
0xa3: {  	[sflag:s23] =	ssyncset.done $0x0  }
0xa4: {  	s25 =	simm.s32 $0x1B8E;
	s24 =	sld [smem:$0x3FFE];
	[sflag:s23] =	ssyncadd.s32 $0xFFFFFFFF  }
0xa5: {  	s26 =	simm.s32 $execute0_lowered;
	[smem:$0x3FD2] =	sst s25  }
0xa6: {  	s5 =	sshll.u32 s26, $0x1;
	_ =	strace $0x80000046;
	[dreg:$0x1] =	wrdreg $0xFFFFFFFF  }
0xa7: {  	s28 =	simm.s32 $_size_execute0_lowered;
	s3 =	sadd.s32 s3, s5;
	[dreg:$0x0] =	wrdreg $0x0  }
0xa8: {  	s5 =	sshll.u32 s28, $0x1;
	[dreg:$0x2] =	wrdreg s3  }
0xa9: {  	[dreg:$0x3] =	wrdreg s5  }
0xaa: {  	[dreg:$0x4] =	wrdreg $0xC0  }
0xab: {  	_ =	task [dreg:s7], $0x5FFFF  }
0xac: {  	[dreg:$0x1] =	wrdreg $0xFFFFFFFF  }
0xad: {  	[dreg:$0x0] =	wrdreg $0x60  }
0xae: {  	[dreg:$0x2] =	wrdreg s24  }
0xaf: {  	[dreg:$0x3] =	wrdreg s2  }
0xb0: {  	[dreg:$0x4] =	wrdreg $0x90000  }
0xb1: {  	[dreg:$0x5] =	wrdreg $0x9  }
0xb2: {  	_ =	task.clear_ibuf [dreg:s7], $0x6FFFF;
	_ =	strace $0x90000046  }
0xb3: {  	s29 =	simm.s32 $0x9;
	_ =	strace $0x80000048  }
0xb4: {  	_ =	swait.ge [sflag:s29], $0x1  }
0xb5: {  	[sflag:s29] =	ssyncadd.s32 $0xFFFFFFFF  }
0xb6: {  	_ =	strace $0x90000048  }
0xb7: {  	_ =	sfence  }
0xb8: {  	s30 =	sld [smem:$0x0];
	_ =	sdelay $0x2  }
0xb9: {  	s31 =	sshll.u32 s1, $0xD;
	s1 =	sshrl.u32 s1, $0x2  }
0xba: {  	s3 =	sand.u32 $0x4000, s31;
	s1 =	sadd.s32 s1, s30  }
0xbb: {  	s0 =	sor.u32 s3, s0;
	s1 =	sshll.u32 s1, $0x11  }
0xbc: {  	s0 =	sor.u32 s1, s0  }
0xbd: {  	s0 =	sadd.s32 $0x8F2B, s0  }
0xbe: {  	[sflag:s0] =	ssyncadd.remote.s32 $0x1  }
0xbf: {  	_ =	sfence.sel $0xFFFF  }
0xc0: {  	[dreg:$0x0] =	wrdreg $0xFFFFFFFF;
	(pc) =	sbr.abs _section_cstart, $3  }
0xc1: {  	[dreg:$0x1] =	wrdreg $0xFFFFFFFF  }
0xc2: {  	_ =	task.clear_ibuf [dreg:s7], $0x2FFFF;
	_ =	strace $0x9FFFFFFF  }
0xc3: {  	(tm) =	ssettm $0x7FFFFFFF  }
tec
execute0_lowered:
.L_overlay_start_1:
0x0: {  	(tag) =	ssettag $0x1  }
0x1: {  	s0 =	rddreg [dreg:$0x0]  }
0x2: {  	s1 =	rddreg [dreg:$0x1]  }
0x3: {  	s2 =	rddreg [dreg:$0x2];
	s3 =	srdreg.scid;
	s15 =	simm.s32 $0x0  }
0x4: {  	s4 =	stileid.u32;
	s21 =	simm.s32 $0x1000;
	s28 =	simm.s32 $0x1  }
0x5: {  	s29 =	simm.s32 $0x80;
	s30 =	simm.s32 $0xF00;
	s10 =	smul.u32 $0x14000, s4  }
0x6: {  	s31 =	simm.s32 $0x2;
	s3 =	sand.u32 $0x1, s3;
	s9 =	smul.u32 $0x50000, s4  }
0x7: {  	[smem:$0x7FF] =	sst s15;
	s5 =	sadd.s32 $0x15200, s0;
	s12 =	smul.u32 $0x14, s4  }
0x8: {  	s6 =	sadd.s32 $0x1200, s0;
	s7 =	sadd.s32 $0xB200, s0;
	s13 =	smul.u32 $0x8C, s4  }
0x9: {  	s8 =	smul.u32 $0x140000, s3;
	_ =	strace $0x80000047;
	s11 =	ssub.s32 $0x2, s3  }
0xa: {  	p0 =	seq.s32 s3, $0x0;
	s26 =	sshrl.u32 s11, $0x1;
	s14 =	sshrl.u32 s9, $0x2  }
0xb: {  	s9 =	simm.s32 $0x8C;
	s11 =	ssub.s32 s11, s26;
	s16 =	sadd.s32 s14, s2  }
0xc: {  	s20 =	sadd.s32 s10, s2;
	s22 =	smax.u32 s11, $0x1;
	[dreg:$0x5] =	wrdreg s16  }
0xd: {  	s8 =	sadd.s32 s10, s8;
	s23 =	sadd.s32 $0x4000, s16;
	[dreg:$0xa] =	wrdreg s22  }
0xe: {  	s9 =	simm.s32 @!p0 $0x14;
	s24 =	sadd.s32 $0x8000, s16;
	[dreg:$0xb] =	wrdreg s23  }
0xf: {  	s8 =	sshrl.u32 s8, $0x3;
	s25 =	sadd.s32 $0xC000, s16;
	[dreg:$0xc] =	wrdreg s24  }
0x10: {  	s14 =	sshrl.u32 s9, $0x1;
	s26 =	sadd.s32 $0x10000, s16;
	[dreg:$0xd] =	wrdreg s25  }
0x11: {  	s0 =	sadd.s32 s8, s0;
	s8 =	sadd.s32 $0x8C0, s12;
	[dreg:$0xe] =	wrdreg s26  }
0x12: {  	s22 =	simm.s32 $0x5;
	s8 =	smov.u32 @p0 s13;
	s0 =	sadd.s32 $0x3D200, s0  }
0x13: {  	s17 =	sshll.u32 s8, $0x4;
	[dreg:$0x9] =	wrdreg s0;
	s0 =	sshrl.u32 s20, $0x3  }
0x14: {  	s24 =	simm.s32 $0xA00;
	s18 =	sadd.s32 s1, s17;
	[dreg:$0xf] =	wrdreg s0  }
0x15: {  	s26 =	simm.s32 $0x5000;
	s19 =	sadd.s32 s6, s17;
	[dreg:$0x6] =	wrdreg s18  }
0x16: {  	s23 =	simm.s32 $0x3;
	s3 =	sadd.s32 s7, s17;
	[dreg:$0x7] =	wrdreg s19  }
0x17: {  	v0 =	vimm.f32 $0.0e+00;
	s0 =	simm.s32 $0xF80;
	[dreg:$0x8] =	wrdreg s3;
	s3 =	simm.s32 $0x4  }
.LBB2_1:
0x18: {  	[dreg:$0x4] =	wrdreg s15;
	s10 =	simm.s32 $0x0;
	s11 =	simm.s32 $0x200  }
.LBB2_2:
0x19: {  	p0 =	sne.s32 s11, $0xFE00;
	[tilespmem:s10+$0x1070] =	vst v0  }
0x1a: {  	[tilespmem:s10+$0x1000] =	vst v0  }
0x1b: {  	[tilespmem:s10+$0x1010] =	vst v0  }
.Ltmp0:
0x1c: {  	[tilespmem:s10+$0x1020] =	vst v0;
	(pc) =	sbr.rel @p0 .LBB2_2-.Ltmp0, $4  }
0x1d: {  	[tilespmem:s10+$0x1030] =	vst v0  }
0x1e: {  	[tilespmem:s10+$0x1040] =	vst v0  }
0x1f: {  	[tilespmem:s10+$0x1050] =	vst v0  }
0x20: {  	[tilespmem:s10+$0x1060] =	vst v0;
	s10 =	sshra.s32 s11, $0x2;
	s11 =	sadd.s32 $0x200, s11  }
0x21: {  	[tilespmem:s10+$0x1070] =	vst v0  }
0x22: {  	[tilespmem:s10+$0x1000] =	vst v0  }
0x23: {  	[tilespmem:s10+$0x1010] =	vst v0  }
0x24: {  	[tilespmem:s10+$0x1020] =	vst v0  }
0x25: {  	[tilespmem:s10+$0x1030] =	vst v0  }
0x26: {  	[tilespmem:s10+$0x1040] =	vst v0  }
0x27: {  	[tilespmem:s10+$0x1050] =	vst v0  }
0x28: {  	[tilespmem:s10+$0x1060] =	vst v0;
	s4 =	rddreg [dreg:$0x5]  }
0x29: {  	[spmem:s4] =	stream.linear.scatter [tilespmem:s21], [sflag:$0x5], $0x4000, $0x38;
	[tilespmem:$0x1D000] =	vst v63  }
0x2a: {  	_ =	swait.ge [sflag:s22], $0x4000  }
0x2b: {  	[sflag:s22] =	ssyncset.done $0x0  }
0x2c: {  	s13 =	rddreg [dreg:$0xb];
	[sflag:s22] =	ssyncadd.s32 $0xFFFFC000  }
0x2d: {  	[spmem:s13] =	stream.linear.scatter [tilespmem:s21], [sflag:$0x5], $0x4000, $0x38;
	[tilespmem:$0x1D000] =	vst v63  }
0x2e: {  	_ =	swait.ge [sflag:s22], $0x4000  }
0x2f: {  	[sflag:s22] =	ssyncset.done $0x0  }
0x30: {  	s15 =	rddreg [dreg:$0xc];
	[sflag:s22] =	ssyncadd.s32 $0xFFFFC000  }
0x31: {  	[spmem:s15] =	stream.linear.scatter [tilespmem:s21], [sflag:$0x5], $0x4000, $0x38;
	[tilespmem:$0x1D000] =	vst v63  }
0x32: {  	_ =	swait.ge [sflag:s22], $0x4000  }
0x33: {  	[sflag:s22] =	ssyncset.done $0x0  }
0x34: {  	s16 =	rddreg [dreg:$0xd];
	[sflag:s22] =	ssyncadd.s32 $0xFFFFC000  }
0x35: {  	[spmem:s16] =	stream.linear.scatter [tilespmem:s21], [sflag:$0x5], $0x4000, $0x38;
	[tilespmem:$0x1D000] =	vst v63  }
0x36: {  	_ =	swait.ge [sflag:s22], $0x4000  }
0x37: {  	[sflag:s22] =	ssyncset.done $0x0  }
0x38: {  	s17 =	rddreg [dreg:$0xe];
	[sflag:s22] =	ssyncadd.s32 $0xFFFFC000  }
0x39: {  	[spmem:s17] =	stream.linear.scatter [tilespmem:s21], [sflag:$0x5], $0x4000, $0x38;
	[tilespmem:$0x1D000] =	vst v63  }
0x3a: {  	_ =	swait.ge [sflag:s22], $0x4000  }
0x3b: {  	[sflag:s22] =	ssyncset.done $0x0  }
0x3c: {  	[sflag:s22] =	ssyncadd.s32 $0xFFFFC000  }
0x3d: {  	[bflag:$0x0] =	sbarrier.arrive $0xFFFF  }
0x3e: {  	s11 =	simm.s32 $0x0;
	s18 =	rddreg [dreg:$0x6]  }
0x3f: {  	[tilespmem:s11], [sflag:$0x5] =	stream.linear.gather [hbm4b:s18+s11], $0x500, $0x38;
	[tilespmem:$0x1D000] =	vst v63  }
0x40: {  	_ =	swait.ge [sflag:s22], $0x500  }
0x41: {  	[sflag:s22] =	ssyncset.done $0x0  }
0x42: {  	s20 =	simm.s32 $0x500;
	s19 =	rddreg [dreg:$0x7];
	[sflag:s22] =	ssyncadd.s32 $0xFFFFFB00  }
0x43: {  	[tilespmem:s20], [sflag:$0x5] =	stream.linear.gather [hbm4b:s19+s11], $0x500, $0x38;
	[tilespmem:$0x1D000] =	vst v63  }
0x44: {  	_ =	swait.ge [sflag:s22], $0x500  }
0x45: {  	[sflag:s22] =	ssyncset.done $0x0  }
0x46: {  	s25 =	rddreg [dreg:$0x8];
	[sflag:s22] =	ssyncadd.s32 $0xFFFFFB00  }
0x47: {  	[tilespmem:s24], [sflag:$0x5] =	stream.linear.gather [hbm4b:s25+s11], $0x500, $0x38;
	[tilespmem:$0x1D000] =	vst v63  }
0x48: {  	_ =	swait.ge [sflag:s22], $0x500  }
0x49: {  	[sflag:s22] =	ssyncset.done $0x0  }
0x4a: {  	s12 =	simm.s32 $0x80;
	[sflag:s22] =	ssyncadd.s32 $0xFFFFFB00  }
0x4b: {  	[tilespmem:s21], [sflag:$0x1] =	stream.indirect.gather [hbm4b:s5+s12], $0x80, s11, s12, $0xb8;
	[tilespmem:$0x1D000] =	vst v63  }
0x4c: {  	s13 =	simm.s32 $0x0;
	s15 =	simm.s32 $0x0  }
0x4d: {  	[tilespmem:s26], [sflag:$0x2] =	stream.indirect.gather [hbm4b:s5+s12], $0x80, s12, s12, $0xb8;
	[tilespmem:$0x1D000] =	vst v63  }
.LBB2_4:
0x4e: {  	s10 =	smulhi.u32 $0xCCCCCCCD, s11;
	_ =	sdelay $0x1  }
0x4f: {  	s10 =	sshrl.u32 s10, $0x3  }
0x50: {  	s10 =	smul.u32 $0x500, s10;
	_ =	sdelay $0x1  }
0x51: {  	s20 =	ssub.s32 s13, s10  }
0x52: {  	_ =	swait.ge [sflag:s28], $0x4000;
	s16 =	sadd.s32 $0x0, s20  }
0x53: {  	[sflag:s28] =	ssyncset.done $0x0;
	v1 =	vmov s16  }
0x54: {  	s18 =	simm.s32 $0x1040;
	[sflag:s28] =	ssyncadd.s32 $0xFFFFC000  }
0x55: {  	v5 =	vld [tilespmem:s18+$0x30]  }
0x56: {  	v8 =	vld [tilespmem:s18+$0x10]  }
0x57: {  	v6 =	vld [tilespmem:s18+$0xFFFFFFC0]  }
0x58: {  	s16 =	sshll.u32 s15, $0x1;
	v2 =	vld.idx.msk [tilespmem:v1+s24+$0x0], $0xffff  }
0x59: {  	v10 =	vld [tilespmem:s18+$0xFFFFFFE0];
	s17 =	smulhi.u32 $0xCCCCCCCD, s16  }
0x5a: {  	v3 =	vld [tilespmem:s18+$0x20]  }
0x5b: {  	v4 =	vld [tilespmem:s18+$0xFFFFFFD0];
	s17 =	sshrl.u32 s17, $0x3  }
0x5c: {  	s19 =	smul.u32 $0xA, s17;
	v1 =	vld [tilespmem:s18+$0xFFFFFFF0]  }
0x5d: {  	v9 =	vmul.f32 v5, v2;
	v5 =	vld [tilespmem:s18+$0x0]  }
0x5e: {  	s17 =	ssub.s32 s12, s10;
	s25 =	ssub.s32 s16, s19;
	v7 =	vmul.f32 v6, v2  }
0x5f: {  	s10 =	simm.s32 $0x1040;
	s19 =	sshll.u32 s25, $0x7;
	s25 =	simm.s32 $0x1;
	v6 =	vmul.f32 v10, v2;
	v8 =	vmul.f32 v8, v2  }
.LBB2_5:
0x60: {  	p0 =	sne.s32 s25, $0x7F  }
0x61: {  	v4 =	vmul.f32 v4, v2;
	v3 =	vmul.f32 v3, v2;
	[tilespmem:s18+$0x30] =	vst v9;
	s10 =	sadd.s32 $0x80, s10;
	s4 =	smov.u32 s25;
	s25 =	sadd.s32 $0x1, s25  }
0x62: {  	[tilespmem:s18+$0xFFFFFFC0] =	vst v7;
	v7 =	vmul.f32 v1, v2;
	v2 =	vmul.f32 v5, v2  }
0x63: {  	s4 =	sadd.s32 s4, s20;
	[tilespmem:s18+$0x10] =	vst v8  }
0x64: {  	v5 =	vmov s4;
	[tilespmem:s18+$0xFFFFFFE0] =	vst v6  }
0x65: {  	v1 =	vld [tilespmem:s10+$0xFFFFFFF0];
	[tilespmem:s18+$0xFFFFFFF0] =	vst v7  }
0x66: {  	v6 =	vld [tilespmem:s10+$0x30];
	[tilespmem:s18+$0x0] =	vst v2  }
0x67: {  	v8 =	vld [tilespmem:s10+$0x10];
	[tilespmem:s18+$0x20] =	vst v3  }
0x68: {  	v7 =	vld [tilespmem:s10+$0xFFFFFFC0];
	[tilespmem:s18+$0xFFFFFFD0] =	vst v4;
	s18 =	smov.u32 s10  }
0x69: {  	v2 =	vld.idx.msk [tilespmem:v5+s24+$0x0], $0xffff  }
0x6a: {  	v10 =	vld [tilespmem:s10+$0xFFFFFFE0]  }
0x6b: {  	v3 =	vld [tilespmem:s10+$0x20]  }
.Ltmp1:
0x6c: {  	v4 =	vld [tilespmem:s10+$0xFFFFFFD0];
	(pc) =	sbr.rel @p0 .LBB2_5-.Ltmp1, $3  }
0x6d: {  	v5 =	vld [tilespmem:s10+$0x0];
	_ =	sdelay $0x1  }
0x6e: {  	v7 =	vmul.f32 v7, v2;
	v9 =	vmul.f32 v6, v2  }
0x6f: {  	v8 =	vmul.f32 v8, v2;
	v6 =	vmul.f32 v10, v2  }
0x70: {  	[tilespmem:s18+$0x30] =	vst v9  }
0x71: {  	[tilespmem:s18+$0xFFFFFFC0] =	vst v7  }
0x72: {  	v1 =	vmul.f32 v1, v2;
	[tilespmem:s18+$0x10] =	vst v8  }
0x73: {  	v3 =	vmul.f32 v3, v2;
	[tilespmem:s18+$0xFFFFFFE0] =	vst v6  }
0x74: {  	v5 =	vmul.f32 v5, v2;
	[tilespmem:s18+$0xFFFFFFF0] =	vst v1  }
0x75: {  	v1 =	vmul.f32 v4, v2;
	[tilespmem:s18+$0x20] =	vst v3  }
0x76: {  	[tilespmem:s18+$0x0] =	vst v5  }
0x77: {  	[tilespmem:s18+$0xFFFFFFD0] =	vst v1  }
0x78: {  	v1 =	vld [tilespmem:s19+$0x500];
	_ =	sdelay $0x4  }
0x79: {  	[tilespmem:$0xF00] =	vst v1  }
0x7a: {  	v1 =	vld [tilespmem:s19+$0x510];
	_ =	sdelay $0x4  }
0x7b: {  	[tilespmem:$0xF10] =	vst v1  }
0x7c: {  	v1 =	vld [tilespmem:s19+$0x520];
	_ =	sdelay $0x4  }
0x7d: {  	[tilespmem:$0xF20] =	vst v1  }
0x7e: {  	v1 =	vld [tilespmem:s19+$0x530];
	_ =	sdelay $0x4  }
0x7f: {  	[tilespmem:$0xF30] =	vst v1  }
0x80: {  	v1 =	vld [tilespmem:s19+$0x540];
	_ =	sdelay $0x4  }
0x81: {  	[tilespmem:$0xF40] =	vst v1  }
0x82: {  	v1 =	vld [tilespmem:s19+$0x550];
	_ =	sdelay $0x4  }
0x83: {  	[tilespmem:$0xF50] =	vst v1  }
0x84: {  	v1 =	vld [tilespmem:s19+$0x560];
	_ =	sdelay $0x4  }
0x85: {  	[tilespmem:$0xF60] =	vst v1  }
0x86: {  	v1 =	vld [tilespmem:s19+$0x570];
	_ =	sdelay $0x4  }
0x87: {  	[tilespmem:$0xF70] =	vst v1  }
0x88: {  	[spmem:s2] =	stream.indirect.scatter.add.f32 [tilespmem:s21], [sflag:$0x3], $0x80, s30, s29, $0xb8;
	[tilespmem:$0x1D000] =	vst v63  }
0x89: {  	s4 =	sadd.s32 $0x0, s17;
	_ =	swait.ge [sflag:s31], $0x4000  }
0x8a: {  	v1 =	vmov s4;
	[sflag:s31] =	ssyncset.done $0x0  }
0x8b: {  	s18 =	simm.s32 $0x5040;
	[sflag:s31] =	ssyncadd.s32 $0xFFFFC000  }
0x8c: {  	v5 =	vld [tilespmem:s18+$0x30]  }
0x8d: {  	v8 =	vld [tilespmem:s18+$0x10]  }
0x8e: {  	v6 =	vld [tilespmem:s18+$0xFFFFFFC0]  }
0x8f: {  	s25 =	sor.u32 $0x1, s16;
	v2 =	vld.idx.msk [tilespmem:v1+s24+$0x0], $0xffff  }
0x90: {  	s10 =	smulhi.u32 $0xCCCCCCCD, s25;
	v10 =	vld [tilespmem:s18+$0xFFFFFFE0]  }
0x91: {  	v1 =	vld [tilespmem:s18+$0xFFFFFFF0]  }
0x92: {  	s10 =	sshrl.u32 s10, $0x3;
	v3 =	vld [tilespmem:s18+$0x20]  }
0x93: {  	s10 =	smul.u32 $0xA, s10;
	v4 =	vld [tilespmem:s18+$0xFFFFFFD0]  }
0x94: {  	v9 =	vmul.f32 v5, v2;
	v5 =	vld [tilespmem:s18+$0x0]  }
0x95: {  	s4 =	ssub.s32 s25, s10;
	v7 =	vmul.f32 v6, v2  }
0x96: {  	s20 =	simm.s32 $0x1;
	s10 =	simm.s32 $0x5040;
	s19 =	sshll.u32 s4, $0x7;
	v6 =	vmul.f32 v10, v2;
	v8 =	vmul.f32 v8, v2  }
.LBB2_7:
0x97: {  	p0 =	sne.s32 s20, $0x7F  }
0x98: {  	v4 =	vmul.f32 v4, v2;
	v3 =	vmul.f32 v3, v2;
	[tilespmem:s18+$0x30] =	vst v9;
	s10 =	sadd.s32 $0x80, s10;
	s4 =	smov.u32 s20;
	s20 =	sadd.s32 $0x1, s20  }
0x99: {  	[tilespmem:s18+$0xFFFFFFC0] =	vst v7;
	v7 =	vmul.f32 v1, v2;
	v2 =	vmul.f32 v5, v2  }
0x9a: {  	s4 =	sadd.s32 s4, s17;
	[tilespmem:s18+$0x10] =	vst v8  }
0x9b: {  	v5 =	vmov s4;
	[tilespmem:s18+$0xFFFFFFE0] =	vst v6  }
0x9c: {  	v1 =	vld [tilespmem:s10+$0xFFFFFFF0];
	[tilespmem:s18+$0xFFFFFFF0] =	vst v7  }
0x9d: {  	v6 =	vld [tilespmem:s10+$0x30];
	[tilespmem:s18+$0x0] =	vst v2  }
0x9e: {  	v8 =	vld [tilespmem:s10+$0x10];
	[tilespmem:s18+$0x20] =	vst v3  }
0x9f: {  	v7 =	vld [tilespmem:s10+$0xFFFFFFC0];
	[tilespmem:s18+$0xFFFFFFD0] =	vst v4;
	s18 =	smov.u32 s10  }
0xa0: {  	v2 =	vld.idx.msk [tilespmem:v5+s24+$0x0], $0xffff  }
0xa1: {  	v10 =	vld [tilespmem:s10+$0xFFFFFFE0]  }
0xa2: {  	v3 =	vld [tilespmem:s10+$0x20]  }
.Ltmp2:
0xa3: {  	v4 =	vld [tilespmem:s10+$0xFFFFFFD0];
	(pc) =	sbr.rel @p0 .LBB2_7-.Ltmp2, $3  }
0xa4: {  	v5 =	vld [tilespmem:s10+$0x0];
	_ =	sdelay $0x1  }
0xa5: {  	v7 =	vmul.f32 v7, v2;
	v9 =	vmul.f32 v6, v2  }
0xa6: {  	v8 =	vmul.f32 v8, v2;
	v6 =	vmul.f32 v10, v2  }
0xa7: {  	[tilespmem:s18+$0x30] =	vst v9  }
0xa8: {  	[tilespmem:s18+$0xFFFFFFC0] =	vst v7  }
0xa9: {  	v1 =	vmul.f32 v1, v2;
	[tilespmem:s18+$0x10] =	vst v8  }
0xaa: {  	v3 =	vmul.f32 v3, v2;
	[tilespmem:s18+$0xFFFFFFE0] =	vst v6  }
0xab: {  	v5 =	vmul.f32 v5, v2;
	[tilespmem:s18+$0xFFFFFFF0] =	vst v1  }
0xac: {  	v1 =	vmul.f32 v4, v2;
	[tilespmem:s18+$0x20] =	vst v3  }
0xad: {  	[tilespmem:s18+$0x0] =	vst v5  }
0xae: {  	[tilespmem:s18+$0xFFFFFFD0] =	vst v1  }
0xaf: {  	v1 =	vld [tilespmem:s19+$0x500];
	_ =	sdelay $0x4  }
0xb0: {  	[tilespmem:$0xF80] =	vst v1  }
0xb1: {  	v1 =	vld [tilespmem:s19+$0x510];
	_ =	sdelay $0x4  }
0xb2: {  	[tilespmem:$0xF90] =	vst v1  }
0xb3: {  	v1 =	vld [tilespmem:s19+$0x520];
	_ =	sdelay $0x4  }
0xb4: {  	[tilespmem:$0xFA0] =	vst v1  }
0xb5: {  	v1 =	vld [tilespmem:s19+$0x530];
	_ =	sdelay $0x4  }
0xb6: {  	[tilespmem:$0xFB0] =	vst v1  }
0xb7: {  	v1 =	vld [tilespmem:s19+$0x540];
	_ =	sdelay $0x4  }
0xb8: {  	[tilespmem:$0xFC0] =	vst v1  }
0xb9: {  	v1 =	vld [tilespmem:s19+$0x550];
	_ =	sdelay $0x4  }
0xba: {  	[tilespmem:$0xFD0] =	vst v1  }
0xbb: {  	v1 =	vld [tilespmem:s19+$0x560];
	_ =	sdelay $0x4  }
0xbc: {  	[tilespmem:$0xFE0] =	vst v1  }
0xbd: {  	s4 =	sadd.s32 $0x2, s16;
	v1 =	vld [tilespmem:s19+$0x570]  }
0xbe: {  	p0 =	sge.u32 s4, s9  }
0xbf: {  	s10 =	smulhi.u32 @!p0 $0xCCCCCCCD, s4;
	_ =	sdelay $0x1  }
0xc0: {  	s10 =	sshrl.u32 @!p0 s10, $0x3  }
0xc1: {  	s10 =	smul.u32 @!p0 $0xA, s10;
	[tilespmem:$0xFF0] =	vst v1  }
0xc2: {  	[spmem:s2] =	stream.indirect.scatter.add.f32 [tilespmem:s26], [sflag:$0x4], $0x80, s0, s29, $0xb8;
	[tilespmem:$0x1D000] =	vst v63  }
0xc3: {  	s10 =	ssub.s32 @!p0 s4, s10;
	_ =	swait.ge [sflag:s23], $0x4000  }
0xc4: {  	p1 =	sne.s32 @!p0 s10, $0x0;
	[sflag:s23] =	ssyncset.done $0x0  }
0xc5: {  	p1 =	por p1, p0;
	[sflag:s23] =	ssyncadd.s32 $0xFFFFC000  }
0xc6: {  	s4 =	sadd.s32 @!p1 s8, s4;
	_ =	swait.ge [sflag:s3], $0x4000  }
0xc7: {  	s4 =	sshll.u32 @!p1 s4, $0x4;
	[sflag:s3] =	ssyncset.done $0x0  }
0xc8: {  	s18 =	simm.s32 @!p1 $0x0;
	s17 =	sadd.s32 @!p1 s1, s4;
	[sflag:s3] =	ssyncadd.s32 $0xFFFFC000  }
0xc9: {  	[tilespmem:s18], [sflag:$0x5] =	stream.linear.gather @!p1 [hbm4b:s17+s18], $0x500, $0x38;
	[tilespmem:$0x1D000] =	vst v63  }
0xca: {  	s17 =	simm.s32 @!p1 $0x5  }
0xcb: {  	_ =	swait.ge @!p1 [sflag:s17], $0x500  }
0xcc: {  	[sflag:s17] =	ssyncset.done @!p1 $0x0  }
0xcd: {  	s20 =	simm.s32 @!p1 $0x500;
	s19 =	sadd.s32 @!p1 s6, s4;
	[sflag:s17] =	ssyncadd.s32 @!p1 $0xFFFFFB00  }
0xce: {  	[tilespmem:s20], [sflag:$0x5] =	stream.linear.gather @!p1 [hbm4b:s19+s18], $0x500, $0x38;
	[tilespmem:$0x1D000] =	vst v63  }
0xcf: {  	_ =	swait.ge @!p1 [sflag:s17], $0x500  }
0xd0: {  	[sflag:s17] =	ssyncset.done @!p1 $0x0  }
0xd1: {  	s4 =	sadd.s32 @!p1 s7, s4;
	s19 =	simm.s32 @!p1 $0xA00;
	[sflag:s17] =	ssyncadd.s32 @!p1 $0xFFFFFB00  }
0xd2: {  	[tilespmem:s19], [sflag:$0x5] =	stream.linear.gather @!p1 [hbm4b:s4+s18], $0x500, $0x38;
	[tilespmem:$0x1D000] =	vst v63  }
0xd3: {  	s4 =	sadd.s32 @!p0 $0x3, s16  }
0xd4: {  	s10 =	sshll.u32 @!p0 s10, $0x7;
	s16 =	smulhi.u32 @!p0 $0xCCCCCCCD, s4  }
0xd5: {  	s10 =	sand.u32 @!p0 $0x3FFFFF80, s10;
	_ =	swait.ge @!p1 [sflag:s17], $0x500  }
0xd6: {  	s18 =	simm.s32 @!p0 $0x1000;
	[sflag:s17] =	ssyncset.done @!p1 $0x0;
	s16 =	sshrl.u32 @!p0 s16, $0x3  }
0xd7: {  	[sflag:s17] =	ssyncadd.s32 @!p1 $0xFFFFFB00;
	s17 =	simm.s32 @!p0 $0x80;
	s16 =	smul.u32 @!p0 $0xA, s16  }
0xd8: {  	[tilespmem:s18], [sflag:$0x1] =	stream.indirect.gather @!p0 [hbm4b:s5+s17], $0x80, s10, s17, $0xb8;
	[tilespmem:$0x1D000] =	vst v63  }
0xd9: {  	s4 =	ssub.s32 @!p0 s4, s16  }
0xda: {  	s15 =	sadd.s32 $0x1, s15;
	s10 =	simm.s32 @!p0 $0x5000;
	s4 =	sshll.u32 @!p0 s4, $0x7  }
0xdb: {  	[tilespmem:s10], [sflag:$0x2] =	stream.indirect.gather @!p0 [hbm4b:s5+s17], $0x80, s4, s17, $0xb8;
	[tilespmem:$0x1D000] =	vst v63  }
0xdc: {  	p0 =	sne.s32 s15, s14  }
.Ltmp3:
0xdd: {  	_ = 	snop;
	(pc) =	sbr.rel @p0 .LBB2_4-.Ltmp3, $2  }
0xde: {  	_ =	sdelay $0x2  }
0xdf: {  	s13 =	sadd.s32 $0x100, s13;
	s11 =	sadd.s32 $0x2, s11;
	s12 =	sadd.s32 $0x100, s12  }
0xe0: {  	s4 =	stileid.u32;
	[bflag:$0x0] =	sbarrier.arrive $0xFFFF  }
0xe1: {  	s4 =	sshll.u32 s4, $0x6;
	s10 =	rddreg [dreg:$0x9]  }
0xe2: {  	s11 =	rddreg [dreg:$0xf];
	s4 =	sor.u32 $0x1C05, s4  }
0xe3: {  	[hbm:s10], [sflag:s4] =	dma.local [spmem:s11], $0x2800  }
0xe4: {  	_ =	swait.ge [sflag:s22], $0x2800  }
0xe5: {  	s15 =	rddreg [dreg:$0x4]  }
0xe6: {  	s25 =	rddreg [dreg:$0xa];
	s15 =	sadd.s32 $0x1, s15  }
0xe7: {  	p0 =	sne.s32 s15, s25  }
.Ltmp4:
0xe8: {  	_ = 	snop;
	(pc) =	sbr.rel @p0 .LBB2_1-.Ltmp4, $3  }
0xe9: {  	_ =	sdelay $0x1  }
0xea: {  	[sflag:s22] =	ssyncset.done $0x0  }
0xeb: {  	[sflag:s22] =	ssyncadd.s32 $0xFFFFD800  }
0xec: {  	_ =	sfence.sel $0x180000  }
0xed: {  	[bflag:$0x0] =	sbarrier.arrive $0xFFFF  }
0xee: {  	_ =	strace $0x90000047  }
0xef: {  	s0 =	stileid.u32;
	[bflag:$0x2] =	sbarrier.arrive $0xFFFF  }
0xf0: {  	p0 =	sne.s32 s0, $0x0;
	s0 =	rddreg [dreg:$0x3]  }
0xf1: {  	s0 =	sadd.s32 @!p0 $0x100000, s0  }
0xf2: {  	[sflag:s0] =	ssyncadd.tile.s32 @!p0 $0x1;
	_ =	shalt  }
.Lfunc_end2:
_tile_overlayer_lowered:
.L_overlay_start_2:
0xf3: {  	(tag) =	ssettag $0x2  }
0xf4: {  	s0 =	rddreg [dreg:$0x0];
	s2 =	stileid.u32  }
0xf5: {  	s1 =	rddreg [dreg:$0x1];
	p0 =	sne.s32 s2, $0x0  }
0xf6: {  	s3 =	rddreg [dreg:$0x2];
	[bflag:$0x3] =	sbarrier.arrive $0xFFFF;
	s2 =	simm.s32 @!p0 $0x1C05  }
0xf7: {  	[timem:s3], [sflag:s2] =	dma.local @!p0 [hbm:s0], s1  }
0xf8: {  	s0 =	simm.s32 @!p0 $0x5  }
0xf9: {  	_ =	swait.ge @!p0 [sflag:s0], s1  }
0xfa: {  	s1 =	ssub.s32 @!p0 $0x0, s1;
	[sflag:s0] =	ssyncset.done @!p0 $0x0  }
0xfb: {  	[sflag:s0] =	ssyncadd.s32 @!p0 s1  }
0xfc: {  	[bflag:$0x3] =	sbarrier.arrive $0xFFFF  }
0xfd: {  	_ =	shalt  }

// kernel: sc_spmm_d64.3.cloned.1.call-start
scs
__scs_entry_jumppad:
0x0: {  	(pc) =	sbr.rel $0x88, $3  }
0x1: {  	(tag) =	ssettag $0x0;
	lr =	simm.s32 $0x1  }
0x2: {  	[smem:$0x3F9C] =	sst lr;
	_ =	strace $0xD0000000  }
0x3: {  	_ = 	snop  }
0x4: {  	_ = 	snop  }
0x5: {  	_ = 	snop  }
0x6: {  	_ = 	snop  }
0x7: {  	_ = 	snop  }
__scs_overlays_trampoline_lowered:
0x8: {  	[smem:$0x3FAB] =	sst s0  }
0x9: {  	[smem:$0x3FAC] =	sst s1  }
0xa: {  	[smem:$0x3FAD] =	sst s2  }
0xb: {  	[smem:$0x3FAE] =	sst s3  }
0xc: {  	[smem:$0x3FAF] =	sst s4  }
0xd: {  	[smem:$0x3FB0] =	sst s5  }
0xe: {  	[smem:$0x3FB1] =	sst s6  }
0xf: {  	[smem:$0x3FB2] =	sst s7  }
0x10: {  	[smem:$0x3FB3] =	sst s8  }
0x11: {  	[smem:$0x3FB4] =	sst s9;
	s0 =	simm.s32 @!p0 $0x0  }
0x12: {  	s1 =	sld [smem:$0x3F9A];
	s0 =	simm.s32 @p0 $0x1  }
0x13: {  	[smem:$0x3FB5] =	sst s0;
	s0 =	simm.s32 @!p1 $0x0  }
0x14: {  	s2 =	sld [smem:$0x3F99];
	s0 =	simm.s32 @p1 $0x1  }
0x15: {  	[smem:$0x3FB6] =	sst s0;
	s0 =	simm.s32 @!p2 $0x0  }
0x16: {  	s3 =	sld [smem:$0x3FDB];
	s0 =	simm.s32 @p2 $0x1  }
0x17: {  	s4 =	simm.s32 $0x1BF5;
	[smem:$0x3FB8] =	sst s0  }
0x18: {  	s0 =	sld [smem:$0x3F9B];
	_ =	swait.ge [sflag:s4], $0x0  }
0x19: {  	s7 =	sld [smem:$0x3F9C]  }
0x1a: {  	s8 =	sadd.s32 $0xFFFFE003, lr  }
0x1b: {  	s9 =	sadd.s32 $0xFFFFFEF7, lr;
	s5 =	simm.s32 $0xFFFFFFFF;
	p2 =	slt.u32 s8, $0xFFFFF086  }
0x1c: {  	p1 =	slt.u32 s9, $0xF7A;
	s5 =	simm.s32 @!p2 $0x0  }
0x1d: {  	s5 =	simm.s32 @p1 $0x1;
	p0 =	seq.s32 s7, s2  }
0x1e: {  	s7 =	smul.u32 @!p0 $0xF7A, s2;
	p2 =	seq.s32 @!p0 s5, $0x0  }
0x1f: {  	s9 =	smul.u32 $0xF7A, s1;
	s8 =	simm.s32 @!p0 $0x1BF5;
	p2 =	por !p2, p0  }
0x20: {  	[sflag:s8] =	ssyncset.s32 @!p0 $0xFFFFF086;
	s6 =	sadd.s32 @!p0 s3, s7;
	s7 =	simm.s32 @!p0 $0x108  }
0x21: {  	s3 =	sadd.s32 s3, s9;
	s6 =	sadd.s32 @!p0 $0x88, s6;
	s7 =	simm.s32 @p2 $0x1082  }
0x22: {  	[simem:s7], [sflag:s8] =	dma.local @!p0 [hbm:s6], $0xF7A  }
0x23: {  	s9 =	sor.u32 $0xD0000000, s2;
	s6 =	simm.s32 $0x108;
	_ =	swait.ge @!p0 [sflag:s8], $0x0  }
0x24: {  	s3 =	sadd.s32 $0x88, s3;
	s6 =	simm.s32 @!p1 $0x1082;
	[sflag:s4] =	ssyncset.s32 $0xFFFFF086  }
0x25: {  	[simem:s6], [sflag:s4] =	dma.local [hbm:s3], $0xF7A  }
0x26: {  	[smem:$0x3F9C] =	sst s1;
	(tag) =	ssettag s2;
	_ =	strace s9  }
0x27: {  	s1 =	sld [smem:$0x3FAC]  }
0x28: {  	s2 =	sld [smem:$0x3FAD]  }
0x29: {  	s4 =	sld [smem:$0x3FAF]  }
0x2a: {  	p0 =	seq.s32 s5, $0x0;
	s5 =	sld [smem:$0x3FB0]  }
0x2b: {  	s6 =	sld [smem:$0x3FB1]  }
0x2c: {  	s7 =	sld [smem:$0x3FB2]  }
0x2d: {  	s3 =	simm.s32 $0x108;
	s8 =	sld [smem:$0x3FB3]  }
0x2e: {  	s3 =	simm.s32 @!p0 $0x1082;
	s9 =	sld [smem:$0x3FB4]  }
0x2f: {  	lr =	sadd.s32 s0, s3;
	s0 =	sld [smem:$0x3FAB]  }
0x30: {  	s3 =	sld [smem:$0x3FAE]  }
0x31: {  	[smem:$0x3FB7] =	sst s10  }
0x32: {  	s10 =	sld [smem:$0x3FB5];
	_ =	sdelay $0x3  }
0x33: {  	p0 =	seq.s32 s10, $0x1;
	s10 =	sld [smem:$0x3FB7];
	_ =	sdelay $0x3  }
0x34: {  	[smem:$0x3FB7] =	sst s10  }
0x35: {  	s10 =	sld [smem:$0x3FB6];
	_ =	sdelay $0x3  }
0x36: {  	p1 =	seq.s32 s10, $0x1;
	s10 =	sld [smem:$0x3FB7];
	_ =	sdelay $0x3  }
0x37: {  	[smem:$0x3FB7] =	sst s10  }
0x38: {  	s10 =	sld [smem:$0x3FB8]  }
0x39: {  	_ = 	snop;
	(pc) =	sbr.ind lr, $3  }
0x3a: {  	_ = 	snop  }
0x3b: {  	_ = 	snop  }
0x3c: {  	p2 =	seq.s32 s10, $0x1;
	s10 =	sld [smem:$0x3FB7]  }
0x3d: {  	_ =	shalt  }
0x3e: {  	_ =	shalt  }
0x3f: {  	_ =	shalt  }
0x40: {  	_ =	shalt  }
0x41: {  	_ =	shalt  }
0x42: {  	_ =	shalt  }
0x43: {  	_ =	shalt  }
0x44: {  	_ =	shalt  }
0x45: {  	_ =	shalt  }
0x46: {  	_ =	shalt  }
0x47: {  	_ =	shalt  }
0x48: {  	_ =	shalt  }
0x49: {  	_ =	shalt  }
0x4a: {  	_ =	shalt  }
0x4b: {  	_ =	shalt  }
0x4c: {  	_ =	shalt  }
0x4d: {  	_ =	shalt  }
0x4e: {  	_ =	shalt  }
0x4f: {  	_ =	shalt  }
0x50: {  	_ =	shalt  }
0x51: {  	_ =	shalt  }
0x52: {  	_ =	shalt  }
0x53: {  	_ =	shalt  }
0x54: {  	_ =	shalt  }
0x55: {  	_ =	shalt  }
0x56: {  	_ =	shalt  }
0x57: {  	_ =	shalt  }
0x58: {  	_ =	shalt  }
0x59: {  	_ =	shalt  }
0x5a: {  	_ =	shalt  }
0x5b: {  	_ =	shalt  }
0x5c: {  	_ =	shalt  }
0x5d: {  	_ =	shalt  }
0x5e: {  	_ =	shalt  }
0x5f: {  	_ =	shalt  }
0x60: {  	_ =	shalt  }
0x61: {  	_ =	shalt  }
0x62: {  	_ =	shalt  }
0x63: {  	_ =	shalt  }
0x64: {  	_ =	shalt  }
0x65: {  	_ =	shalt  }
0x66: {  	_ =	shalt  }
0x67: {  	_ =	shalt  }
0x68: {  	_ =	shalt  }
0x69: {  	_ =	shalt  }
0x6a: {  	_ =	shalt  }
0x6b: {  	_ =	shalt  }
0x6c: {  	_ =	shalt  }
0x6d: {  	_ =	shalt  }
0x6e: {  	_ =	shalt  }
0x6f: {  	_ =	shalt  }
0x70: {  	_ =	shalt  }
0x71: {  	_ =	shalt  }
0x72: {  	_ =	shalt  }
0x73: {  	_ =	shalt  }
0x74: {  	_ =	shalt  }
0x75: {  	_ =	shalt  }
0x76: {  	_ =	shalt  }
0x77: {  	_ =	shalt  }
0x78: {  	_ =	shalt  }
0x79: {  	_ =	shalt  }
0x7a: {  	_ =	shalt  }
0x7b: {  	_ =	shalt  }
0x7c: {  	_ =	shalt  }
0x7d: {  	_ =	shalt  }
0x7e: {  	_ =	shalt  }
0x7f: {  	_ =	shalt  }
0x80: {  	_ =	shalt  }
0x81: {  	_ =	shalt  }
0x82: {  	_ =	shalt  }
0x83: {  	_ =	shalt  }
0x84: {  	_ =	shalt  }
0x85: {  	_ =	shalt  }
0x86: {  	_ =	shalt  }
0x87: {  	_ =	shalt  }
.Lfunc_end0:
.L_simem_size_0:
called_computation.1_lowered:
.L_overlay_start_0:
0x88: {  	s2 =	sld [smem:$0x3FD9]  }
0x89: {  	s3 =	sld [smem:$0x3FFE];
	_ =	sdelay $0x1  }
0x8a: {  	s1 =	srdreg.scid  }
0x8b: {  	s0 =	sand.u32 $0x1, s1  }
0x8c: {  	s17 =	sshll.u32 s0, $0xA;
	s2 =	sadd.s32 s3, s2  }
0x8d: {  	s2 =	sadd.s32 s2, s17  }
0x8e: {  	[smem:$0x3FC3] =	sst s2  }
0x8f: {  	_ = 	snop  }
0x90: {  	s2 =	sld [smem:$0x3FD0];
	(tm) =	ssettm $0x1  }
0x91: {  	s18 =	sld [smem:$0x3FFB];
	_ =	sdelay $0x3  }
0x92: {  	_ =	strace s18  }
0x93: {  	s3 =	sld [smem:$0x3FFC];
	_ =	sdelay $0x3  }
0x94: {  	_ =	strace s3  }
0x95: {  	s3 =	sld [smem:$0x3FFD];
	_ =	sdelay $0x3  }
0x96: {  	_ =	strace s3  }
0x97: {  	_ =	strace $0x8FFFFFFF  }
0x98: {  	s19 =	sld [smem:$0x3FDB];
	_ =	sdelay $0x1  }
0x99: {  	s4 =	simm.s32 $_scs_section_size  }
0x9a: {  	s5 =	simm.s32 $_size__tile_overlayer_lowered;
	s6 =	simm.s32 $_tile_overlayer_lowered  }
0x9b: {  	s22 =	simm.s32 $0x1BFF;
	s21 =	sshll.u32 s6, $0x1;
	s3 =	sadd.s32 s4, s19  }
0x9c: {  	s7 =	simm.s32 $0x0;
	s20 =	sshll.u32 s5, $0x1;
	s5 =	sadd.s32 s21, s3  }
0x9d: {  	[timem:s7], [sflag:s22] =	dma.local [hbm:s5], s20  }
0x9e: {  	_ =	swait.ge [sflag:s22], s20  }
0x9f: {  	s4 =	ssub.s32 $0x0, s20;
	[sflag:s22] =	ssyncset.done $0x0  }
0xa0: {  	[sflag:s22] =	ssyncadd.s32 s4;
	_ =	sdelay $0x1  }
0xa1: {  	s23 =	simm.s32 $0x1B8B  }
0xa2: {  	_ =	swait.ge [sflag:s23], $0x1  }
0xa3: {  	[sflag:s23] =	ssyncset.done $0x0  }
0xa4: {  	s25 =	simm.s32 $0x1B8E;
	s24 =	sld [smem:$0x3FFE];
	[sflag:s23] =	ssyncadd.s32 $0xFFFFFFFF  }
0xa5: {  	s26 =	simm.s32 $execute0_lowered;
	[smem:$0x3FD2] =	sst s25  }
0xa6: {  	s5 =	sshll.u32 s26, $0x1;
	_ =	strace $0x80000049;
	[dreg:$0x1] =	wrdreg $0xFFFFFFFF  }
0xa7: {  	s28 =	simm.s32 $_size_execute0_lowered;
	s3 =	sadd.s32 s3, s5;
	[dreg:$0x0] =	wrdreg $0x0  }
0xa8: {  	s5 =	sshll.u32 s28, $0x1;
	[dreg:$0x2] =	wrdreg s3  }
0xa9: {  	[dreg:$0x3] =	wrdreg s5  }
0xaa: {  	[dreg:$0x4] =	wrdreg $0xC0  }
0xab: {  	_ =	task [dreg:s7], $0x5FFFF  }
0xac: {  	[dreg:$0x1] =	wrdreg $0xFFFFFFFF  }
0xad: {  	[dreg:$0x0] =	wrdreg $0x60  }
0xae: {  	[dreg:$0x2] =	wrdreg s24  }
0xaf: {  	[dreg:$0x3] =	wrdreg s2  }
0xb0: {  	[dreg:$0x4] =	wrdreg $0x50000  }
0xb1: {  	[dreg:$0x5] =	wrdreg $0x9  }
0xb2: {  	_ =	task.clear_ibuf [dreg:s7], $0x6FFFF;
	_ =	strace $0x90000049  }
0xb3: {  	s29 =	simm.s32 $0x9;
	_ =	strace $0x8000004B  }
0xb4: {  	_ =	swait.ge [sflag:s29], $0x1  }
0xb5: {  	[sflag:s29] =	ssyncadd.s32 $0xFFFFFFFF  }
0xb6: {  	_ =	strace $0x9000004B  }
0xb7: {  	_ =	sfence  }
0xb8: {  	s30 =	sld [smem:$0x0];
	_ =	sdelay $0x2  }
0xb9: {  	s31 =	sshll.u32 s1, $0xD;
	s1 =	sshrl.u32 s1, $0x2  }
0xba: {  	s3 =	sand.u32 $0x4000, s31;
	s1 =	sadd.s32 s1, s30  }
0xbb: {  	s0 =	sor.u32 s3, s0;
	s1 =	sshll.u32 s1, $0x11  }
0xbc: {  	s0 =	sor.u32 s1, s0  }
0xbd: {  	s0 =	sadd.s32 $0x8F2B, s0  }
0xbe: {  	[sflag:s0] =	ssyncadd.remote.s32 $0x1  }
0xbf: {  	_ =	sfence.sel $0xFFFF  }
0xc0: {  	[dreg:$0x0] =	wrdreg $0xFFFFFFFF;
	(pc) =	sbr.abs _section_cstart, $3  }
0xc1: {  	[dreg:$0x1] =	wrdreg $0xFFFFFFFF  }
0xc2: {  	_ =	task.clear_ibuf [dreg:s7], $0x2FFFF;
	_ =	strace $0x9FFFFFFF  }
0xc3: {  	(tm) =	ssettm $0x7FFFFFFF  }
tec
execute0_lowered:
.L_overlay_start_1:
0x0: {  	(tag) =	ssettag $0x1  }
0x1: {  	s0 =	rddreg [dreg:$0x0]  }
0x2: {  	s1 =	rddreg [dreg:$0x1]  }
0x3: {  	s2 =	rddreg [dreg:$0x2];
	s3 =	srdreg.scid;
	s15 =	simm.s32 $0x0  }
0x4: {  	s4 =	stileid.u32;
	s21 =	simm.s32 $0x1000;
	s28 =	simm.s32 $0x1  }
0x5: {  	s29 =	simm.s32 $0x80;
	s30 =	simm.s32 $0xF00;
	s10 =	smul.u32 $0xA000, s4  }
0x6: {  	s31 =	simm.s32 $0x2;
	s3 =	sand.u32 $0x1, s3;
	s9 =	smul.u32 $0x28000, s4  }
0x7: {  	[smem:$0x7FF] =	sst s15;
	s5 =	sadd.s32 $0x15200, s0;
	s12 =	smul.u32 $0x1E, s4  }
0x8: {  	s6 =	sadd.s32 $0x1200, s0;
	s7 =	sadd.s32 $0xB200, s0;
	s13 =	smul.u32 $0x82, s4  }
0x9: {  	s8 =	smul.u32 $0xA0000, s3;
	_ =	strace $0x8000004A;
	s11 =	ssub.s32 $0x2, s3  }
0xa: {  	p0 =	seq.s32 s3, $0x0;
	s26 =	sshrl.u32 s11, $0x1;
	s14 =	sshrl.u32 s9, $0x2  }
0xb: {  	s9 =	simm.s32 $0x82;
	s11 =	ssub.s32 s11, s26;
	s16 =	sadd.s32 s14, s2  }
0xc: {  	s20 =	sadd.s32 s10, s2;
	s22 =	smax.u32 s11, $0x1;
	[dreg:$0x5] =	wrdreg s16  }
0xd: {  	s8 =	sadd.s32 s10, s8;
	s23 =	sadd.s32 $0x2000, s16;
	[dreg:$0xa] =	wrdreg s22  }
0xe: {  	s9 =	simm.s32 @!p0 $0x1E;
	s24 =	sadd.s32 $0x4000, s16;
	[dreg:$0xb] =	wrdreg s23  }
0xf: {  	s8 =	sshrl.u32 s8, $0x3;
	s25 =	sadd.s32 $0x6000, s16;
	[dreg:$0xc] =	wrdreg s24  }
0x10: {  	s14 =	sshrl.u32 s9, $0x1;
	s26 =	sadd.s32 $0x8000, s16;
	[dreg:$0xd] =	wrdreg s25  }
0x11: {  	s0 =	sadd.s32 s8, s0;
	s8 =	sadd.s32 $0x820, s12;
	[dreg:$0xe] =	wrdreg s26  }
0x12: {  	s22 =	simm.s32 $0x5;
	s8 =	smov.u32 @p0 s13;
	s0 =	sadd.s32 $0x29200, s0  }
0x13: {  	s17 =	sshll.u32 s8, $0x4;
	[dreg:$0x9] =	wrdreg s0;
	s0 =	sshrl.u32 s20, $0x3  }
0x14: {  	s24 =	simm.s32 $0xA00;
	s18 =	sadd.s32 s1, s17;
	[dreg:$0xf] =	wrdreg s0  }
0x15: {  	s26 =	simm.s32 $0x3000;
	s19 =	sadd.s32 s6, s17;
	[dreg:$0x6] =	wrdreg s18  }
0x16: {  	s23 =	simm.s32 $0x3;
	s3 =	sadd.s32 s7, s17;
	[dreg:$0x7] =	wrdreg s19  }
0x17: {  	v0 =	vimm.f32 $0.0e+00;
	s0 =	simm.s32 $0xF80;
	[dreg:$0x8] =	wrdreg s3;
	s3 =	simm.s32 $0x4  }
.LBB2_1:
0x18: {  	[dreg:$0x4] =	wrdreg s15;
	s11 =	simm.s32 $0x100;
	s10 =	simm.s32 $0x0  }
.LBB2_2:
0x19: {  	p0 =	sne.s32 s11, $0x7F00;
	[tilespmem:s10+$0x1030] =	vst v0;
	s12 =	smov.u32 s11;
	s11 =	sadd.s32 $0x100, s11  }
.Ltmp0:
0x1a: {  	[tilespmem:s10+$0x1020] =	vst v0;
	(pc) =	sbr.rel @p0 .LBB2_2-.Ltmp0, $3  }
0x1b: {  	[tilespmem:s10+$0x1000] =	vst v0  }
0x1c: {  	[tilespmem:s10+$0x1010] =	vst v0;
	_ =	sdelay $0x1  }
0x1d: {  	s10 =	sshra.s32 s12, $0x2  }
0x1e: {  	[tilespmem:s10+$0x1030] =	vst v0  }
0x1f: {  	[tilespmem:s10+$0x1020] =	vst v0  }
0x20: {  	[tilespmem:s10+$0x1000] =	vst v0  }
0x21: {  	[tilespmem:s10+$0x1010] =	vst v0;
	s4 =	rddreg [dreg:$0x5]  }
0x22: {  	[spmem:s4] =	stream.linear.scatter [tilespmem:s21], [sflag:$0x5], $0x2000, $0x38;
	[tilespmem:$0xF000] =	vst v63  }
0x23: {  	_ =	swait.ge [sflag:s22], $0x2000  }
0x24: {  	[sflag:s22] =	ssyncset.done $0x0  }
0x25: {  	s13 =	rddreg [dreg:$0xb];
	[sflag:s22] =	ssyncadd.s32 $0xFFFFE000  }
0x26: {  	[spmem:s13] =	stream.linear.scatter [tilespmem:s21], [sflag:$0x5], $0x2000, $0x38;
	[tilespmem:$0xF000] =	vst v63  }
0x27: {  	_ =	swait.ge [sflag:s22], $0x2000  }
0x28: {  	[sflag:s22] =	ssyncset.done $0x0  }
0x29: {  	s15 =	rddreg [dreg:$0xc];
	[sflag:s22] =	ssyncadd.s32 $0xFFFFE000  }
0x2a: {  	[spmem:s15] =	stream.linear.scatter [tilespmem:s21], [sflag:$0x5], $0x2000, $0x38;
	[tilespmem:$0xF000] =	vst v63  }
0x2b: {  	_ =	swait.ge [sflag:s22], $0x2000  }
0x2c: {  	[sflag:s22] =	ssyncset.done $0x0  }
0x2d: {  	s16 =	rddreg [dreg:$0xd];
	[sflag:s22] =	ssyncadd.s32 $0xFFFFE000  }
0x2e: {  	[spmem:s16] =	stream.linear.scatter [tilespmem:s21], [sflag:$0x5], $0x2000, $0x38;
	[tilespmem:$0xF000] =	vst v63  }
0x2f: {  	_ =	swait.ge [sflag:s22], $0x2000  }
0x30: {  	[sflag:s22] =	ssyncset.done $0x0  }
0x31: {  	s17 =	rddreg [dreg:$0xe];
	[sflag:s22] =	ssyncadd.s32 $0xFFFFE000  }
0x32: {  	[spmem:s17] =	stream.linear.scatter [tilespmem:s21], [sflag:$0x5], $0x2000, $0x38;
	[tilespmem:$0xF000] =	vst v63  }
0x33: {  	_ =	swait.ge [sflag:s22], $0x2000  }
0x34: {  	[sflag:s22] =	ssyncset.done $0x0  }
0x35: {  	[sflag:s22] =	ssyncadd.s32 $0xFFFFE000  }
0x36: {  	[bflag:$0x0] =	sbarrier.arrive $0xFFFF  }
0x37: {  	s11 =	simm.s32 $0x0;
	s18 =	rddreg [dreg:$0x6]  }
0x38: {  	[tilespmem:s11], [sflag:$0x5] =	stream.linear.gather [hbm4b:s18+s11], $0x500, $0x38;
	[tilespmem:$0xF000] =	vst v63  }
0x39: {  	_ =	swait.ge [sflag:s22], $0x500  }
0x3a: {  	[sflag:s22] =	ssyncset.done $0x0  }
0x3b: {  	s20 =	simm.s32 $0x500;
	s19 =	rddreg [dreg:$0x7];
	[sflag:s22] =	ssyncadd.s32 $0xFFFFFB00  }
0x3c: {  	[tilespmem:s20], [sflag:$0x5] =	stream.linear.gather [hbm4b:s19+s11], $0x500, $0x38;
	[tilespmem:$0xF000] =	vst v63  }
0x3d: {  	_ =	swait.ge [sflag:s22], $0x500  }
0x3e: {  	[sflag:s22] =	ssyncset.done $0x0  }
0x3f: {  	s25 =	rddreg [dreg:$0x8];
	[sflag:s22] =	ssyncadd.s32 $0xFFFFFB00  }
0x40: {  	[tilespmem:s24], [sflag:$0x5] =	stream.linear.gather [hbm4b:s25+s11], $0x500, $0x38;
	[tilespmem:$0xF000] =	vst v63  }
0x41: {  	_ =	swait.ge [sflag:s22], $0x500  }
0x42: {  	[sflag:s22] =	ssyncset.done $0x0  }
0x43: {  	s12 =	simm.s32 $0x80;
	[sflag:s22] =	ssyncadd.s32 $0xFFFFFB00  }
0x44: {  	[tilespmem:s21], [sflag:$0x1] =	stream.indirect.gather [hbm4b:s5+s12], $0x40, s11, s12, $0xb8;
	[tilespmem:$0xF000] =	vst v63  }
0x45: {  	s13 =	simm.s32 $0x0;
	s15 =	simm.s32 $0x0  }
0x46: {  	[tilespmem:s26], [sflag:$0x2] =	stream.indirect.gather [hbm4b:s5+s12], $0x40, s12, s12, $0xb8;
	[tilespmem:$0xF000] =	vst v63  }
.LBB2_4:
0x47: {  	s10 =	smulhi.u32 $0xCCCCCCCD, s11;
	_ =	sdelay $0x1  }
0x48: {  	s10 =	sshrl.u32 s10, $0x3  }
0x49: {  	s10 =	smul.u32 $0x500, s10;
	_ =	sdelay $0x1  }
0x4a: {  	s20 =	ssub.s32 s13, s10  }
0x4b: {  	s16 =	sadd.s32 $0x0, s20  }
0x4c: {  	_ =	swait.ge [sflag:s28], $0x2000;
	v1 =	vmov s16  }
0x4d: {  	[sflag:s28] =	ssyncset.done $0x0  }
0x4e: {  	s19 =	simm.s32 $0x1020;
	[sflag:s28] =	ssyncadd.s32 $0xFFFFE000  }
0x4f: {  	v3 =	vld [tilespmem:s19+$0xFFFFFFF0]  }
0x50: {  	v4 =	vld [tilespmem:s19+$0x10]  }
0x51: {  	s16 =	sshll.u32 s15, $0x1;
	v6 =	vld.idx.msk [tilespmem:v1+s24+$0x0], $0xffff  }
0x52: {  	s17 =	smulhi.u32 $0xCCCCCCCD, s16;
	v1 =	vld [tilespmem:s19+$0xFFFFFFE0]  }
0x53: {  	v7 =	vld [tilespmem:s19+$0x0]  }
0x54: {  	s17 =	sshrl.u32 s17, $0x3  }
0x55: {  	s18 =	smul.u32 $0xA, s17;
	_ =	sdelay $0x1  }
0x56: {  	s4 =	sadd.s32 $0x1, s20;
	s17 =	ssub.s32 s12, s10;
	s25 =	ssub.s32 s16, s18;
	v2 =	vmul.f32 v1, v6;
	v5 =	vmul.f32 v4, v6  }
0x57: {  	s10 =	simm.s32 $0x1020;
	s18 =	sshll.u32 s25, $0x7;
	s25 =	simm.s32 $0x2;
	v1 =	vmov s4;
	v4 =	vmul.f32 v3, v6;
	v3 =	vmul.f32 v7, v6  }
.LBB2_5:
0x58: {  	p0 =	sne.s32 s25, $0x7F  }
0x59: {  	[tilespmem:s19+$0x10] =	vst v5;
	s10 =	sadd.s32 $0x40, s10;
	s4 =	smov.u32 s25;
	s25 =	sadd.s32 $0x1, s25  }
0x5a: {  	[tilespmem:s19+$0xFFFFFFE0] =	vst v2  }
0x5b: {  	v6 =	vld [tilespmem:s10+$0xFFFFFFF0];
	[tilespmem:s19+$0xFFFFFFF0] =	vst v4  }
0x5c: {  	v4 =	vld [tilespmem:s10+$0x10];
	[tilespmem:s19+$0x0] =	vst v3;
	s19 =	smov.u32 s10  }
0x5d: {  	v3 =	vld.idx.msk [tilespmem:v1+s24+$0x0], $0xffff  }
0x5e: {  	v1 =	vld [tilespmem:s10+$0xFFFFFFE0]  }
0x5f: {  	v7 =	vld [tilespmem:s10+$0x0]  }
.Ltmp1:
0x60: {  	(pc) =	sbr.rel @p0 .LBB2_5-.Ltmp1, $3  }
0x61: {  	_ =	sdelay $0x1  }
0x62: {  	s4 =	sadd.s32 s4, s20;
	v5 =	vmul.f32 v4, v3;
	v2 =	vmul.f32 v1, v3  }
0x63: {  	v4 =	vmul.f32 v6, v3;
	v1 =	vmov s4;
	v3 =	vmul.f32 v7, v3  }
0x64: {  	[tilespmem:s19+$0x10] =	vst v5  }
0x65: {  	s4 =	sadd.s32 $0x40, s10;
	[tilespmem:s19+$0xFFFFFFE0] =	vst v2  }
0x66: {  	v2 =	vld [tilespmem:s4+$0xFFFFFFF0];
	[tilespmem:s19+$0xFFFFFFF0] =	vst v4  }
0x67: {  	v4 =	vld [tilespmem:s4+$0x10];
	[tilespmem:s19+$0x0] =	vst v3  }
0x68: {  	v1 =	vld.idx.msk [tilespmem:v1+s24+$0x0], $0xffff  }
0x69: {  	v3 =	vld [tilespmem:s4+$0xFFFFFFE0];
	_ =	sdelay $0x1  }
0x6a: {  	v5 =	vld [tilespmem:s4+$0x0];
	_ =	sdelay $0x1  }
0x6b: {  	v4 =	vmul.f32 v4, v1  }
0x6c: {  	v3 =	vmul.f32 v3, v1  }
0x6d: {  	v2 =	vmul.f32 v2, v1;
	[tilespmem:s4+$0x10] =	vst v4  }
0x6e: {  	v1 =	vmul.f32 v5, v1;
	[tilespmem:s4+$0xFFFFFFE0] =	vst v3  }
0x6f: {  	[tilespmem:s4+$0xFFFFFFF0] =	vst v2  }
0x70: {  	[tilespmem:s4+$0x0] =	vst v1  }
0x71: {  	v1 =	vld [tilespmem:s18+$0x500];
	_ =	sdelay $0x4  }
0x72: {  	[tilespmem:$0xF00] =	vst v1  }
0x73: {  	v1 =	vld [tilespmem:s18+$0x510];
	_ =	sdelay $0x4  }
0x74: {  	[tilespmem:$0xF10] =	vst v1  }
0x75: {  	v1 =	vld [tilespmem:s18+$0x520];
	_ =	sdelay $0x4  }
0x76: {  	[tilespmem:$0xF20] =	vst v1  }
0x77: {  	v1 =	vld [tilespmem:s18+$0x530];
	_ =	sdelay $0x4  }
0x78: {  	[tilespmem:$0xF30] =	vst v1  }
0x79: {  	v1 =	vld [tilespmem:s18+$0x540];
	_ =	sdelay $0x4  }
0x7a: {  	[tilespmem:$0xF40] =	vst v1  }
0x7b: {  	v1 =	vld [tilespmem:s18+$0x550];
	_ =	sdelay $0x4  }
0x7c: {  	[tilespmem:$0xF50] =	vst v1  }
0x7d: {  	v1 =	vld [tilespmem:s18+$0x560];
	_ =	sdelay $0x4  }
0x7e: {  	[tilespmem:$0xF60] =	vst v1  }
0x7f: {  	v1 =	vld [tilespmem:s18+$0x570];
	_ =	sdelay $0x4  }
0x80: {  	s10 =	sadd.s32 $0x0, s17;
	[tilespmem:$0xF70] =	vst v1  }
0x81: {  	[spmem:s2] =	stream.indirect.scatter.add.f32 [tilespmem:s21], [sflag:$0x3], $0x40, s30, s29, $0xb8;
	[tilespmem:$0xF000] =	vst v63  }
0x82: {  	v1 =	vmov s10;
	_ =	swait.ge [sflag:s31], $0x2000  }
0x83: {  	[sflag:s31] =	ssyncset.done $0x0  }
0x84: {  	s19 =	simm.s32 $0x3020;
	[sflag:s31] =	ssyncadd.s32 $0xFFFFE000  }
0x85: {  	v3 =	vld [tilespmem:s19+$0xFFFFFFF0]  }
0x86: {  	v4 =	vld [tilespmem:s19+$0x10]  }
0x87: {  	s18 =	sor.u32 $0x1, s16;
	v6 =	vld.idx.msk [tilespmem:v1+s24+$0x0], $0xffff  }
0x88: {  	s20 =	smulhi.u32 $0xCCCCCCCD, s18;
	v1 =	vld [tilespmem:s19+$0xFFFFFFE0]  }
0x89: {  	v7 =	vld [tilespmem:s19+$0x0]  }
0x8a: {  	s10 =	sshrl.u32 s20, $0x3  }
0x8b: {  	s10 =	smul.u32 $0xA, s10;
	_ =	sdelay $0x1  }
0x8c: {  	s25 =	sadd.s32 $0x1, s17;
	s4 =	ssub.s32 s18, s10;
	v2 =	vmul.f32 v1, v6;
	v5 =	vmul.f32 v4, v6  }
0x8d: {  	s20 =	simm.s32 $0x2;
	s10 =	simm.s32 $0x3020;
	s18 =	sshll.u32 s4, $0x7;
	v1 =	vmov s25;
	v4 =	vmul.f32 v3, v6;
	v3 =	vmul.f32 v7, v6  }
.LBB2_7:
0x8e: {  	p0 =	sne.s32 s20, $0x7F  }
0x8f: {  	[tilespmem:s19+$0x10] =	vst v5;
	s10 =	sadd.s32 $0x40, s10;
	s4 =	smov.u32 s20;
	s20 =	sadd.s32 $0x1, s20  }
0x90: {  	[tilespmem:s19+$0xFFFFFFE0] =	vst v2  }
0x91: {  	v6 =	vld [tilespmem:s10+$0xFFFFFFF0];
	[tilespmem:s19+$0xFFFFFFF0] =	vst v4  }
0x92: {  	v4 =	vld [tilespmem:s10+$0x10];
	[tilespmem:s19+$0x0] =	vst v3;
	s19 =	smov.u32 s10  }
0x93: {  	v3 =	vld.idx.msk [tilespmem:v1+s24+$0x0], $0xffff  }
0x94: {  	v1 =	vld [tilespmem:s10+$0xFFFFFFE0]  }
0x95: {  	v7 =	vld [tilespmem:s10+$0x0]  }
.Ltmp2:
0x96: {  	(pc) =	sbr.rel @p0 .LBB2_7-.Ltmp2, $3  }
0x97: {  	_ =	sdelay $0x1  }
0x98: {  	s4 =	sadd.s32 s4, s17;
	v5 =	vmul.f32 v4, v3;
	v2 =	vmul.f32 v1, v3  }
0x99: {  	v4 =	vmul.f32 v6, v3;
	v1 =	vmov s4;
	v3 =	vmul.f32 v7, v3  }
0x9a: {  	[tilespmem:s19+$0x10] =	vst v5  }
0x9b: {  	s4 =	sadd.s32 $0x40, s10;
	[tilespmem:s19+$0xFFFFFFE0] =	vst v2  }
0x9c: {  	v2 =	vld [tilespmem:s4+$0xFFFFFFF0];
	[tilespmem:s19+$0xFFFFFFF0] =	vst v4  }
0x9d: {  	v4 =	vld [tilespmem:s4+$0x10];
	[tilespmem:s19+$0x0] =	vst v3  }
0x9e: {  	v1 =	vld.idx.msk [tilespmem:v1+s24+$0x0], $0xffff  }
0x9f: {  	v3 =	vld [tilespmem:s4+$0xFFFFFFE0];
	_ =	sdelay $0x1  }
0xa0: {  	v5 =	vld [tilespmem:s4+$0x0];
	_ =	sdelay $0x1  }
0xa1: {  	v4 =	vmul.f32 v4, v1  }
0xa2: {  	v3 =	vmul.f32 v3, v1  }
0xa3: {  	v2 =	vmul.f32 v2, v1;
	[tilespmem:s4+$0x10] =	vst v4  }
0xa4: {  	v1 =	vmul.f32 v5, v1;
	[tilespmem:s4+$0xFFFFFFE0] =	vst v3  }
0xa5: {  	[tilespmem:s4+$0xFFFFFFF0] =	vst v2  }
0xa6: {  	[tilespmem:s4+$0x0] =	vst v1  }
0xa7: {  	v1 =	vld [tilespmem:s18+$0x500];
	_ =	sdelay $0x4  }
0xa8: {  	[tilespmem:$0xF80] =	vst v1  }
0xa9: {  	v1 =	vld [tilespmem:s18+$0x510];
	_ =	sdelay $0x4  }
0xaa: {  	[tilespmem:$0xF90] =	vst v1  }
0xab: {  	v1 =	vld [tilespmem:s18+$0x520];
	_ =	sdelay $0x4  }
0xac: {  	[tilespmem:$0xFA0] =	vst v1  }
0xad: {  	v1 =	vld [tilespmem:s18+$0x530];
	_ =	sdelay $0x4  }
0xae: {  	[tilespmem:$0xFB0] =	vst v1  }
0xaf: {  	v1 =	vld [tilespmem:s18+$0x540];
	_ =	sdelay $0x4  }
0xb0: {  	[tilespmem:$0xFC0] =	vst v1  }
0xb1: {  	v1 =	vld [tilespmem:s18+$0x550];
	_ =	sdelay $0x4  }
0xb2: {  	[tilespmem:$0xFD0] =	vst v1  }
0xb3: {  	v1 =	vld [tilespmem:s18+$0x560];
	_ =	sdelay $0x4  }
0xb4: {  	[tilespmem:$0xFE0] =	vst v1  }
0xb5: {  	s4 =	sadd.s32 $0x2, s16;
	v1 =	vld [tilespmem:s18+$0x570]  }
0xb6: {  	p0 =	sge.u32 s4, s9  }
0xb7: {  	s10 =	smulhi.u32 @!p0 $0xCCCCCCCD, s4;
	_ =	sdelay $0x1  }
0xb8: {  	s10 =	sshrl.u32 @!p0 s10, $0x3  }
0xb9: {  	s10 =	smul.u32 @!p0 $0xA, s10;
	[tilespmem:$0xFF0] =	vst v1  }
0xba: {  	[spmem:s2] =	stream.indirect.scatter.add.f32 [tilespmem:s26], [sflag:$0x4], $0x40, s0, s29, $0xb8;
	[tilespmem:$0xF000] =	vst v63  }
0xbb: {  	s10 =	ssub.s32 @!p0 s4, s10;
	_ =	swait.ge [sflag:s23], $0x2000  }
0xbc: {  	p1 =	sne.s32 @!p0 s10, $0x0;
	[sflag:s23] =	ssyncset.done $0x0  }
0xbd: {  	p1 =	por p1, p0;
	[sflag:s23] =	ssyncadd.s32 $0xFFFFE000  }
0xbe: {  	s4 =	sadd.s32 @!p1 s8, s4;
	_ =	swait.ge [sflag:s3], $0x2000  }
0xbf: {  	s4 =	sshll.u32 @!p1 s4, $0x4;
	[sflag:s3] =	ssyncset.done $0x0  }
0xc0: {  	s17 =	sadd.s32 @!p1 s1, s4;
	s18 =	simm.s32 @!p1 $0x0;
	[sflag:s3] =	ssyncadd.s32 $0xFFFFE000  }
0xc1: {  	[tilespmem:s18], [sflag:$0x5] =	stream.linear.gather @!p1 [hbm4b:s17+s18], $0x500, $0x38;
	[tilespmem:$0xF000] =	vst v63  }
0xc2: {  	s17 =	simm.s32 @!p1 $0x5  }
0xc3: {  	_ =	swait.ge @!p1 [sflag:s17], $0x500  }
0xc4: {  	[sflag:s17] =	ssyncset.done @!p1 $0x0  }
0xc5: {  	s20 =	simm.s32 @!p1 $0x500;
	s19 =	sadd.s32 @!p1 s6, s4;
	[sflag:s17] =	ssyncadd.s32 @!p1 $0xFFFFFB00  }
0xc6: {  	[tilespmem:s20], [sflag:$0x5] =	stream.linear.gather @!p1 [hbm4b:s19+s18], $0x500, $0x38;
	[tilespmem:$0xF000] =	vst v63  }
0xc7: {  	_ =	swait.ge @!p1 [sflag:s17], $0x500  }
0xc8: {  	[sflag:s17] =	ssyncset.done @!p1 $0x0  }
0xc9: {  	s4 =	sadd.s32 @!p1 s7, s4;
	s19 =	simm.s32 @!p1 $0xA00;
	[sflag:s17] =	ssyncadd.s32 @!p1 $0xFFFFFB00  }
0xca: {  	[tilespmem:s19], [sflag:$0x5] =	stream.linear.gather @!p1 [hbm4b:s4+s18], $0x500, $0x38;
	[tilespmem:$0xF000] =	vst v63  }
0xcb: {  	s4 =	sadd.s32 @!p0 $0x3, s16  }
0xcc: {  	s10 =	sshll.u32 @!p0 s10, $0x7;
	s16 =	smulhi.u32 @!p0 $0xCCCCCCCD, s4  }
0xcd: {  	s10 =	sand.u32 @!p0 $0x3FFFFF80, s10;
	_ =	swait.ge @!p1 [sflag:s17], $0x500  }
0xce: {  	s18 =	simm.s32 @!p0 $0x1000;
	[sflag:s17] =	ssyncset.done @!p1 $0x0;
	s16 =	sshrl.u32 @!p0 s16, $0x3  }
0xcf: {  	[sflag:s17] =	ssyncadd.s32 @!p1 $0xFFFFFB00;
	s17 =	simm.s32 @!p0 $0x80;
	s16 =	smul.u32 @!p0 $0xA, s16  }
0xd0: {  	[tilespmem:s18], [sflag:$0x1] =	stream.indirect.gather @!p0 [hbm4b:s5+s17], $0x40, s10, s17, $0xb8;
	[tilespmem:$0xF000] =	vst v63  }
0xd1: {  	s4 =	ssub.s32 @!p0 s4, s16  }
0xd2: {  	s15 =	sadd.s32 $0x1, s15;
	s10 =	simm.s32 @!p0 $0x3000;
	s4 =	sshll.u32 @!p0 s4, $0x7  }
0xd3: {  	[tilespmem:s10], [sflag:$0x2] =	stream.indirect.gather @!p0 [hbm4b:s5+s17], $0x40, s4, s17, $0xb8;
	[tilespmem:$0xF000] =	vst v63  }
0xd4: {  	p0 =	sne.s32 s15, s14  }
.Ltmp3:
0xd5: {  	_ = 	snop;
	(pc) =	sbr.rel @p0 .LBB2_4-.Ltmp3, $2  }
0xd6: {  	_ =	sdelay $0x2  }
0xd7: {  	s13 =	sadd.s32 $0x100, s13;
	s11 =	sadd.s32 $0x2, s11;
	s12 =	sadd.s32 $0x100, s12  }
0xd8: {  	s4 =	stileid.u32;
	[bflag:$0x0] =	sbarrier.arrive $0xFFFF  }
0xd9: {  	s4 =	sshll.u32 s4, $0x6;
	s10 =	rddreg [dreg:$0x9]  }
0xda: {  	s11 =	rddreg [dreg:$0xf];
	s4 =	sor.u32 $0x1C05, s4  }
0xdb: {  	[hbm:s10], [sflag:s4] =	dma.local [spmem:s11], $0x1400  }
0xdc: {  	_ =	swait.ge [sflag:s22], $0x1400  }
0xdd: {  	s15 =	rddreg [dreg:$0x4]  }
0xde: {  	s25 =	rddreg [dreg:$0xa];
	s15 =	sadd.s32 $0x1, s15  }
0xdf: {  	p0 =	sne.s32 s15, s25  }
.Ltmp4:
0xe0: {  	_ = 	snop;
	(pc) =	sbr.rel @p0 .LBB2_1-.Ltmp4, $3  }
0xe1: {  	_ =	sdelay $0x1  }
0xe2: {  	[sflag:s22] =	ssyncset.done $0x0  }
0xe3: {  	[sflag:s22] =	ssyncadd.s32 $0xFFFFEC00  }
0xe4: {  	_ =	sfence.sel $0x180000  }
0xe5: {  	[bflag:$0x0] =	sbarrier.arrive $0xFFFF  }
0xe6: {  	_ =	strace $0x9000004A  }
0xe7: {  	s0 =	stileid.u32;
	[bflag:$0x2] =	sbarrier.arrive $0xFFFF  }
0xe8: {  	p0 =	sne.s32 s0, $0x0;
	s0 =	rddreg [dreg:$0x3]  }
0xe9: {  	s0 =	sadd.s32 @!p0 $0x100000, s0  }
0xea: {  	[sflag:s0] =	ssyncadd.tile.s32 @!p0 $0x1;
	_ =	shalt  }
.Lfunc_end2:
_tile_overlayer_lowered:
.L_overlay_start_2:
0xeb: {  	(tag) =	ssettag $0x2  }
0xec: {  	s0 =	rddreg [dreg:$0x0];
	s2 =	stileid.u32  }
0xed: {  	s1 =	rddreg [dreg:$0x1];
	p0 =	sne.s32 s2, $0x0  }
0xee: {  	s3 =	rddreg [dreg:$0x2];
	[bflag:$0x3] =	sbarrier.arrive $0xFFFF;
	s2 =	simm.s32 @!p0 $0x1C05  }
0xef: {  	[timem:s3], [sflag:s2] =	dma.local @!p0 [hbm:s0], s1  }
0xf0: {  	s0 =	simm.s32 @!p0 $0x5  }
0xf1: {  	_ =	swait.ge @!p0 [sflag:s0], s1  }
0xf2: {  	s1 =	ssub.s32 @!p0 $0x0, s1;
	[sflag:s0] =	ssyncset.done @!p0 $0x0  }
0xf3: {  	[sflag:s0] =	ssyncadd.s32 @!p0 s1  }
0xf4: {  	[bflag:$0x3] =	sbarrier.arrive $0xFFFF  }
0xf5: {  	_ =	shalt  }

</sc_bundles>
